<compile_context>
chip_gen: v7x
topology: tpu7x:2x2x1
jax: 0.10.2.dev20260603
libtpu: 0.0.44.dev20260713+nightly
codegen_flags: <defaults>
</compile_context>

<pallas_src>
import functools

import jax
import jax.numpy as jnp
from jax import lax
from jax.experimental import pallas as pl
from jax.experimental.pallas import tpu as pltpu
from jax.experimental.pallas import tpu_sc as plsc

NA = 8192
NB = 8192
NPLANES = 112
K = 5

RB = 256
CB = 2048
NRB = NA // RB
NCB = NB // CB
BIG = 1e9

NC = 2
NS = 16
NW = NC * NS
QPW = NA // NW
PPW = QPW * K
CHUNK = 128
NCHUNK = PPW // CHUNK
IDX_ROWS = NA * K // 128


def _top5_body(a_ref, b_ref, bsq_ref, fb_ref, wb_ref,
               idx_ref, tmpd_ref, w_ref, reg_ref):
    c = pl.program_id(1)

    @pl.when(c == 0)
    def _init():
        reg_ref[...] = jnp.full((K, RB, 128), BIG, jnp.float32)
        logit = jnp.sum(fb_ref[...] * wb_ref[0:1, :], axis=1, keepdims=True)
        logit = logit + wb_ref[1:2, 0:1]
        w_ref[...] = jnp.broadcast_to(jax.nn.sigmoid(logit), (RB, 128))

    a_f32 = a_ref[...].astype(jnp.float32)
    an = 0.25 * jnp.sum(a_f32 * a_f32, axis=1, keepdims=True)
    bsq = bsq_ref[...]
    bn = jnp.sum(bsq * bsq, axis=0, keepdims=True)
    ab2 = jnp.dot(a_ref[...], b_ref[...], preferred_element_type=jnp.float32)
    d2 = (ab2 + an) + bn
    col = (lax.broadcasted_iota(jnp.int32, (RB, CB), 1) + c * CB).astype(jnp.float32)
    keys = jnp.minimum(d2, 256.0) * 8192.0 + col

    regs = [reg_ref[t] for t in range(K)]
    for g in range(CB // 128):
        v = keys[:, g * 128:(g + 1) * 128]
        for t in range(K):
            nr = jnp.minimum(regs[t], v)
            if t < K - 1:
                v = jnp.maximum(regs[t], v)
            regs[t] = nr
    for t in range(K):
        reg_ref[t] = regs[t]

    @pl.when(c == NCB - 1)
    def _fin():
        vals = jnp.concatenate(regs, axis=1)
        ms = []
        for _ in range(K):
            m = jnp.min(vals, axis=1, keepdims=True)
            ms.append(m)
            vals = jnp.where(vals == m, BIG, vals)
        key5 = jnp.concatenate(ms, axis=1)
        d2c = jnp.floor(key5 * (1.0 / 8192.0))
        jidx = key5 - d2c * 8192.0
        tmpd = 1.0 - jnp.sqrt(d2c) * (1.0 / 16.0)
        zpad = jnp.zeros((RB, 128 - K), jnp.float32)
        idx_ref[...] = jnp.concatenate([jidx, zpad], axis=1).astype(jnp.int32)
        tmpd_ref[...] = jnp.concatenate([tmpd, zpad], axis=1)


def _phase1(a_bf, b_bf, b_f32, fb_pad, wb_pad):
    return pl.pallas_call(
        _top5_body,
        grid=(NRB, NCB),
        in_specs=[
            pl.BlockSpec((RB, 128), lambda r, c: (r, 0)),
            pl.BlockSpec((128, CB), lambda r, c: (0, c)),
            pl.BlockSpec((8, CB), lambda r, c: (0, c)),
            pl.BlockSpec((RB, 128), lambda r, c: (r, 0)),
            pl.BlockSpec((8, 128), lambda r, c: (0, 0)),
        ],
        out_specs=[
            pl.BlockSpec((RB, 128), lambda r, c: (r, 0)),
            pl.BlockSpec((RB, 128), lambda r, c: (r, 0)),
            pl.BlockSpec((RB, 128), lambda r, c: (r, 0)),
        ],
        out_shape=[
            jax.ShapeDtypeStruct((NA, 128), jnp.int32),
            jax.ShapeDtypeStruct((NA, 128), jnp.float32),
            jax.ShapeDtypeStruct((NA, 128), jnp.float32),
        ],
        scratch_shapes=[pltpu.VMEM((K, RB, 128), jnp.float32)],
        compiler_params=pltpu.CompilerParams(
            dimension_semantics=("parallel", "arbitrary"),
        ),
    )(a_bf, b_bf, b_f32, fb_pad, wb_pad)


def _sc_combine(idx2d, tmpd_flat, w_vec, fb_pad):
    mesh = plsc.VectorSubcoreMesh(core_axis_name="c", subcore_axis_name="s")

    @functools.partial(
        pl.kernel,
        mesh=mesh,
        out_type=jax.ShapeDtypeStruct((NA, NPLANES), jnp.float32),
        scratch_types=[
            pltpu.VMEM((NCHUNK, CHUNK), jnp.int32),
            pltpu.VMEM((PPW,), jnp.float32),
            pltpu.VMEM((PPW,), jnp.float32),
            pltpu.VMEM((NB,), jnp.float32),
            pltpu.VMEM((CHUNK, 128), jnp.float32),
            pltpu.VMEM((CHUNK, 128), jnp.float32),
            pltpu.VMEM((QPW, NPLANES), jnp.float32),
            pltpu.SemaphoreType.DMA,
            pltpu.SemaphoreType.DMA,
        ],
        compiler_params=pltpu.CompilerParams(needs_layout_passes=False),
    )
    def k(idx_hbm, tmpd_hbm, w_hbm, fb_hbm, out_hbm,
          idx_v, tmpd_v, coef_v, w_v, buf0, buf1, agg_v, sem0, sem1):
        wid = lax.axis_index("s") * NC + lax.axis_index("c")
        base_p = wid * PPW
        base_q = wid * QPW

        pltpu.sync_copy(w_hbm, w_v)
        pltpu.sync_copy(idx_hbm.at[wid], idx_v)
        pltpu.sync_copy(tmpd_hbm.at[pl.ds(base_p, PPW)], tmpd_v)

        def coef_body(i, _):
            row = i // (CHUNK // 16)
            off = (i % (CHUNK // 16)) * 16
            iv = idx_v[row, pl.ds(off, 16)]
            wv = plsc.load_gather(w_v, [iv])
            s = pl.ds(i * 16, 16)
            coef_v[s] = tmpd_v[s] * wv
            return 0
        lax.fori_loop(0, PPW // 16, coef_body, 0)

        def zero_body(q, _):
            for c7 in range(NPLANES // 16):
                agg_v[q, pl.ds(c7 * 16, 16)] = jnp.zeros((16,), jnp.float32)
            return 0
        lax.fori_loop(0, QPW, zero_body, 0)

        bufs = (buf0, buf1)
        sems = (sem0, sem1)
        copies = [None, None]
        copies[0] = pltpu.async_copy(fb_hbm.at[idx_v.at[0]], buf0, sem0)
        for chunk in range(NCHUNK):
            cur = chunk % 2
            if chunk + 1 < NCHUNK:
                nxt = (chunk + 1) % 2
                copies[nxt] = pltpu.async_copy(
                    fb_hbm.at[idx_v.at[chunk + 1]], bufs[nxt], sems[nxt])
            copies[cur].wait()
            buf = bufs[cur]

            def acc_body(p2, _):
                p = chunk * CHUNK + p2
                q = p // K
                cf = plsc.load_gather(coef_v, [jnp.broadcast_to(p, (16,))])
                for c7 in range(NPLANES // 16):
                    s = pl.ds(c7 * 16, 16)
                    agg_v[q, s] = agg_v[q, s] + cf * buf[p2, s]
                return 0
            lax.fori_loop(0, CHUNK, acc_body, 0)

        pltpu.sync_copy(agg_v, out_hbm.at[pl.ds(base_q, QPW)])

    return k(idx2d, tmpd_flat, w_vec, fb_pad)


def kernel(coords_a, coords_b, point_idx_a, point_idx_b, feats_a, feats_b, fc_w, fc_b):
    del point_idx_a, point_idx_b
    a_bf = jnp.pad((-2.0 * coords_a.astype(jnp.float32)).astype(jnp.bfloat16),
                   ((0, 0), (0, 128 - 3)))
    cbt = coords_b.astype(jnp.float32).T
    b_bf = jnp.pad(cbt.astype(jnp.bfloat16), ((0, 128 - 3), (0, 0)))
    b_f32 = jnp.pad(cbt, ((0, 8 - 3), (0, 0)))
    fb_pad = jnp.pad(feats_b, ((0, 0), (0, 128 - NPLANES)))
    wb_pad = jnp.zeros((8, 128), jnp.float32)
    wb_pad = wb_pad.at[0, :NPLANES].set(fc_w[0])
    wb_pad = wb_pad.at[1, 0].set(fc_b[0])

    idx128, tmpd128, w128 = _phase1(a_bf, b_bf, b_f32, fb_pad, wb_pad)

    idx2d = idx128[:, :K].reshape(NW, NCHUNK, 128)
    tmpd_flat = tmpd128[:, :K].reshape(-1)
    w_vec = w128[:, 0]

    agg = _sc_combine(idx2d, tmpd_flat, w_vec, fb_pad)
    return jnp.concatenate([feats_a, agg], axis=1)

# --- scband reference (transcript-rebuilt; emitter-appended) ---
"""Pipeline reference for scband-dist-match-layer-v3-2-73461120631383 (READ-ONLY COPY).

The authoritative reference and input builder live on the scoring server;
editing this copy changes nothing except your own understanding.
"""

import jax, jax.numpy as jnp
import numpy as np

NA = 8192
NB = 8192
NPLANES = 112
FULL_SCALE = 32
K = 5


def setup_inputs(seed: int = 0):
    key = jax.random.key(seed)
    ks = jax.random.split(key, 6)
    coords_a = jax.random.randint(ks[0], (NA, 3), 0, FULL_SCALE, dtype=jnp.int32)
    coords_b = jax.random.randint(ks[1], (NB, 3), 0, FULL_SCALE, dtype=jnp.int32)
    point_idx_a = jnp.zeros((NA,), dtype=jnp.int32)
    point_idx_b = jnp.zeros((NB,), dtype=jnp.int32)
    feats_a = jax.random.normal(ks[2], (NA, NPLANES), dtype=jnp.float32)
    feats_b = jax.random.normal(ks[3], (NB, NPLANES), dtype=jnp.float32)
    fc_w = jax.random.normal(ks[4], (1, NPLANES), dtype=jnp.float32) * (1.0 / np.sqrt(NPLANES))
    fc_b = jnp.zeros((1,), dtype=jnp.float32)
    return {"coords_a": coords_a, "coords_b": coords_b, "point_idx_a": point_idx_a, "point_idx_b": point_idx_b, "feats_a": feats_a, "feats_b": feats_b, "fc_w": fc_w, "fc_b": fc_b}


def _pairwise_l2(x, y, full_scale):
    x_norm = jnp.sum(x * x, axis=1)[:, None]
    y_norm = jnp.sum(y * y, axis=1)[None, :]
    dist = x_norm + y_norm - 2.0 * (x @ y.T)
    return jnp.sqrt(jnp.clip(dist, 0.0, np.inf)) / float(full_scale)


def reference(coords_a, coords_b, point_idx_a, point_idx_b, feats_a, feats_b, fc_w, fc_b):
    # Single batch instance: all point_idx == 0, so the original per-batch loop
    # runs exactly one iteration covering all points.
    ca = coords_a.astype(jnp.float32)
    cb = coords_b.astype(jnp.float32)
    dist = _pairwise_l2(ca, cb, FULL_SCALE)
    dist = jnp.clip(dist, 0.0, 0.5)
    # argsort(dist, 1)[:, :K] == indices of K smallest distances per row
    neg_vals, idx_pick = jax.lax.top_k(-dist, K)
    tmp_d = (0.5 + neg_vals) * 2.0  # == (0.5 - gathered_dist) * 2
    tmp_f = jnp.take(feats_b, idx_pick.reshape(-1), axis=0)  # [NA*K, NPLANES]
    tmp_weights = jax.nn.sigmoid(tmp_f @ fc_w.T + fc_b).reshape(-1, K)
    tmp_d = tmp_d * tmp_weights
    tmp_f3 = tmp_f.reshape(-1, K, NPLANES)
    tmp_d3 = tmp_d.reshape(-1, K, 1)
    agg = jnp.sum(tmp_f3 * tmp_d3, axis=1)
    return jnp.concatenate([feats_a, agg], axis=1)

if __name__ == "__main__":
    import jax
    _d = setup_inputs()
    print(jax.jit(kernel)(*tuple(_d.values())))

</pallas_src>

<mosaic_0001>
#map = affine_map<(d0, d1) -> (0, 0, 0)>
#map1 = affine_map<(d0, d1) -> (0)>
#map2 = affine_map<(d0, d1) -> (0, 0)>
module attributes {stable_mosaic.version = 14 : i64} {
  func.func @k(%arg0: i32, %arg1: i32, %arg2: memref<32x10x128xi32, #tpu.memory_space<hbm>>, %arg3: memref<40960xf32, #tpu.memory_space<hbm>>, %arg4: memref<8192xf32, #tpu.memory_space<hbm>>, %arg5: memref<8192x128xf32, #tpu.memory_space<hbm>>, %arg6: memref<8192x112xf32, #tpu.memory_space<hbm>>, %arg7: memref<10x128xi32, #tpu.memory_space<vmem>>, %arg8: memref<1280xf32, #tpu.memory_space<vmem>>, %arg9: memref<1280xf32, #tpu.memory_space<vmem>>, %arg10: memref<8192xf32, #tpu.memory_space<vmem>>, %arg11: memref<128x128xf32, #tpu.memory_space<vmem>>, %arg12: memref<128x128xf32, #tpu.memory_space<vmem>>, %arg13: memref<256x112xf32, #tpu.memory_space<vmem>>, %arg14: memref<!tpu.dma_semaphore, #tpu.memory_space<semaphore_mem>>, %arg15: memref<!tpu.dma_semaphore, #tpu.memory_space<semaphore_mem>>) attributes {dimension_semantics = [#tpu.dimension_semantics<core_parallel>, #tpu.dimension_semantics<subcore_parallel>], iteration_bounds = array<i64: 2, 16>, scalar_prefetch = 0 : i64, scratch_operands = 9 : i64, tpu.core_type = #tpu.core_type<sc_vector_subcore>, window_params = [{transform_indices = #map}, {transform_indices = #map1}, {transform_indices = #map1}, {transform_indices = #map2}, {transform_indices = #map2}]} {
    %mul3A = arith.constant 2 : i32
    %mul3A_0 = arith.muli %arg1, %mul3A : i32
    %add3A = arith.addi %mul3A_0, %arg0 : i32
    %mul3A_1 = arith.constant 1280 : i32
    %mul3A_2 = arith.muli %add3A, %mul3A_1 : i32
    %mul3A_3 = arith.constant 256 : i32
    %mul3A_4 = arith.muli %add3A, %mul3A_3 : i32
    "tpu.region"() ({
      %run_scoped3A = tpu.sem_alloc : memref<!tpu.dma_semaphore, #tpu.memory_space<semaphore_mem>>
      tpu.enqueue_dma source(%arg4 : memref<8192xf32, #tpu.memory_space<hbm>>) target(%arg10 : memref<8192xf32, #tpu.memory_space<vmem>>) target_semaphore(%run_scoped3A : memref<!tpu.dma_semaphore, #tpu.memory_space<semaphore_mem>>)
      tpu.wait_dma2 semaphore(%run_scoped3A : memref<!tpu.dma_semaphore, #tpu.memory_space<semaphore_mem>>) src(%arg4 : memref<8192xf32, #tpu.memory_space<hbm>>) dst(%arg10 : memref<8192xf32, #tpu.memory_space<vmem>>)
      tpu.yield
    }) : () -> ()
    "tpu.region"() ({
      %run_scoped3A = tpu.sem_alloc : memref<!tpu.dma_semaphore, #tpu.memory_space<semaphore_mem>>
      %dma_start3A_226 = arith.constant 0 : i32
      %dma_start3A_227 = arith.constant 0 : i32
      %dma_start3A_228 = tpu.memref_slice %arg2[%add3A, %dma_start3A_226, %dma_start3A_227] : memref<32x10x128xi32, #tpu.memory_space<hbm>> -> memref<1x10x128xi32, #tpu.memory_space<hbm>>
      %dma_start3A_229 = tpu.memref_squeeze %dma_start3A_228 : memref<1x10x128xi32, #tpu.memory_space<hbm>> -> memref<10x128xi32, #tpu.memory_space<hbm>>
      %dma_start3A_230 = arith.constant 0 : i32
      %dma_start3A_231 = arith.constant 0 : i32
      %dma_start3A_232 = tpu.memref_slice %arg2[%add3A, %dma_start3A_230, %dma_start3A_231] : memref<32x10x128xi32, #tpu.memory_space<hbm>> -> memref<1x10x128xi32, #tpu.memory_space<hbm>>
      %dma_start3A_233 = tpu.memref_squeeze %dma_start3A_232 : memref<1x10x128xi32, #tpu.memory_space<hbm>> -> memref<10x128xi32, #tpu.memory_space<hbm>>
      tpu.enqueue_dma source(%dma_start3A_233 : memref<10x128xi32, #tpu.memory_space<hbm>>) target(%arg7 : memref<10x128xi32, #tpu.memory_space<vmem>>) target_semaphore(%run_scoped3A : memref<!tpu.dma_semaphore, #tpu.memory_space<semaphore_mem>>)
      %dma_wait3A_234 = arith.constant 0 : i32
      %dma_wait3A_235 = arith.constant 0 : i32
      %dma_wait3A_236 = tpu.memref_slice %arg2[%add3A, %dma_wait3A_234, %dma_wait3A_235] : memref<32x10x128xi32, #tpu.memory_space<hbm>> -> memref<1x10x128xi32, #tpu.memory_space<hbm>>
      %dma_wait3A_237 = tpu.memref_squeeze %dma_wait3A_236 : memref<1x10x128xi32, #tpu.memory_space<hbm>> -> memref<10x128xi32, #tpu.memory_space<hbm>>
      %dma_wait3A_238 = arith.constant 0 : i32
      %dma_wait3A_239 = arith.constant 0 : i32
      %dma_wait3A_240 = tpu.memref_slice %arg2[%add3A, %dma_wait3A_238, %dma_wait3A_239] : memref<32x10x128xi32, #tpu.memory_space<hbm>> -> memref<1x10x128xi32, #tpu.memory_space<hbm>>
      %dma_wait3A_241 = tpu.memref_squeeze %dma_wait3A_240 : memref<1x10x128xi32, #tpu.memory_space<hbm>> -> memref<10x128xi32, #tpu.memory_space<hbm>>
      tpu.wait_dma2 semaphore(%run_scoped3A : memref<!tpu.dma_semaphore, #tpu.memory_space<semaphore_mem>>) src(%dma_wait3A_241 : memref<10x128xi32, #tpu.memory_space<hbm>>) dst(%arg7 : memref<10x128xi32, #tpu.memory_space<vmem>>)
      tpu.yield
    }) : () -> ()
    "tpu.region"() ({
      %run_scoped3A = tpu.sem_alloc : memref<!tpu.dma_semaphore, #tpu.memory_space<semaphore_mem>>
      %dma_start3A_226 = tpu.memref_slice %arg3[%mul3A_2] : memref<40960xf32, #tpu.memory_space<hbm>> -> memref<1280xf32, #tpu.memory_space<hbm>>
      %dma_start3A_227 = tpu.memref_slice %arg3[%mul3A_2] : memref<40960xf32, #tpu.memory_space<hbm>> -> memref<1280xf32, #tpu.memory_space<hbm>>
      tpu.enqueue_dma source(%dma_start3A_227 : memref<1280xf32, #tpu.memory_space<hbm>>) target(%arg8 : memref<1280xf32, #tpu.memory_space<vmem>>) target_semaphore(%run_scoped3A : memref<!tpu.dma_semaphore, #tpu.memory_space<semaphore_mem>>)
      %dma_wait3A_228 = tpu.memref_slice %arg3[%mul3A_2] : memref<40960xf32, #tpu.memory_space<hbm>> -> memref<1280xf32, #tpu.memory_space<hbm>>
      %dma_wait3A_229 = tpu.memref_slice %arg3[%mul3A_2] : memref<40960xf32, #tpu.memory_space<hbm>> -> memref<1280xf32, #tpu.memory_space<hbm>>
      tpu.wait_dma2 semaphore(%run_scoped3A : memref<!tpu.dma_semaphore, #tpu.memory_space<semaphore_mem>>) src(%dma_wait3A_229 : memref<1280xf32, #tpu.memory_space<hbm>>) dst(%arg8 : memref<1280xf32, #tpu.memory_space<vmem>>)
      tpu.yield
    }) : () -> ()
    %scan3A = arith.constant 0 : i32
    %scan3A_5 = arith.constant 0 : i32
    %scan3A_6 = arith.constant 80 : i32
    %scan3A_7 = arith.addi %scan3A_5, %scan3A_6 : i32
    %scan3A_8 = arith.constant 1 : i32
    %scan3A_9 = scf.for %scan3A_226 = %scan3A_5 to %scan3A_7 step %scan3A_8 iter_args(%scan3A_227 = %scan3A) -> (i32)  : i32 {
      %jit3A = arith.constant 8 : i32
      %div3A = arith.divsi %scan3A_226, %jit3A : i32
      %sign3A = arith.constant 0 : i32
      %sign3A_228 = arith.cmpi sgt, %scan3A_226, %sign3A : i32
      %sign3A_229 = arith.extui %sign3A_228 : i1 to i32
      %sign3A_230 = arith.constant 0 : i32
      %sign3A_231 = arith.cmpi slt, %scan3A_226, %sign3A_230 : i32
      %sign3A_232 = arith.extui %sign3A_231 : i1 to i32
      %sign3A_233 = arith.subi %sign3A_229, %sign3A_232 : i32
      %sign3A_234 = arith.constant 0 : i32
      %sign3A_235 = arith.cmpi sgt, %jit3A, %sign3A_234 : i32
      %sign3A_236 = arith.extui %sign3A_235 : i1 to i32
      %sign3A_237 = arith.constant 0 : i32
      %sign3A_238 = arith.cmpi slt, %jit3A, %sign3A_237 : i32
      %sign3A_239 = arith.extui %sign3A_238 : i1 to i32
      %sign3A_240 = arith.subi %sign3A_236, %sign3A_239 : i32
      %ne3A = arith.cmpi ne, %sign3A_233, %sign3A_240 : i32
      %rem3A = arith.remsi %scan3A_226, %jit3A : i32
      %ne3A_241 = arith.constant 0 : i32
      %ne3A_242 = arith.cmpi ne, %rem3A, %ne3A_241 : i32
      %and3A = arith.andi %ne3A, %ne3A_242 : i1
      %sub3A = arith.constant 1 : i32
      %sub3A_243 = arith.subi %div3A, %sub3A : i32
      %select_n3A = arith.select %and3A, %sub3A_243, %div3A : i32
      %jit3A_244 = arith.constant 8 : i32
      %eq3A = arith.constant 0 : i32
      %eq3A_245 = arith.cmpi eq, %jit3A_244, %eq3A : i32
      %jit3A_246 = arith.constant 1 : i32
      %select_n3A_247 = arith.select %eq3A_245, %jit3A_246, %jit3A_244 : i32
      %rem3A_248 = arith.remsi %scan3A_226, %select_n3A_247 : i32
      %ne3A_249 = arith.constant 0 : i32
      %ne3A_250 = arith.cmpi ne, %rem3A_248, %ne3A_249 : i32
      %lt3A = arith.constant 0 : i32
      %lt3A_251 = arith.cmpi slt, %rem3A_248, %lt3A : i32
      %lt3A_252 = arith.constant 0 : i32
      %lt3A_253 = arith.cmpi slt, %select_n3A_247, %lt3A_252 : i32
      %ne3A_254 = arith.xori %lt3A_251, %lt3A_253 : i1
      %and3A_255 = arith.andi %ne3A_254, %ne3A_250 : i1
      %add3A_256 = arith.addi %rem3A_248, %select_n3A_247 : i32
      %select_n3A_257 = arith.select %and3A_255, %add3A_256, %rem3A_248 : i32
      %mul3A_258 = arith.constant 16 : i32
      %mul3A_259 = arith.muli %select_n3A_257, %mul3A_258 : i32
      %get3A = arith.index_cast %select_n3A : i32 to index
      %get3A_260 = arith.index_cast %mul3A_259 : i32 to index
      %get3A_261 = tpu.vector_load %arg7[%get3A, %get3A_260] {strides = array<i32>} : memref<10x128xi32, #tpu.memory_space<vmem>>, vector<16xi32>,
      %gather3A = tpu.vector_load_idx %arg10[%get3A_261] : memref<8192xf32, #tpu.memory_space<vmem>>[vector<16xi32>], vector<16xf32>,
      %mul3A_262 = arith.constant 16 : i32
      %mul3A_263 = arith.muli %scan3A_226, %mul3A_262 : i32
      %get3A_264 = arith.index_cast %mul3A_263 : i32 to index
      %get3A_265 = tpu.vector_load %arg8[%get3A_264] {strides = array<i32>} : memref<1280xf32, #tpu.memory_space<vmem>>, vector<16xf32>,
      %mul3A_266 = arith.mulf %get3A_265, %gather3A : vector<16xf32>
      %swap3A = arith.index_cast %mul3A_263 : i32 to index
      %swap3A_267 = tpu.vector_load %arg9[%swap3A] {strides = array<i32>} : memref<1280xf32, #tpu.memory_space<vmem>>, vector<16xf32>,
      tpu.vector_store %arg9[%swap3A], %mul3A_266 {strides = array<i32>} : memref<1280xf32, #tpu.memory_space<vmem>>, vector<16xf32>,
      %scan3A_268 = arith.constant 0 : i32
      scf.yield %scan3A_268 : i32
    }
    %scan3A_10 = arith.constant 80 : i32
    %scan3A_11 = arith.constant 0 : i32
    %scan3A_12 = arith.constant 0 : i32
    %scan3A_13 = arith.constant 256 : i32
    %scan3A_14 = arith.addi %scan3A_12, %scan3A_13 : i32
    %scan3A_15 = arith.constant 1 : i32
    %scan3A_16 = scf.for %scan3A_226 = %scan3A_12 to %scan3A_14 step %scan3A_15 iter_args(%scan3A_227 = %scan3A_11) -> (i32)  : i32 {
      %broadcast_in_dim3A = arith.constant 0.000000e+00 : f32
      %broadcast_in_dim3A_228 = vector.broadcast %broadcast_in_dim3A : f32 to vector<16xf32>
      %swap3A = arith.index_cast %scan3A_226 : i32 to index
      %swap3A_229 = arith.constant 0 : index
      %swap3A_230 = tpu.vector_load %arg13[%swap3A, %swap3A_229] {strides = array<i32>} : memref<256x112xf32, #tpu.memory_space<vmem>>, vector<16xf32>,
      tpu.vector_store %arg13[%swap3A, %swap3A_229], %broadcast_in_dim3A_228 {strides = array<i32>} : memref<256x112xf32, #tpu.memory_space<vmem>>, vector<16xf32>,
      %broadcast_in_dim3A_231 = arith.constant 0.000000e+00 : f32
      %broadcast_in_dim3A_232 = vector.broadcast %broadcast_in_dim3A_231 : f32 to vector<16xf32>
      %swap3A_233 = arith.index_cast %scan3A_226 : i32 to index
      %swap3A_234 = arith.constant 16 : index
      %swap3A_235 = tpu.vector_load %arg13[%swap3A_233, %swap3A_234] {strides = array<i32>} : memref<256x112xf32, #tpu.memory_space<vmem>>, vector<16xf32>,
      tpu.vector_store %arg13[%swap3A_233, %swap3A_234], %broadcast_in_dim3A_232 {strides = array<i32>} : memref<256x112xf32, #tpu.memory_space<vmem>>, vector<16xf32>,
      %broadcast_in_dim3A_236 = arith.constant 0.000000e+00 : f32
      %broadcast_in_dim3A_237 = vector.broadcast %broadcast_in_dim3A_236 : f32 to vector<16xf32>
      %swap3A_238 = arith.index_cast %scan3A_226 : i32 to index
      %swap3A_239 = arith.constant 32 : index
      %swap3A_240 = tpu.vector_load %arg13[%swap3A_238, %swap3A_239] {strides = array<i32>} : memref<256x112xf32, #tpu.memory_space<vmem>>, vector<16xf32>,
      tpu.vector_store %arg13[%swap3A_238, %swap3A_239], %broadcast_in_dim3A_237 {strides = array<i32>} : memref<256x112xf32, #tpu.memory_space<vmem>>, vector<16xf32>,
      %broadcast_in_dim3A_241 = arith.constant 0.000000e+00 : f32
      %broadcast_in_dim3A_242 = vector.broadcast %broadcast_in_dim3A_241 : f32 to vector<16xf32>
      %swap3A_243 = arith.index_cast %scan3A_226 : i32 to index
      %swap3A_244 = arith.constant 48 : index
      %swap3A_245 = tpu.vector_load %arg13[%swap3A_243, %swap3A_244] {strides = array<i32>} : memref<256x112xf32, #tpu.memory_space<vmem>>, vector<16xf32>,
      tpu.vector_store %arg13[%swap3A_243, %swap3A_244], %broadcast_in_dim3A_242 {strides = array<i32>} : memref<256x112xf32, #tpu.memory_space<vmem>>, vector<16xf32>,
      %broadcast_in_dim3A_246 = arith.constant 0.000000e+00 : f32
      %broadcast_in_dim3A_247 = vector.broadcast %broadcast_in_dim3A_246 : f32 to vector<16xf32>
      %swap3A_248 = arith.index_cast %scan3A_226 : i32 to index
      %swap3A_249 = arith.constant 64 : index
      %swap3A_250 = tpu.vector_load %arg13[%swap3A_248, %swap3A_249] {strides = array<i32>} : memref<256x112xf32, #tpu.memory_space<vmem>>, vector<16xf32>,
      tpu.vector_store %arg13[%swap3A_248, %swap3A_249], %broadcast_in_dim3A_247 {strides = array<i32>} : memref<256x112xf32, #tpu.memory_space<vmem>>, vector<16xf32>,
      %broadcast_in_dim3A_251 = arith.constant 0.000000e+00 : f32
      %broadcast_in_dim3A_252 = vector.broadcast %broadcast_in_dim3A_251 : f32 to vector<16xf32>
      %swap3A_253 = arith.index_cast %scan3A_226 : i32 to index
      %swap3A_254 = arith.constant 80 : index
      %swap3A_255 = tpu.vector_load %arg13[%swap3A_253, %swap3A_254] {strides = array<i32>} : memref<256x112xf32, #tpu.memory_space<vmem>>, vector<16xf32>,
      tpu.vector_store %arg13[%swap3A_253, %swap3A_254], %broadcast_in_dim3A_252 {strides = array<i32>} : memref<256x112xf32, #tpu.memory_space<vmem>>, vector<16xf32>,
      %broadcast_in_dim3A_256 = arith.constant 0.000000e+00 : f32
      %broadcast_in_dim3A_257 = vector.broadcast %broadcast_in_dim3A_256 : f32 to vector<16xf32>
      %swap3A_258 = arith.index_cast %scan3A_226 : i32 to index
      %swap3A_259 = arith.constant 96 : index
      %swap3A_260 = tpu.vector_load %arg13[%swap3A_258, %swap3A_259] {strides = array<i32>} : memref<256x112xf32, #tpu.memory_space<vmem>>, vector<16xf32>,
      tpu.vector_store %arg13[%swap3A_258, %swap3A_259], %broadcast_in_dim3A_257 {strides = array<i32>} : memref<256x112xf32, #tpu.memory_space<vmem>>, vector<16xf32>,
      %scan3A_261 = arith.constant 0 : i32
      scf.yield %scan3A_261 : i32
    }
    %scan3A_17 = arith.constant 256 : i32
    %dma_start3A = arith.constant 0 : i32
    %dma_start3A_18 = arith.constant 0 : i32
    %dma_start3A_19 = tpu.memref_slice %arg7[%dma_start3A, %dma_start3A_18] : memref<10x128xi32, #tpu.memory_space<vmem>> -> memref<1x128xi32, #tpu.memory_space<vmem>>
    %dma_start3A_20 = tpu.memref_squeeze %dma_start3A_19 : memref<1x128xi32, #tpu.memory_space<vmem>> -> memref<128xi32, #tpu.memory_space<vmem>>
    %dma_start3A_21 = arith.constant 0 : i32
    %dma_start3A_22 = arith.constant 0 : i32
    %dma_start3A_23 = tpu.memref_slice %arg5[%dma_start3A_21, %dma_start3A_22] : memref<8192x128xf32, #tpu.memory_space<hbm>> -> memref<8192x128xf32, #tpu.memory_space<hbm>>
    tpu.enqueue_indirect_dma source(%dma_start3A_23 : memref<8192x128xf32, #tpu.memory_space<hbm>>) target(%arg11 : memref<128x128xf32, #tpu.memory_space<vmem>>) offsets(%dma_start3A_20 : memref<128xi32, #tpu.memory_space<vmem>>) semaphore(%arg14 : memref<!tpu.dma_semaphore, #tpu.memory_space<semaphore_mem>>)
    %dma_start3A_24 = arith.constant 1 : i32
    %dma_start3A_25 = arith.constant 0 : i32
    %dma_start3A_26 = tpu.memref_slice %arg7[%dma_start3A_24, %dma_start3A_25] : memref<10x128xi32, #tpu.memory_space<vmem>> -> memref<1x128xi32, #tpu.memory_space<vmem>>
    %dma_start3A_27 = tpu.memref_squeeze %dma_start3A_26 : memref<1x128xi32, #tpu.memory_space<vmem>> -> memref<128xi32, #tpu.memory_space<vmem>>
    %dma_start3A_28 = arith.constant 0 : i32
    %dma_start3A_29 = arith.constant 0 : i32
    %dma_start3A_30 = tpu.memref_slice %arg5[%dma_start3A_28, %dma_start3A_29] : memref<8192x128xf32, #tpu.memory_space<hbm>> -> memref<8192x128xf32, #tpu.memory_space<hbm>>
    tpu.enqueue_indirect_dma source(%dma_start3A_30 : memref<8192x128xf32, #tpu.memory_space<hbm>>) target(%arg12 : memref<128x128xf32, #tpu.memory_space<vmem>>) offsets(%dma_start3A_27 : memref<128xi32, #tpu.memory_space<vmem>>) semaphore(%arg15 : memref<!tpu.dma_semaphore, #tpu.memory_space<semaphore_mem>>)
    %dma_wait3A = arith.constant 0 : i32
    %dma_wait3A_31 = arith.constant 0 : i32
    %dma_wait3A_32 = tpu.memref_slice %arg7[%dma_wait3A, %dma_wait3A_31] : memref<10x128xi32, #tpu.memory_space<vmem>> -> memref<1x128xi32, #tpu.memory_space<vmem>>
    %dma_wait3A_33 = tpu.memref_squeeze %dma_wait3A_32 : memref<1x128xi32, #tpu.memory_space<vmem>> -> memref<128xi32, #tpu.memory_space<vmem>>
    %dma_wait3A_34 = arith.constant 0 : i32
    %dma_wait3A_35 = arith.constant 0 : i32
    %dma_wait3A_36 = tpu.memref_slice %arg5[%dma_wait3A_34, %dma_wait3A_35] : memref<8192x128xf32, #tpu.memory_space<hbm>> -> memref<8192x128xf32, #tpu.memory_space<hbm>>
    tpu.wait_indirect_dma semaphore(%arg14 : memref<!tpu.dma_semaphore, #tpu.memory_space<semaphore_mem>>) src(%dma_wait3A_36 : memref<8192x128xf32, #tpu.memory_space<hbm>>) dst(%arg11 : memref<128x128xf32, #tpu.memory_space<vmem>>)
    %scan3A_37 = arith.constant 0 : i32
    %scan3A_38 = arith.constant 0 : i32
    %scan3A_39 = arith.constant 128 : i32
    %scan3A_40 = arith.addi %scan3A_38, %scan3A_39 : i32
    %scan3A_41 = arith.constant 1 : i32
    %scan3A_42 = scf.for %scan3A_226 = %scan3A_38 to %scan3A_40 step %scan3A_41 iter_args(%scan3A_227 = %scan3A_37) -> (i32)  : i32 {
      %add3A_228 = arith.constant 0 : i32
      %add3A_229 = arith.addi %add3A_228, %scan3A_226 : i32
      %jit3A = arith.constant 5 : i32
      %div3A = arith.divsi %add3A_229, %jit3A : i32
      %sign3A = arith.constant 0 : i32
      %sign3A_230 = arith.cmpi sgt, %add3A_229, %sign3A : i32
      %sign3A_231 = arith.extui %sign3A_230 : i1 to i32
      %sign3A_232 = arith.constant 0 : i32
      %sign3A_233 = arith.cmpi slt, %add3A_229, %sign3A_232 : i32
      %sign3A_234 = arith.extui %sign3A_233 : i1 to i32
      %sign3A_235 = arith.subi %sign3A_231, %sign3A_234 : i32
      %sign3A_236 = arith.constant 0 : i32
      %sign3A_237 = arith.cmpi sgt, %jit3A, %sign3A_236 : i32
      %sign3A_238 = arith.extui %sign3A_237 : i1 to i32
      %sign3A_239 = arith.constant 0 : i32
      %sign3A_240 = arith.cmpi slt, %jit3A, %sign3A_239 : i32
      %sign3A_241 = arith.extui %sign3A_240 : i1 to i32
      %sign3A_242 = arith.subi %sign3A_238, %sign3A_241 : i32
      %ne3A = arith.cmpi ne, %sign3A_235, %sign3A_242 : i32
      %rem3A = arith.remsi %add3A_229, %jit3A : i32
      %ne3A_243 = arith.constant 0 : i32
      %ne3A_244 = arith.cmpi ne, %rem3A, %ne3A_243 : i32
      %and3A = arith.andi %ne3A, %ne3A_244 : i1
      %sub3A = arith.constant 1 : i32
      %sub3A_245 = arith.subi %div3A, %sub3A : i32
      %select_n3A = arith.select %and3A, %sub3A_245, %div3A : i32
      %broadcast_in_dim3A = vector.broadcast %add3A_229 : i32 to vector<16xi32>
      %gather3A = tpu.vector_load_idx %arg9[%broadcast_in_dim3A] : memref<1280xf32, #tpu.memory_space<vmem>>[vector<16xi32>], vector<16xf32>,
      %get3A = arith.index_cast %select_n3A : i32 to index
      %get3A_246 = arith.constant 0 : index
      %get3A_247 = tpu.vector_load %arg13[%get3A, %get3A_246] {strides = array<i32>} : memref<256x112xf32, #tpu.memory_space<vmem>>, vector<16xf32>,
      %get3A_248 = arith.index_cast %scan3A_226 : i32 to index
      %get3A_249 = arith.constant 0 : index
      %get3A_250 = tpu.vector_load %arg11[%get3A_248, %get3A_249] {strides = array<i32>} : memref<128x128xf32, #tpu.memory_space<vmem>>, vector<16xf32>,
      %mul3A_251 = arith.mulf %gather3A, %get3A_250 : vector<16xf32>
      %add3A_252 = arith.addf %get3A_247, %mul3A_251 : vector<16xf32>
      %swap3A = arith.index_cast %select_n3A : i32 to index
      %swap3A_253 = arith.constant 0 : index
      %swap3A_254 = tpu.vector_load %arg13[%swap3A, %swap3A_253] {strides = array<i32>} : memref<256x112xf32, #tpu.memory_space<vmem>>, vector<16xf32>,
      tpu.vector_store %arg13[%swap3A, %swap3A_253], %add3A_252 {strides = array<i32>} : memref<256x112xf32, #tpu.memory_space<vmem>>, vector<16xf32>,
      %get3A_255 = arith.index_cast %select_n3A : i32 to index
      %get3A_256 = arith.constant 16 : index
      %get3A_257 = tpu.vector_load %arg13[%get3A_255, %get3A_256] {strides = array<i32>} : memref<256x112xf32, #tpu.memory_space<vmem>>, vector<16xf32>,
      %get3A_258 = arith.index_cast %scan3A_226 : i32 to index
      %get3A_259 = arith.constant 16 : index
      %get3A_260 = tpu.vector_load %arg11[%get3A_258, %get3A_259] {strides = array<i32>} : memref<128x128xf32, #tpu.memory_space<vmem>>, vector<16xf32>,
      %mul3A_261 = arith.mulf %gather3A, %get3A_260 : vector<16xf32>
      %add3A_262 = arith.addf %get3A_257, %mul3A_261 : vector<16xf32>
      %swap3A_263 = arith.index_cast %select_n3A : i32 to index
      %swap3A_264 = arith.constant 16 : index
      %swap3A_265 = tpu.vector_load %arg13[%swap3A_263, %swap3A_264] {strides = array<i32>} : memref<256x112xf32, #tpu.memory_space<vmem>>, vector<16xf32>,
      tpu.vector_store %arg13[%swap3A_263, %swap3A_264], %add3A_262 {strides = array<i32>} : memref<256x112xf32, #tpu.memory_space<vmem>>, vector<16xf32>,
      %get3A_266 = arith.index_cast %select_n3A : i32 to index
      %get3A_267 = arith.constant 32 : index
      %get3A_268 = tpu.vector_load %arg13[%get3A_266, %get3A_267] {strides = array<i32>} : memref<256x112xf32, #tpu.memory_space<vmem>>, vector<16xf32>,
      %get3A_269 = arith.index_cast %scan3A_226 : i32 to index
      %get3A_270 = arith.constant 32 : index
      %get3A_271 = tpu.vector_load %arg11[%get3A_269, %get3A_270] {strides = array<i32>} : memref<128x128xf32, #tpu.memory_space<vmem>>, vector<16xf32>,
      %mul3A_272 = arith.mulf %gather3A, %get3A_271 : vector<16xf32>
      %add3A_273 = arith.addf %get3A_268, %mul3A_272 : vector<16xf32>
      %swap3A_274 = arith.index_cast %select_n3A : i32 to index
      %swap3A_275 = arith.constant 32 : index
      %swap3A_276 = tpu.vector_load %arg13[%swap3A_274, %swap3A_275] {strides = array<i32>} : memref<256x112xf32, #tpu.memory_space<vmem>>, vector<16xf32>,
      tpu.vector_store %arg13[%swap3A_274, %swap3A_275], %add3A_273 {strides = array<i32>} : memref<256x112xf32, #tpu.memory_space<vmem>>, vector<16xf32>,
      %get3A_277 = arith.index_cast %select_n3A : i32 to index
      %get3A_278 = arith.constant 48 : index
      %get3A_279 = tpu.vector_load %arg13[%get3A_277, %get3A_278] {strides = array<i32>} : memref<256x112xf32, #tpu.memory_space<vmem>>, vector<16xf32>,
      %get3A_280 = arith.index_cast %scan3A_226 : i32 to index
      %get3A_281 = arith.constant 48 : index
      %get3A_282 = tpu.vector_load %arg11[%get3A_280, %get3A_281] {strides = array<i32>} : memref<128x128xf32, #tpu.memory_space<vmem>>, vector<16xf32>,
      %mul3A_283 = arith.mulf %gather3A, %get3A_282 : vector<16xf32>
      %add3A_284 = arith.addf %get3A_279, %mul3A_283 : vector<16xf32>
      %swap3A_285 = arith.index_cast %select_n3A : i32 to index
      %swap3A_286 = arith.constant 48 : index
      %swap3A_287 = tpu.vector_load %arg13[%swap3A_285, %swap3A_286] {strides = array<i32>} : memref<256x112xf32, #tpu.memory_space<vmem>>, vector<16xf32>,
      tpu.vector_store %arg13[%swap3A_285, %swap3A_286], %add3A_284 {strides = array<i32>} : memref<256x112xf32, #tpu.memory_space<vmem>>, vector<16xf32>,
      %get3A_288 = arith.index_cast %select_n3A : i32 to index
      %get3A_289 = arith.constant 64 : index
      %get3A_290 = tpu.vector_load %arg13[%get3A_288, %get3A_289] {strides = array<i32>} : memref<256x112xf32, #tpu.memory_space<vmem>>, vector<16xf32>,
      %get3A_291 = arith.index_cast %scan3A_226 : i32 to index
      %get3A_292 = arith.constant 64 : index
      %get3A_293 = tpu.vector_load %arg11[%get3A_291, %get3A_292] {strides = array<i32>} : memref<128x128xf32, #tpu.memory_space<vmem>>, vector<16xf32>,
      %mul3A_294 = arith.mulf %gather3A, %get3A_293 : vector<16xf32>
      %add3A_295 = arith.addf %get3A_290, %mul3A_294 : vector<16xf32>
      %swap3A_296 = arith.index_cast %select_n3A : i32 to index
      %swap3A_297 = arith.constant 64 : index
      %swap3A_298 = tpu.vector_load %arg13[%swap3A_296, %swap3A_297] {strides = array<i32>} : memref<256x112xf32, #tpu.memory_space<vmem>>, vector<16xf32>,
      tpu.vector_store %arg13[%swap3A_296, %swap3A_297], %add3A_295 {strides = array<i32>} : memref<256x112xf32, #tpu.memory_space<vmem>>, vector<16xf32>,
      %get3A_299 = arith.index_cast %select_n3A : i32 to index
      %get3A_300 = arith.constant 80 : index
      %get3A_301 = tpu.vector_load %arg13[%get3A_299, %get3A_300] {strides = array<i32>} : memref<256x112xf32, #tpu.memory_space<vmem>>, vector<16xf32>,
      %get3A_302 = arith.index_cast %scan3A_226 : i32 to index
      %get3A_303 = arith.constant 80 : index
      %get3A_304 = tpu.vector_load %arg11[%get3A_302, %get3A_303] {strides = array<i32>} : memref<128x128xf32, #tpu.memory_space<vmem>>, vector<16xf32>,
      %mul3A_305 = arith.mulf %gather3A, %get3A_304 : vector<16xf32>
      %add3A_306 = arith.addf %get3A_301, %mul3A_305 : vector<16xf32>
      %swap3A_307 = arith.index_cast %select_n3A : i32 to index
      %swap3A_308 = arith.constant 80 : index
      %swap3A_309 = tpu.vector_load %arg13[%swap3A_307, %swap3A_308] {strides = array<i32>} : memref<256x112xf32, #tpu.memory_space<vmem>>, vector<16xf32>,
      tpu.vector_store %arg13[%swap3A_307, %swap3A_308], %add3A_306 {strides = array<i32>} : memref<256x112xf32, #tpu.memory_space<vmem>>, vector<16xf32>,
      %get3A_310 = arith.index_cast %select_n3A : i32 to index
      %get3A_311 = arith.constant 96 : index
      %get3A_312 = tpu.vector_load %arg13[%get3A_310, %get3A_311] {strides = array<i32>} : memref<256x112xf32, #tpu.memory_space<vmem>>, vector<16xf32>,
      %get3A_313 = arith.index_cast %scan3A_226 : i32 to index
      %get3A_314 = arith.constant 96 : index
      %get3A_315 = tpu.vector_load %arg11[%get3A_313, %get3A_314] {strides = array<i32>} : memref<128x128xf32, #tpu.memory_space<vmem>>, vector<16xf32>,
      %mul3A_316 = arith.mulf %gather3A, %get3A_315 : vector<16xf32>
      %add3A_317 = arith.addf %get3A_312, %mul3A_316 : vector<16xf32>
      %swap3A_318 = arith.index_cast %select_n3A : i32 to index
      %swap3A_319 = arith.constant 96 : index
      %swap3A_320 = tpu.vector_load %arg13[%swap3A_318, %swap3A_319] {strides = array<i32>} : memref<256x112xf32, #tpu.memory_space<vmem>>, vector<16xf32>,
      tpu.vector_store %arg13[%swap3A_318, %swap3A_319], %add3A_317 {strides = array<i32>} : memref<256x112xf32, #tpu.memory_space<vmem>>, vector<16xf32>,
      %scan3A_321 = arith.constant 0 : i32
      scf.yield %scan3A_321 : i32
    }
    %scan3A_43 = arith.constant 128 : i32
    %dma_start3A_44 = arith.constant 2 : i32
    %dma_start3A_45 = arith.constant 0 : i32
    %dma_start3A_46 = tpu.memref_slice %arg7[%dma_start3A_44, %dma_start3A_45] : memref<10x128xi32, #tpu.memory_space<vmem>> -> memref<1x128xi32, #tpu.memory_space<vmem>>
    %dma_start3A_47 = tpu.memref_squeeze %dma_start3A_46 : memref<1x128xi32, #tpu.memory_space<vmem>> -> memref<128xi32, #tpu.memory_space<vmem>>
    %dma_start3A_48 = arith.constant 0 : i32
    %dma_start3A_49 = arith.constant 0 : i32
    %dma_start3A_50 = tpu.memref_slice %arg5[%dma_start3A_48, %dma_start3A_49] : memref<8192x128xf32, #tpu.memory_space<hbm>> -> memref<8192x128xf32, #tpu.memory_space<hbm>>
    tpu.enqueue_indirect_dma source(%dma_start3A_50 : memref<8192x128xf32, #tpu.memory_space<hbm>>) target(%arg11 : memref<128x128xf32, #tpu.memory_space<vmem>>) offsets(%dma_start3A_47 : memref<128xi32, #tpu.memory_space<vmem>>) semaphore(%arg14 : memref<!tpu.dma_semaphore, #tpu.memory_space<semaphore_mem>>)
    %dma_wait3A_51 = arith.constant 1 : i32
    %dma_wait3A_52 = arith.constant 0 : i32
    %dma_wait3A_53 = tpu.memref_slice %arg7[%dma_wait3A_51, %dma_wait3A_52] : memref<10x128xi32, #tpu.memory_space<vmem>> -> memref<1x128xi32, #tpu.memory_space<vmem>>
    %dma_wait3A_54 = tpu.memref_squeeze %dma_wait3A_53 : memref<1x128xi32, #tpu.memory_space<vmem>> -> memref<128xi32, #tpu.memory_space<vmem>>
    %dma_wait3A_55 = arith.constant 0 : i32
    %dma_wait3A_56 = arith.constant 0 : i32
    %dma_wait3A_57 = tpu.memref_slice %arg5[%dma_wait3A_55, %dma_wait3A_56] : memref<8192x128xf32, #tpu.memory_space<hbm>> -> memref<8192x128xf32, #tpu.memory_space<hbm>>
    tpu.wait_indirect_dma semaphore(%arg15 : memref<!tpu.dma_semaphore, #tpu.memory_space<semaphore_mem>>) src(%dma_wait3A_57 : memref<8192x128xf32, #tpu.memory_space<hbm>>) dst(%arg12 : memref<128x128xf32, #tpu.memory_space<vmem>>)
    %scan3A_58 = arith.constant 0 : i32
    %scan3A_59 = arith.constant 0 : i32
    %scan3A_60 = arith.constant 128 : i32
    %scan3A_61 = arith.addi %scan3A_59, %scan3A_60 : i32
    %scan3A_62 = arith.constant 1 : i32
    %scan3A_63 = scf.for %scan3A_226 = %scan3A_59 to %scan3A_61 step %scan3A_62 iter_args(%scan3A_227 = %scan3A_58) -> (i32)  : i32 {
      %add3A_228 = arith.constant 128 : i32
      %add3A_229 = arith.addi %add3A_228, %scan3A_226 : i32
      %jit3A = arith.constant 5 : i32
      %div3A = arith.divsi %add3A_229, %jit3A : i32
      %sign3A = arith.constant 0 : i32
      %sign3A_230 = arith.cmpi sgt, %add3A_229, %sign3A : i32
      %sign3A_231 = arith.extui %sign3A_230 : i1 to i32
      %sign3A_232 = arith.constant 0 : i32
      %sign3A_233 = arith.cmpi slt, %add3A_229, %sign3A_232 : i32
      %sign3A_234 = arith.extui %sign3A_233 : i1 to i32
      %sign3A_235 = arith.subi %sign3A_231, %sign3A_234 : i32
      %sign3A_236 = arith.constant 0 : i32
      %sign3A_237 = arith.cmpi sgt, %jit3A, %sign3A_236 : i32
      %sign3A_238 = arith.extui %sign3A_237 : i1 to i32
      %sign3A_239 = arith.constant 0 : i32
      %sign3A_240 = arith.cmpi slt, %jit3A, %sign3A_239 : i32
      %sign3A_241 = arith.extui %sign3A_240 : i1 to i32
      %sign3A_242 = arith.subi %sign3A_238, %sign3A_241 : i32
      %ne3A = arith.cmpi ne, %sign3A_235, %sign3A_242 : i32
      %rem3A = arith.remsi %add3A_229, %jit3A : i32
      %ne3A_243 = arith.constant 0 : i32
      %ne3A_244 = arith.cmpi ne, %rem3A, %ne3A_243 : i32
      %and3A = arith.andi %ne3A, %ne3A_244 : i1
      %sub3A = arith.constant 1 : i32
      %sub3A_245 = arith.subi %div3A, %sub3A : i32
      %select_n3A = arith.select %and3A, %sub3A_245, %div3A : i32
      %broadcast_in_dim3A = vector.broadcast %add3A_229 : i32 to vector<16xi32>
      %gather3A = tpu.vector_load_idx %arg9[%broadcast_in_dim3A] : memref<1280xf32, #tpu.memory_space<vmem>>[vector<16xi32>], vector<16xf32>,
      %get3A = arith.index_cast %select_n3A : i32 to index
      %get3A_246 = arith.constant 0 : index
      %get3A_247 = tpu.vector_load %arg13[%get3A, %get3A_246] {strides = array<i32>} : memref<256x112xf32, #tpu.memory_space<vmem>>, vector<16xf32>,
      %get3A_248 = arith.index_cast %scan3A_226 : i32 to index
      %get3A_249 = arith.constant 0 : index
      %get3A_250 = tpu.vector_load %arg12[%get3A_248, %get3A_249] {strides = array<i32>} : memref<128x128xf32, #tpu.memory_space<vmem>>, vector<16xf32>,
      %mul3A_251 = arith.mulf %gather3A, %get3A_250 : vector<16xf32>
      %add3A_252 = arith.addf %get3A_247, %mul3A_251 : vector<16xf32>
      %swap3A = arith.index_cast %select_n3A : i32 to index
      %swap3A_253 = arith.constant 0 : index
      %swap3A_254 = tpu.vector_load %arg13[%swap3A, %swap3A_253] {strides = array<i32>} : memref<256x112xf32, #tpu.memory_space<vmem>>, vector<16xf32>,
      tpu.vector_store %arg13[%swap3A, %swap3A_253], %add3A_252 {strides = array<i32>} : memref<256x112xf32, #tpu.memory_space<vmem>>, vector<16xf32>,
      %get3A_255 = arith.index_cast %select_n3A : i32 to index
      %get3A_256 = arith.constant 16 : index
      %get3A_257 = tpu.vector_load %arg13[%get3A_255, %get3A_256] {strides = array<i32>} : memref<256x112xf32, #tpu.memory_space<vmem>>, vector<16xf32>,
      %get3A_258 = arith.index_cast %scan3A_226 : i32 to index
      %get3A_259 = arith.constant 16 : index
      %get3A_260 = tpu.vector_load %arg12[%get3A_258, %get3A_259] {strides = array<i32>} : memref<128x128xf32, #tpu.memory_space<vmem>>, vector<16xf32>,
      %mul3A_261 = arith.mulf %gather3A, %get3A_260 : vector<16xf32>
      %add3A_262 = arith.addf %get3A_257, %mul3A_261 : vector<16xf32>
      %swap3A_263 = arith.index_cast %select_n3A : i32 to index
      %swap3A_264 = arith.constant 16 : index
      %swap3A_265 = tpu.vector_load %arg13[%swap3A_263, %swap3A_264] {strides = array<i32>} : memref<256x112xf32, #tpu.memory_space<vmem>>, vector<16xf32>,
      tpu.vector_store %arg13[%swap3A_263, %swap3A_264], %add3A_262 {strides = array<i32>} : memref<256x112xf32, #tpu.memory_space<vmem>>, vector<16xf32>,
      %get3A_266 = arith.index_cast %select_n3A : i32 to index
      %get3A_267 = arith.constant 32 : index
      %get3A_268 = tpu.vector_load %arg13[%get3A_266, %get3A_267] {strides = array<i32>} : memref<256x112xf32, #tpu.memory_space<vmem>>, vector<16xf32>,
      %get3A_269 = arith.index_cast %scan3A_226 : i32 to index
      %get3A_270 = arith.constant 32 : index
      %get3A_271 = tpu.vector_load %arg12[%get3A_269, %get3A_270] {strides = array<i32>} : memref<128x128xf32, #tpu.memory_space<vmem>>, vector<16xf32>,
      %mul3A_272 = arith.mulf %gather3A, %get3A_271 : vector<16xf32>
      %add3A_273 = arith.addf %get3A_268, %mul3A_272 : vector<16xf32>
      %swap3A_274 = arith.index_cast %select_n3A : i32 to index
      %swap3A_275 = arith.constant 32 : index
      %swap3A_276 = tpu.vector_load %arg13[%swap3A_274, %swap3A_275] {strides = array<i32>} : memref<256x112xf32, #tpu.memory_space<vmem>>, vector<16xf32>,
      tpu.vector_store %arg13[%swap3A_274, %swap3A_275], %add3A_273 {strides = array<i32>} : memref<256x112xf32, #tpu.memory_space<vmem>>, vector<16xf32>,
      %get3A_277 = arith.index_cast %select_n3A : i32 to index
      %get3A_278 = arith.constant 48 : index
      %get3A_279 = tpu.vector_load %arg13[%get3A_277, %get3A_278] {strides = array<i32>} : memref<256x112xf32, #tpu.memory_space<vmem>>, vector<16xf32>,
      %get3A_280 = arith.index_cast %scan3A_226 : i32 to index
      %get3A_281 = arith.constant 48 : index
      %get3A_282 = tpu.vector_load %arg12[%get3A_280, %get3A_281] {strides = array<i32>} : memref<128x128xf32, #tpu.memory_space<vmem>>, vector<16xf32>,
      %mul3A_283 = arith.mulf %gather3A, %get3A_282 : vector<16xf32>
      %add3A_284 = arith.addf %get3A_279, %mul3A_283 : vector<16xf32>
      %swap3A_285 = arith.index_cast %select_n3A : i32 to index
      %swap3A_286 = arith.constant 48 : index
      %swap3A_287 = tpu.vector_load %arg13[%swap3A_285, %swap3A_286] {strides = array<i32>} : memref<256x112xf32, #tpu.memory_space<vmem>>, vector<16xf32>,
      tpu.vector_store %arg13[%swap3A_285, %swap3A_286], %add3A_284 {strides = array<i32>} : memref<256x112xf32, #tpu.memory_space<vmem>>, vector<16xf32>,
      %get3A_288 = arith.index_cast %select_n3A : i32 to index
      %get3A_289 = arith.constant 64 : index
      %get3A_290 = tpu.vector_load %arg13[%get3A_288, %get3A_289] {strides = array<i32>} : memref<256x112xf32, #tpu.memory_space<vmem>>, vector<16xf32>,
      %get3A_291 = arith.index_cast %scan3A_226 : i32 to index
      %get3A_292 = arith.constant 64 : index
      %get3A_293 = tpu.vector_load %arg12[%get3A_291, %get3A_292] {strides = array<i32>} : memref<128x128xf32, #tpu.memory_space<vmem>>, vector<16xf32>,
      %mul3A_294 = arith.mulf %gather3A, %get3A_293 : vector<16xf32>
      %add3A_295 = arith.addf %get3A_290, %mul3A_294 : vector<16xf32>
      %swap3A_296 = arith.index_cast %select_n3A : i32 to index
      %swap3A_297 = arith.constant 64 : index
      %swap3A_298 = tpu.vector_load %arg13[%swap3A_296, %swap3A_297] {strides = array<i32>} : memref<256x112xf32, #tpu.memory_space<vmem>>, vector<16xf32>,
      tpu.vector_store %arg13[%swap3A_296, %swap3A_297], %add3A_295 {strides = array<i32>} : memref<256x112xf32, #tpu.memory_space<vmem>>, vector<16xf32>,
      %get3A_299 = arith.index_cast %select_n3A : i32 to index
      %get3A_300 = arith.constant 80 : index
      %get3A_301 = tpu.vector_load %arg13[%get3A_299, %get3A_300] {strides = array<i32>} : memref<256x112xf32, #tpu.memory_space<vmem>>, vector<16xf32>,
      %get3A_302 = arith.index_cast %scan3A_226 : i32 to index
      %get3A_303 = arith.constant 80 : index
      %get3A_304 = tpu.vector_load %arg12[%get3A_302, %get3A_303] {strides = array<i32>} : memref<128x128xf32, #tpu.memory_space<vmem>>, vector<16xf32>,
      %mul3A_305 = arith.mulf %gather3A, %get3A_304 : vector<16xf32>
      %add3A_306 = arith.addf %get3A_301, %mul3A_305 : vector<16xf32>
      %swap3A_307 = arith.index_cast %select_n3A : i32 to index
      %swap3A_308 = arith.constant 80 : index
      %swap3A_309 = tpu.vector_load %arg13[%swap3A_307, %swap3A_308] {strides = array<i32>} : memref<256x112xf32, #tpu.memory_space<vmem>>, vector<16xf32>,
      tpu.vector_store %arg13[%swap3A_307, %swap3A_308], %add3A_306 {strides = array<i32>} : memref<256x112xf32, #tpu.memory_space<vmem>>, vector<16xf32>,
      %get3A_310 = arith.index_cast %select_n3A : i32 to index
      %get3A_311 = arith.constant 96 : index
      %get3A_312 = tpu.vector_load %arg13[%get3A_310, %get3A_311] {strides = array<i32>} : memref<256x112xf32, #tpu.memory_space<vmem>>, vector<16xf32>,
      %get3A_313 = arith.index_cast %scan3A_226 : i32 to index
      %get3A_314 = arith.constant 96 : index
      %get3A_315 = tpu.vector_load %arg12[%get3A_313, %get3A_314] {strides = array<i32>} : memref<128x128xf32, #tpu.memory_space<vmem>>, vector<16xf32>,
      %mul3A_316 = arith.mulf %gather3A, %get3A_315 : vector<16xf32>
      %add3A_317 = arith.addf %get3A_312, %mul3A_316 : vector<16xf32>
      %swap3A_318 = arith.index_cast %select_n3A : i32 to index
      %swap3A_319 = arith.constant 96 : index
      %swap3A_320 = tpu.vector_load %arg13[%swap3A_318, %swap3A_319] {strides = array<i32>} : memref<256x112xf32, #tpu.memory_space<vmem>>, vector<16xf32>,
      tpu.vector_store %arg13[%swap3A_318, %swap3A_319], %add3A_317 {strides = array<i32>} : memref<256x112xf32, #tpu.memory_space<vmem>>, vector<16xf32>,
      %scan3A_321 = arith.constant 0 : i32
      scf.yield %scan3A_321 : i32
    }
    %scan3A_64 = arith.constant 128 : i32
    %dma_start3A_65 = arith.constant 3 : i32
    %dma_start3A_66 = arith.constant 0 : i32
    %dma_start3A_67 = tpu.memref_slice %arg7[%dma_start3A_65, %dma_start3A_66] : memref<10x128xi32, #tpu.memory_space<vmem>> -> memref<1x128xi32, #tpu.memory_space<vmem>>
    %dma_start3A_68 = tpu.memref_squeeze %dma_start3A_67 : memref<1x128xi32, #tpu.memory_space<vmem>> -> memref<128xi32, #tpu.memory_space<vmem>>
    %dma_start3A_69 = arith.constant 0 : i32
    %dma_start3A_70 = arith.constant 0 : i32
    %dma_start3A_71 = tpu.memref_slice %arg5[%dma_start3A_69, %dma_start3A_70] : memref<8192x128xf32, #tpu.memory_space<hbm>> -> memref<8192x128xf32, #tpu.memory_space<hbm>>
    tpu.enqueue_indirect_dma source(%dma_start3A_71 : memref<8192x128xf32, #tpu.memory_space<hbm>>) target(%arg12 : memref<128x128xf32, #tpu.memory_space<vmem>>) offsets(%dma_start3A_68 : memref<128xi32, #tpu.memory_space<vmem>>) semaphore(%arg15 : memref<!tpu.dma_semaphore, #tpu.memory_space<semaphore_mem>>)
    %dma_wait3A_72 = arith.constant 2 : i32
    %dma_wait3A_73 = arith.constant 0 : i32
    %dma_wait3A_74 = tpu.memref_slice %arg7[%dma_wait3A_72, %dma_wait3A_73] : memref<10x128xi32, #tpu.memory_space<vmem>> -> memref<1x128xi32, #tpu.memory_space<vmem>>
    %dma_wait3A_75 = tpu.memref_squeeze %dma_wait3A_74 : memref<1x128xi32, #tpu.memory_space<vmem>> -> memref<128xi32, #tpu.memory_space<vmem>>
    %dma_wait3A_76 = arith.constant 0 : i32
    %dma_wait3A_77 = arith.constant 0 : i32
    %dma_wait3A_78 = tpu.memref_slice %arg5[%dma_wait3A_76, %dma_wait3A_77] : memref<8192x128xf32, #tpu.memory_space<hbm>> -> memref<8192x128xf32, #tpu.memory_space<hbm>>
    tpu.wait_indirect_dma semaphore(%arg14 : memref<!tpu.dma_semaphore, #tpu.memory_space<semaphore_mem>>) src(%dma_wait3A_78 : memref<8192x128xf32, #tpu.memory_space<hbm>>) dst(%arg11 : memref<128x128xf32, #tpu.memory_space<vmem>>)
    %scan3A_79 = arith.constant 0 : i32
    %scan3A_80 = arith.constant 0 : i32
    %scan3A_81 = arith.constant 128 : i32
    %scan3A_82 = arith.addi %scan3A_80, %scan3A_81 : i32
    %scan3A_83 = arith.constant 1 : i32
    %scan3A_84 = scf.for %scan3A_226 = %scan3A_80 to %scan3A_82 step %scan3A_83 iter_args(%scan3A_227 = %scan3A_79) -> (i32)  : i32 {
      %add3A_228 = arith.constant 256 : i32
      %add3A_229 = arith.addi %add3A_228, %scan3A_226 : i32
      %jit3A = arith.constant 5 : i32
      %div3A = arith.divsi %add3A_229, %jit3A : i32
      %sign3A = arith.constant 0 : i32
      %sign3A_230 = arith.cmpi sgt, %add3A_229, %sign3A : i32
      %sign3A_231 = arith.extui %sign3A_230 : i1 to i32
      %sign3A_232 = arith.constant 0 : i32
      %sign3A_233 = arith.cmpi slt, %add3A_229, %sign3A_232 : i32
      %sign3A_234 = arith.extui %sign3A_233 : i1 to i32
      %sign3A_235 = arith.subi %sign3A_231, %sign3A_234 : i32
      %sign3A_236 = arith.constant 0 : i32
      %sign3A_237 = arith.cmpi sgt, %jit3A, %sign3A_236 : i32
      %sign3A_238 = arith.extui %sign3A_237 : i1 to i32
      %sign3A_239 = arith.constant 0 : i32
      %sign3A_240 = arith.cmpi slt, %jit3A, %sign3A_239 : i32
      %sign3A_241 = arith.extui %sign3A_240 : i1 to i32
      %sign3A_242 = arith.subi %sign3A_238, %sign3A_241 : i32
      %ne3A = arith.cmpi ne, %sign3A_235, %sign3A_242 : i32
      %rem3A = arith.remsi %add3A_229, %jit3A : i32
      %ne3A_243 = arith.constant 0 : i32
      %ne3A_244 = arith.cmpi ne, %rem3A, %ne3A_243 : i32
      %and3A = arith.andi %ne3A, %ne3A_244 : i1
      %sub3A = arith.constant 1 : i32
      %sub3A_245 = arith.subi %div3A, %sub3A : i32
      %select_n3A = arith.select %and3A, %sub3A_245, %div3A : i32
      %broadcast_in_dim3A = vector.broadcast %add3A_229 : i32 to vector<16xi32>
      %gather3A = tpu.vector_load_idx %arg9[%broadcast_in_dim3A] : memref<1280xf32, #tpu.memory_space<vmem>>[vector<16xi32>], vector<16xf32>,
      %get3A = arith.index_cast %select_n3A : i32 to index
      %get3A_246 = arith.constant 0 : index
      %get3A_247 = tpu.vector_load %arg13[%get3A, %get3A_246] {strides = array<i32>} : memref<256x112xf32, #tpu.memory_space<vmem>>, vector<16xf32>,
      %get3A_248 = arith.index_cast %scan3A_226 : i32 to index
      %get3A_249 = arith.constant 0 : index
      %get3A_250 = tpu.vector_load %arg11[%get3A_248, %get3A_249] {strides = array<i32>} : memref<128x128xf32, #tpu.memory_space<vmem>>, vector<16xf32>,
      %mul3A_251 = arith.mulf %gather3A, %get3A_250 : vector<16xf32>
      %add3A_252 = arith.addf %get3A_247, %mul3A_251 : vector<16xf32>
      %swap3A = arith.index_cast %select_n3A : i32 to index
      %swap3A_253 = arith.constant 0 : index
      %swap3A_254 = tpu.vector_load %arg13[%swap3A, %swap3A_253] {strides = array<i32>} : memref<256x112xf32, #tpu.memory_space<vmem>>, vector<16xf32>,
      tpu.vector_store %arg13[%swap3A, %swap3A_253], %add3A_252 {strides = array<i32>} : memref<256x112xf32, #tpu.memory_space<vmem>>, vector<16xf32>,
      %get3A_255 = arith.index_cast %select_n3A : i32 to index
      %get3A_256 = arith.constant 16 : index
      %get3A_257 = tpu.vector_load %arg13[%get3A_255, %get3A_256] {strides = array<i32>} : memref<256x112xf32, #tpu.memory_space<vmem>>, vector<16xf32>,
      %get3A_258 = arith.index_cast %scan3A_226 : i32 to index
      %get3A_259 = arith.constant 16 : index
      %get3A_260 = tpu.vector_load %arg11[%get3A_258, %get3A_259] {strides = array<i32>} : memref<128x128xf32, #tpu.memory_space<vmem>>, vector<16xf32>,
      %mul3A_261 = arith.mulf %gather3A, %get3A_260 : vector<16xf32>
      %add3A_262 = arith.addf %get3A_257, %mul3A_261 : vector<16xf32>
      %swap3A_263 = arith.index_cast %select_n3A : i32 to index
      %swap3A_264 = arith.constant 16 : index
      %swap3A_265 = tpu.vector_load %arg13[%swap3A_263, %swap3A_264] {strides = array<i32>} : memref<256x112xf32, #tpu.memory_space<vmem>>, vector<16xf32>,
      tpu.vector_store %arg13[%swap3A_263, %swap3A_264], %add3A_262 {strides = array<i32>} : memref<256x112xf32, #tpu.memory_space<vmem>>, vector<16xf32>,
      %get3A_266 = arith.index_cast %select_n3A : i32 to index
      %get3A_267 = arith.constant 32 : index
      %get3A_268 = tpu.vector_load %arg13[%get3A_266, %get3A_267] {strides = array<i32>} : memref<256x112xf32, #tpu.memory_space<vmem>>, vector<16xf32>,
      %get3A_269 = arith.index_cast %scan3A_226 : i32 to index
      %get3A_270 = arith.constant 32 : index
      %get3A_271 = tpu.vector_load %arg11[%get3A_269, %get3A_270] {strides = array<i32>} : memref<128x128xf32, #tpu.memory_space<vmem>>, vector<16xf32>,
      %mul3A_272 = arith.mulf %gather3A, %get3A_271 : vector<16xf32>
      %add3A_273 = arith.addf %get3A_268, %mul3A_272 : vector<16xf32>
      %swap3A_274 = arith.index_cast %select_n3A : i32 to index
      %swap3A_275 = arith.constant 32 : index
      %swap3A_276 = tpu.vector_load %arg13[%swap3A_274, %swap3A_275] {strides = array<i32>} : memref<256x112xf32, #tpu.memory_space<vmem>>, vector<16xf32>,
      tpu.vector_store %arg13[%swap3A_274, %swap3A_275], %add3A_273 {strides = array<i32>} : memref<256x112xf32, #tpu.memory_space<vmem>>, vector<16xf32>,
      %get3A_277 = arith.index_cast %select_n3A : i32 to index
      %get3A_278 = arith.constant 48 : index
      %get3A_279 = tpu.vector_load %arg13[%get3A_277, %get3A_278] {strides = array<i32>} : memref<256x112xf32, #tpu.memory_space<vmem>>, vector<16xf32>,
      %get3A_280 = arith.index_cast %scan3A_226 : i32 to index
      %get3A_281 = arith.constant 48 : index
      %get3A_282 = tpu.vector_load %arg11[%get3A_280, %get3A_281] {strides = array<i32>} : memref<128x128xf32, #tpu.memory_space<vmem>>, vector<16xf32>,
      %mul3A_283 = arith.mulf %gather3A, %get3A_282 : vector<16xf32>
      %add3A_284 = arith.addf %get3A_279, %mul3A_283 : vector<16xf32>
      %swap3A_285 = arith.index_cast %select_n3A : i32 to index
      %swap3A_286 = arith.constant 48 : index
      %swap3A_287 = tpu.vector_load %arg13[%swap3A_285, %swap3A_286] {strides = array<i32>} : memref<256x112xf32, #tpu.memory_space<vmem>>, vector<16xf32>,
      tpu.vector_store %arg13[%swap3A_285, %swap3A_286], %add3A_284 {strides = array<i32>} : memref<256x112xf32, #tpu.memory_space<vmem>>, vector<16xf32>,
      %get3A_288 = arith.index_cast %select_n3A : i32 to index
      %get3A_289 = arith.constant 64 : index
      %get3A_290 = tpu.vector_load %arg13[%get3A_288, %get3A_289] {strides = array<i32>} : memref<256x112xf32, #tpu.memory_space<vmem>>, vector<16xf32>,
      %get3A_291 = arith.index_cast %scan3A_226 : i32 to index
      %get3A_292 = arith.constant 64 : index
      %get3A_293 = tpu.vector_load %arg11[%get3A_291, %get3A_292] {strides = array<i32>} : memref<128x128xf32, #tpu.memory_space<vmem>>, vector<16xf32>,
      %mul3A_294 = arith.mulf %gather3A, %get3A_293 : vector<16xf32>
      %add3A_295 = arith.addf %get3A_290, %mul3A_294 : vector<16xf32>
      %swap3A_296 = arith.index_cast %select_n3A : i32 to index
      %swap3A_297 = arith.constant 64 : index
      %swap3A_298 = tpu.vector_load %arg13[%swap3A_296, %swap3A_297] {strides = array<i32>} : memref<256x112xf32, #tpu.memory_space<vmem>>, vector<16xf32>,
      tpu.vector_store %arg13[%swap3A_296, %swap3A_297], %add3A_295 {strides = array<i32>} : memref<256x112xf32, #tpu.memory_space<vmem>>, vector<16xf32>,
      %get3A_299 = arith.index_cast %select_n3A : i32 to index
      %get3A_300 = arith.constant 80 : index
      %get3A_301 = tpu.vector_load %arg13[%get3A_299, %get3A_300] {strides = array<i32>} : memref<256x112xf32, #tpu.memory_space<vmem>>, vector<16xf32>,
      %get3A_302 = arith.index_cast %scan3A_226 : i32 to index
      %get3A_303 = arith.constant 80 : index
      %get3A_304 = tpu.vector_load %arg11[%get3A_302, %get3A_303] {strides = array<i32>} : memref<128x128xf32, #tpu.memory_space<vmem>>, vector<16xf32>,
      %mul3A_305 = arith.mulf %gather3A, %get3A_304 : vector<16xf32>
      %add3A_306 = arith.addf %get3A_301, %mul3A_305 : vector<16xf32>
      %swap3A_307 = arith.index_cast %select_n3A : i32 to index
      %swap3A_308 = arith.constant 80 : index
      %swap3A_309 = tpu.vector_load %arg13[%swap3A_307, %swap3A_308] {strides = array<i32>} : memref<256x112xf32, #tpu.memory_space<vmem>>, vector<16xf32>,
      tpu.vector_store %arg13[%swap3A_307, %swap3A_308], %add3A_306 {strides = array<i32>} : memref<256x112xf32, #tpu.memory_space<vmem>>, vector<16xf32>,
      %get3A_310 = arith.index_cast %select_n3A : i32 to index
      %get3A_311 = arith.constant 96 : index
      %get3A_312 = tpu.vector_load %arg13[%get3A_310, %get3A_311] {strides = array<i32>} : memref<256x112xf32, #tpu.memory_space<vmem>>, vector<16xf32>,
      %get3A_313 = arith.index_cast %scan3A_226 : i32 to index
      %get3A_314 = arith.constant 96 : index
      %get3A_315 = tpu.vector_load %arg11[%get3A_313, %get3A_314] {strides = array<i32>} : memref<128x128xf32, #tpu.memory_space<vmem>>, vector<16xf32>,
      %mul3A_316 = arith.mulf %gather3A, %get3A_315 : vector<16xf32>
      %add3A_317 = arith.addf %get3A_312, %mul3A_316 : vector<16xf32>
      %swap3A_318 = arith.index_cast %select_n3A : i32 to index
      %swap3A_319 = arith.constant 96 : index
      %swap3A_320 = tpu.vector_load %arg13[%swap3A_318, %swap3A_319] {strides = array<i32>} : memref<256x112xf32, #tpu.memory_space<vmem>>, vector<16xf32>,
      tpu.vector_store %arg13[%swap3A_318, %swap3A_319], %add3A_317 {strides = array<i32>} : memref<256x112xf32, #tpu.memory_space<vmem>>, vector<16xf32>,
      %scan3A_321 = arith.constant 0 : i32
      scf.yield %scan3A_321 : i32
    }
    %scan3A_85 = arith.constant 128 : i32
    %dma_start3A_86 = arith.constant 4 : i32
    %dma_start3A_87 = arith.constant 0 : i32
    %dma_start3A_88 = tpu.memref_slice %arg7[%dma_start3A_86, %dma_start3A_87] : memref<10x128xi32, #tpu.memory_space<vmem>> -> memref<1x128xi32, #tpu.memory_space<vmem>>
    %dma_start3A_89 = tpu.memref_squeeze %dma_start3A_88 : memref<1x128xi32, #tpu.memory_space<vmem>> -> memref<128xi32, #tpu.memory_space<vmem>>
    %dma_start3A_90 = arith.constant 0 : i32
    %dma_start3A_91 = arith.constant 0 : i32
    %dma_start3A_92 = tpu.memref_slice %arg5[%dma_start3A_90, %dma_start3A_91] : memref<8192x128xf32, #tpu.memory_space<hbm>> -> memref<8192x128xf32, #tpu.memory_space<hbm>>
    tpu.enqueue_indirect_dma source(%dma_start3A_92 : memref<8192x128xf32, #tpu.memory_space<hbm>>) target(%arg11 : memref<128x128xf32, #tpu.memory_space<vmem>>) offsets(%dma_start3A_89 : memref<128xi32, #tpu.memory_space<vmem>>) semaphore(%arg14 : memref<!tpu.dma_semaphore, #tpu.memory_space<semaphore_mem>>)
    %dma_wait3A_93 = arith.constant 3 : i32
    %dma_wait3A_94 = arith.constant 0 : i32
    %dma_wait3A_95 = tpu.memref_slice %arg7[%dma_wait3A_93, %dma_wait3A_94] : memref<10x128xi32, #tpu.memory_space<vmem>> -> memref<1x128xi32, #tpu.memory_space<vmem>>
    %dma_wait3A_96 = tpu.memref_squeeze %dma_wait3A_95 : memref<1x128xi32, #tpu.memory_space<vmem>> -> memref<128xi32, #tpu.memory_space<vmem>>
    %dma_wait3A_97 = arith.constant 0 : i32
    %dma_wait3A_98 = arith.constant 0 : i32
    %dma_wait3A_99 = tpu.memref_slice %arg5[%dma_wait3A_97, %dma_wait3A_98] : memref<8192x128xf32, #tpu.memory_space<hbm>> -> memref<8192x128xf32, #tpu.memory_space<hbm>>
    tpu.wait_indirect_dma semaphore(%arg15 : memref<!tpu.dma_semaphore, #tpu.memory_space<semaphore_mem>>) src(%dma_wait3A_99 : memref<8192x128xf32, #tpu.memory_space<hbm>>) dst(%arg12 : memref<128x128xf32, #tpu.memory_space<vmem>>)
    %scan3A_100 = arith.constant 0 : i32
    %scan3A_101 = arith.constant 0 : i32
    %scan3A_102 = arith.constant 128 : i32
    %scan3A_103 = arith.addi %scan3A_101, %scan3A_102 : i32
    %scan3A_104 = arith.constant 1 : i32
    %scan3A_105 = scf.for %scan3A_226 = %scan3A_101 to %scan3A_103 step %scan3A_104 iter_args(%scan3A_227 = %scan3A_100) -> (i32)  : i32 {
      %add3A_228 = arith.constant 384 : i32
      %add3A_229 = arith.addi %add3A_228, %scan3A_226 : i32
      %jit3A = arith.constant 5 : i32
      %div3A = arith.divsi %add3A_229, %jit3A : i32
      %sign3A = arith.constant 0 : i32
      %sign3A_230 = arith.cmpi sgt, %add3A_229, %sign3A : i32
      %sign3A_231 = arith.extui %sign3A_230 : i1 to i32
      %sign3A_232 = arith.constant 0 : i32
      %sign3A_233 = arith.cmpi slt, %add3A_229, %sign3A_232 : i32
      %sign3A_234 = arith.extui %sign3A_233 : i1 to i32
      %sign3A_235 = arith.subi %sign3A_231, %sign3A_234 : i32
      %sign3A_236 = arith.constant 0 : i32
      %sign3A_237 = arith.cmpi sgt, %jit3A, %sign3A_236 : i32
      %sign3A_238 = arith.extui %sign3A_237 : i1 to i32
      %sign3A_239 = arith.constant 0 : i32
      %sign3A_240 = arith.cmpi slt, %jit3A, %sign3A_239 : i32
      %sign3A_241 = arith.extui %sign3A_240 : i1 to i32
      %sign3A_242 = arith.subi %sign3A_238, %sign3A_241 : i32
      %ne3A = arith.cmpi ne, %sign3A_235, %sign3A_242 : i32
      %rem3A = arith.remsi %add3A_229, %jit3A : i32
      %ne3A_243 = arith.constant 0 : i32
      %ne3A_244 = arith.cmpi ne, %rem3A, %ne3A_243 : i32
      %and3A = arith.andi %ne3A, %ne3A_244 : i1
      %sub3A = arith.constant 1 : i32
      %sub3A_245 = arith.subi %div3A, %sub3A : i32
      %select_n3A = arith.select %and3A, %sub3A_245, %div3A : i32
      %broadcast_in_dim3A = vector.broadcast %add3A_229 : i32 to vector<16xi32>
      %gather3A = tpu.vector_load_idx %arg9[%broadcast_in_dim3A] : memref<1280xf32, #tpu.memory_space<vmem>>[vector<16xi32>], vector<16xf32>,
      %get3A = arith.index_cast %select_n3A : i32 to index
      %get3A_246 = arith.constant 0 : index
      %get3A_247 = tpu.vector_load %arg13[%get3A, %get3A_246] {strides = array<i32>} : memref<256x112xf32, #tpu.memory_space<vmem>>, vector<16xf32>,
      %get3A_248 = arith.index_cast %scan3A_226 : i32 to index
      %get3A_249 = arith.constant 0 : index
      %get3A_250 = tpu.vector_load %arg12[%get3A_248, %get3A_249] {strides = array<i32>} : memref<128x128xf32, #tpu.memory_space<vmem>>, vector<16xf32>,
      %mul3A_251 = arith.mulf %gather3A, %get3A_250 : vector<16xf32>
      %add3A_252 = arith.addf %get3A_247, %mul3A_251 : vector<16xf32>
      %swap3A = arith.index_cast %select_n3A : i32 to index
      %swap3A_253 = arith.constant 0 : index
      %swap3A_254 = tpu.vector_load %arg13[%swap3A, %swap3A_253] {strides = array<i32>} : memref<256x112xf32, #tpu.memory_space<vmem>>, vector<16xf32>,
      tpu.vector_store %arg13[%swap3A, %swap3A_253], %add3A_252 {strides = array<i32>} : memref<256x112xf32, #tpu.memory_space<vmem>>, vector<16xf32>,
      %get3A_255 = arith.index_cast %select_n3A : i32 to index
      %get3A_256 = arith.constant 16 : index
      %get3A_257 = tpu.vector_load %arg13[%get3A_255, %get3A_256] {strides = array<i32>} : memref<256x112xf32, #tpu.memory_space<vmem>>, vector<16xf32>,
      %get3A_258 = arith.index_cast %scan3A_226 : i32 to index
      %get3A_259 = arith.constant 16 : index
      %get3A_260 = tpu.vector_load %arg12[%get3A_258, %get3A_259] {strides = array<i32>} : memref<128x128xf32, #tpu.memory_space<vmem>>, vector<16xf32>,
      %mul3A_261 = arith.mulf %gather3A, %get3A_260 : vector<16xf32>
      %add3A_262 = arith.addf %get3A_257, %mul3A_261 : vector<16xf32>
      %swap3A_263 = arith.index_cast %select_n3A : i32 to index
      %swap3A_264 = arith.constant 16 : index
      %swap3A_265 = tpu.vector_load %arg13[%swap3A_263, %swap3A_264] {strides = array<i32>} : memref<256x112xf32, #tpu.memory_space<vmem>>, vector<16xf32>,
      tpu.vector_store %arg13[%swap3A_263, %swap3A_264], %add3A_262 {strides = array<i32>} : memref<256x112xf32, #tpu.memory_space<vmem>>, vector<16xf32>,
      %get3A_266 = arith.index_cast %select_n3A : i32 to index
      %get3A_267 = arith.constant 32 : index
      %get3A_268 = tpu.vector_load %arg13[%get3A_266, %get3A_267] {strides = array<i32>} : memref<256x112xf32, #tpu.memory_space<vmem>>, vector<16xf32>,
      %get3A_269 = arith.index_cast %scan3A_226 : i32 to index
      %get3A_270 = arith.constant 32 : index
      %get3A_271 = tpu.vector_load %arg12[%get3A_269, %get3A_270] {strides = array<i32>} : memref<128x128xf32, #tpu.memory_space<vmem>>, vector<16xf32>,
      %mul3A_272 = arith.mulf %gather3A, %get3A_271 : vector<16xf32>
      %add3A_273 = arith.addf %get3A_268, %mul3A_272 : vector<16xf32>
      %swap3A_274 = arith.index_cast %select_n3A : i32 to index
      %swap3A_275 = arith.constant 32 : index
      %swap3A_276 = tpu.vector_load %arg13[%swap3A_274, %swap3A_275] {strides = array<i32>} : memref<256x112xf32, #tpu.memory_space<vmem>>, vector<16xf32>,
      tpu.vector_store %arg13[%swap3A_274, %swap3A_275], %add3A_273 {strides = array<i32>} : memref<256x112xf32, #tpu.memory_space<vmem>>, vector<16xf32>,
      %get3A_277 = arith.index_cast %select_n3A : i32 to index
      %get3A_278 = arith.constant 48 : index
      %get3A_279 = tpu.vector_load %arg13[%get3A_277, %get3A_278] {strides = array<i32>} : memref<256x112xf32, #tpu.memory_space<vmem>>, vector<16xf32>,
      %get3A_280 = arith.index_cast %scan3A_226 : i32 to index
      %get3A_281 = arith.constant 48 : index
      %get3A_282 = tpu.vector_load %arg12[%get3A_280, %get3A_281] {strides = array<i32>} : memref<128x128xf32, #tpu.memory_space<vmem>>, vector<16xf32>,
      %mul3A_283 = arith.mulf %gather3A, %get3A_282 : vector<16xf32>
      %add3A_284 = arith.addf %get3A_279, %mul3A_283 : vector<16xf32>
      %swap3A_285 = arith.index_cast %select_n3A : i32 to index
      %swap3A_286 = arith.constant 48 : index
      %swap3A_287 = tpu.vector_load %arg13[%swap3A_285, %swap3A_286] {strides = array<i32>} : memref<256x112xf32, #tpu.memory_space<vmem>>, vector<16xf32>,
      tpu.vector_store %arg13[%swap3A_285, %swap3A_286], %add3A_284 {strides = array<i32>} : memref<256x112xf32, #tpu.memory_space<vmem>>, vector<16xf32>,
      %get3A_288 = arith.index_cast %select_n3A : i32 to index
      %get3A_289 = arith.constant 64 : index
      %get3A_290 = tpu.vector_load %arg13[%get3A_288, %get3A_289] {strides = array<i32>} : memref<256x112xf32, #tpu.memory_space<vmem>>, vector<16xf32>,
      %get3A_291 = arith.index_cast %scan3A_226 : i32 to index
      %get3A_292 = arith.constant 64 : index
      %get3A_293 = tpu.vector_load %arg12[%get3A_291, %get3A_292] {strides = array<i32>} : memref<128x128xf32, #tpu.memory_space<vmem>>, vector<16xf32>,
      %mul3A_294 = arith.mulf %gather3A, %get3A_293 : vector<16xf32>
      %add3A_295 = arith.addf %get3A_290, %mul3A_294 : vector<16xf32>
      %swap3A_296 = arith.index_cast %select_n3A : i32 to index
      %swap3A_297 = arith.constant 64 : index
      %swap3A_298 = tpu.vector_load %arg13[%swap3A_296, %swap3A_297] {strides = array<i32>} : memref<256x112xf32, #tpu.memory_space<vmem>>, vector<16xf32>,
      tpu.vector_store %arg13[%swap3A_296, %swap3A_297], %add3A_295 {strides = array<i32>} : memref<256x112xf32, #tpu.memory_space<vmem>>, vector<16xf32>,
      %get3A_299 = arith.index_cast %select_n3A : i32 to index
      %get3A_300 = arith.constant 80 : index
      %get3A_301 = tpu.vector_load %arg13[%get3A_299, %get3A_300] {strides = array<i32>} : memref<256x112xf32, #tpu.memory_space<vmem>>, vector<16xf32>,
      %get3A_302 = arith.index_cast %scan3A_226 : i32 to index
      %get3A_303 = arith.constant 80 : index
      %get3A_304 = tpu.vector_load %arg12[%get3A_302, %get3A_303] {strides = array<i32>} : memref<128x128xf32, #tpu.memory_space<vmem>>, vector<16xf32>,
      %mul3A_305 = arith.mulf %gather3A, %get3A_304 : vector<16xf32>
      %add3A_306 = arith.addf %get3A_301, %mul3A_305 : vector<16xf32>
      %swap3A_307 = arith.index_cast %select_n3A : i32 to index
      %swap3A_308 = arith.constant 80 : index
      %swap3A_309 = tpu.vector_load %arg13[%swap3A_307, %swap3A_308] {strides = array<i32>} : memref<256x112xf32, #tpu.memory_space<vmem>>, vector<16xf32>,
      tpu.vector_store %arg13[%swap3A_307, %swap3A_308], %add3A_306 {strides = array<i32>} : memref<256x112xf32, #tpu.memory_space<vmem>>, vector<16xf32>,
      %get3A_310 = arith.index_cast %select_n3A : i32 to index
      %get3A_311 = arith.constant 96 : index
      %get3A_312 = tpu.vector_load %arg13[%get3A_310, %get3A_311] {strides = array<i32>} : memref<256x112xf32, #tpu.memory_space<vmem>>, vector<16xf32>,
      %get3A_313 = arith.index_cast %scan3A_226 : i32 to index
      %get3A_314 = arith.constant 96 : index
      %get3A_315 = tpu.vector_load %arg12[%get3A_313, %get3A_314] {strides = array<i32>} : memref<128x128xf32, #tpu.memory_space<vmem>>, vector<16xf32>,
      %mul3A_316 = arith.mulf %gather3A, %get3A_315 : vector<16xf32>
      %add3A_317 = arith.addf %get3A_312, %mul3A_316 : vector<16xf32>
      %swap3A_318 = arith.index_cast %select_n3A : i32 to index
      %swap3A_319 = arith.constant 96 : index
      %swap3A_320 = tpu.vector_load %arg13[%swap3A_318, %swap3A_319] {strides = array<i32>} : memref<256x112xf32, #tpu.memory_space<vmem>>, vector<16xf32>,
      tpu.vector_store %arg13[%swap3A_318, %swap3A_319], %add3A_317 {strides = array<i32>} : memref<256x112xf32, #tpu.memory_space<vmem>>, vector<16xf32>,
      %scan3A_321 = arith.constant 0 : i32
      scf.yield %scan3A_321 : i32
    }
    %scan3A_106 = arith.constant 128 : i32
    %dma_start3A_107 = arith.constant 5 : i32
    %dma_start3A_108 = arith.constant 0 : i32
    %dma_start3A_109 = tpu.memref_slice %arg7[%dma_start3A_107, %dma_start3A_108] : memref<10x128xi32, #tpu.memory_space<vmem>> -> memref<1x128xi32, #tpu.memory_space<vmem>>
    %dma_start3A_110 = tpu.memref_squeeze %dma_start3A_109 : memref<1x128xi32, #tpu.memory_space<vmem>> -> memref<128xi32, #tpu.memory_space<vmem>>
    %dma_start3A_111 = arith.constant 0 : i32
    %dma_start3A_112 = arith.constant 0 : i32
    %dma_start3A_113 = tpu.memref_slice %arg5[%dma_start3A_111, %dma_start3A_112] : memref<8192x128xf32, #tpu.memory_space<hbm>> -> memref<8192x128xf32, #tpu.memory_space<hbm>>
    tpu.enqueue_indirect_dma source(%dma_start3A_113 : memref<8192x128xf32, #tpu.memory_space<hbm>>) target(%arg12 : memref<128x128xf32, #tpu.memory_space<vmem>>) offsets(%dma_start3A_110 : memref<128xi32, #tpu.memory_space<vmem>>) semaphore(%arg15 : memref<!tpu.dma_semaphore, #tpu.memory_space<semaphore_mem>>)
    %dma_wait3A_114 = arith.constant 4 : i32
    %dma_wait3A_115 = arith.constant 0 : i32
    %dma_wait3A_116 = tpu.memref_slice %arg7[%dma_wait3A_114, %dma_wait3A_115] : memref<10x128xi32, #tpu.memory_space<vmem>> -> memref<1x128xi32, #tpu.memory_space<vmem>>
    %dma_wait3A_117 = tpu.memref_squeeze %dma_wait3A_116 : memref<1x128xi32, #tpu.memory_space<vmem>> -> memref<128xi32, #tpu.memory_space<vmem>>
    %dma_wait3A_118 = arith.constant 0 : i32
    %dma_wait3A_119 = arith.constant 0 : i32
    %dma_wait3A_120 = tpu.memref_slice %arg5[%dma_wait3A_118, %dma_wait3A_119] : memref<8192x128xf32, #tpu.memory_space<hbm>> -> memref<8192x128xf32, #tpu.memory_space<hbm>>
    tpu.wait_indirect_dma semaphore(%arg14 : memref<!tpu.dma_semaphore, #tpu.memory_space<semaphore_mem>>) src(%dma_wait3A_120 : memref<8192x128xf32, #tpu.memory_space<hbm>>) dst(%arg11 : memref<128x128xf32, #tpu.memory_space<vmem>>)
    %scan3A_121 = arith.constant 0 : i32
    %scan3A_122 = arith.constant 0 : i32
    %scan3A_123 = arith.constant 128 : i32
    %scan3A_124 = arith.addi %scan3A_122, %scan3A_123 : i32
    %scan3A_125 = arith.constant 1 : i32
    %scan3A_126 = scf.for %scan3A_226 = %scan3A_122 to %scan3A_124 step %scan3A_125 iter_args(%scan3A_227 = %scan3A_121) -> (i32)  : i32 {
      %add3A_228 = arith.constant 512 : i32
      %add3A_229 = arith.addi %add3A_228, %scan3A_226 : i32
      %jit3A = arith.constant 5 : i32
      %div3A = arith.divsi %add3A_229, %jit3A : i32
      %sign3A = arith.constant 0 : i32
      %sign3A_230 = arith.cmpi sgt, %add3A_229, %sign3A : i32
      %sign3A_231 = arith.extui %sign3A_230 : i1 to i32
      %sign3A_232 = arith.constant 0 : i32
      %sign3A_233 = arith.cmpi slt, %add3A_229, %sign3A_232 : i32
      %sign3A_234 = arith.extui %sign3A_233 : i1 to i32
      %sign3A_235 = arith.subi %sign3A_231, %sign3A_234 : i32
      %sign3A_236 = arith.constant 0 : i32
      %sign3A_237 = arith.cmpi sgt, %jit3A, %sign3A_236 : i32
      %sign3A_238 = arith.extui %sign3A_237 : i1 to i32
      %sign3A_239 = arith.constant 0 : i32
      %sign3A_240 = arith.cmpi slt, %jit3A, %sign3A_239 : i32
      %sign3A_241 = arith.extui %sign3A_240 : i1 to i32
      %sign3A_242 = arith.subi %sign3A_238, %sign3A_241 : i32
      %ne3A = arith.cmpi ne, %sign3A_235, %sign3A_242 : i32
      %rem3A = arith.remsi %add3A_229, %jit3A : i32
      %ne3A_243 = arith.constant 0 : i32
      %ne3A_244 = arith.cmpi ne, %rem3A, %ne3A_243 : i32
      %and3A = arith.andi %ne3A, %ne3A_244 : i1
      %sub3A = arith.constant 1 : i32
      %sub3A_245 = arith.subi %div3A, %sub3A : i32
      %select_n3A = arith.select %and3A, %sub3A_245, %div3A : i32
      %broadcast_in_dim3A = vector.broadcast %add3A_229 : i32 to vector<16xi32>
      %gather3A = tpu.vector_load_idx %arg9[%broadcast_in_dim3A] : memref<1280xf32, #tpu.memory_space<vmem>>[vector<16xi32>], vector<16xf32>,
      %get3A = arith.index_cast %select_n3A : i32 to index
      %get3A_246 = arith.constant 0 : index
      %get3A_247 = tpu.vector_load %arg13[%get3A, %get3A_246] {strides = array<i32>} : memref<256x112xf32, #tpu.memory_space<vmem>>, vector<16xf32>,
      %get3A_248 = arith.index_cast %scan3A_226 : i32 to index
      %get3A_249 = arith.constant 0 : index
      %get3A_250 = tpu.vector_load %arg11[%get3A_248, %get3A_249] {strides = array<i32>} : memref<128x128xf32, #tpu.memory_space<vmem>>, vector<16xf32>,
      %mul3A_251 = arith.mulf %gather3A, %get3A_250 : vector<16xf32>
      %add3A_252 = arith.addf %get3A_247, %mul3A_251 : vector<16xf32>
      %swap3A = arith.index_cast %select_n3A : i32 to index
      %swap3A_253 = arith.constant 0 : index
      %swap3A_254 = tpu.vector_load %arg13[%swap3A, %swap3A_253] {strides = array<i32>} : memref<256x112xf32, #tpu.memory_space<vmem>>, vector<16xf32>,
      tpu.vector_store %arg13[%swap3A, %swap3A_253], %add3A_252 {strides = array<i32>} : memref<256x112xf32, #tpu.memory_space<vmem>>, vector<16xf32>,
      %get3A_255 = arith.index_cast %select_n3A : i32 to index
      %get3A_256 = arith.constant 16 : index
      %get3A_257 = tpu.vector_load %arg13[%get3A_255, %get3A_256] {strides = array<i32>} : memref<256x112xf32, #tpu.memory_space<vmem>>, vector<16xf32>,
      %get3A_258 = arith.index_cast %scan3A_226 : i32 to index
      %get3A_259 = arith.constant 16 : index
      %get3A_260 = tpu.vector_load %arg11[%get3A_258, %get3A_259] {strides = array<i32>} : memref<128x128xf32, #tpu.memory_space<vmem>>, vector<16xf32>,
      %mul3A_261 = arith.mulf %gather3A, %get3A_260 : vector<16xf32>
      %add3A_262 = arith.addf %get3A_257, %mul3A_261 : vector<16xf32>
      %swap3A_263 = arith.index_cast %select_n3A : i32 to index
      %swap3A_264 = arith.constant 16 : index
      %swap3A_265 = tpu.vector_load %arg13[%swap3A_263, %swap3A_264] {strides = array<i32>} : memref<256x112xf32, #tpu.memory_space<vmem>>, vector<16xf32>,
      tpu.vector_store %arg13[%swap3A_263, %swap3A_264], %add3A_262 {strides = array<i32>} : memref<256x112xf32, #tpu.memory_space<vmem>>, vector<16xf32>,
      %get3A_266 = arith.index_cast %select_n3A : i32 to index
      %get3A_267 = arith.constant 32 : index
      %get3A_268 = tpu.vector_load %arg13[%get3A_266, %get3A_267] {strides = array<i32>} : memref<256x112xf32, #tpu.memory_space<vmem>>, vector<16xf32>,
      %get3A_269 = arith.index_cast %scan3A_226 : i32 to index
      %get3A_270 = arith.constant 32 : index
      %get3A_271 = tpu.vector_load %arg11[%get3A_269, %get3A_270] {strides = array<i32>} : memref<128x128xf32, #tpu.memory_space<vmem>>, vector<16xf32>,
      %mul3A_272 = arith.mulf %gather3A, %get3A_271 : vector<16xf32>
      %add3A_273 = arith.addf %get3A_268, %mul3A_272 : vector<16xf32>
      %swap3A_274 = arith.index_cast %select_n3A : i32 to index
      %swap3A_275 = arith.constant 32 : index
      %swap3A_276 = tpu.vector_load %arg13[%swap3A_274, %swap3A_275] {strides = array<i32>} : memref<256x112xf32, #tpu.memory_space<vmem>>, vector<16xf32>,
      tpu.vector_store %arg13[%swap3A_274, %swap3A_275], %add3A_273 {strides = array<i32>} : memref<256x112xf32, #tpu.memory_space<vmem>>, vector<16xf32>,
      %get3A_277 = arith.index_cast %select_n3A : i32 to index
      %get3A_278 = arith.constant 48 : index
      %get3A_279 = tpu.vector_load %arg13[%get3A_277, %get3A_278] {strides = array<i32>} : memref<256x112xf32, #tpu.memory_space<vmem>>, vector<16xf32>,
      %get3A_280 = arith.index_cast %scan3A_226 : i32 to index
      %get3A_281 = arith.constant 48 : index
      %get3A_282 = tpu.vector_load %arg11[%get3A_280, %get3A_281] {strides = array<i32>} : memref<128x128xf32, #tpu.memory_space<vmem>>, vector<16xf32>,
      %mul3A_283 = arith.mulf %gather3A, %get3A_282 : vector<16xf32>
      %add3A_284 = arith.addf %get3A_279, %mul3A_283 : vector<16xf32>
      %swap3A_285 = arith.index_cast %select_n3A : i32 to index
      %swap3A_286 = arith.constant 48 : index
      %swap3A_287 = tpu.vector_load %arg13[%swap3A_285, %swap3A_286] {strides = array<i32>} : memref<256x112xf32, #tpu.memory_space<vmem>>, vector<16xf32>,
      tpu.vector_store %arg13[%swap3A_285, %swap3A_286], %add3A_284 {strides = array<i32>} : memref<256x112xf32, #tpu.memory_space<vmem>>, vector<16xf32>,
      %get3A_288 = arith.index_cast %select_n3A : i32 to index
      %get3A_289 = arith.constant 64 : index
      %get3A_290 = tpu.vector_load %arg13[%get3A_288, %get3A_289] {strides = array<i32>} : memref<256x112xf32, #tpu.memory_space<vmem>>, vector<16xf32>,
      %get3A_291 = arith.index_cast %scan3A_226 : i32 to index
      %get3A_292 = arith.constant 64 : index
      %get3A_293 = tpu.vector_load %arg11[%get3A_291, %get3A_292] {strides = array<i32>} : memref<128x128xf32, #tpu.memory_space<vmem>>, vector<16xf32>,
      %mul3A_294 = arith.mulf %gather3A, %get3A_293 : vector<16xf32>
      %add3A_295 = arith.addf %get3A_290, %mul3A_294 : vector<16xf32>
      %swap3A_296 = arith.index_cast %select_n3A : i32 to index
      %swap3A_297 = arith.constant 64 : index
      %swap3A_298 = tpu.vector_load %arg13[%swap3A_296, %swap3A_297] {strides = array<i32>} : memref<256x112xf32, #tpu.memory_space<vmem>>, vector<16xf32>,
      tpu.vector_store %arg13[%swap3A_296, %swap3A_297], %add3A_295 {strides = array<i32>} : memref<256x112xf32, #tpu.memory_space<vmem>>, vector<16xf32>,
      %get3A_299 = arith.index_cast %select_n3A : i32 to index
      %get3A_300 = arith.constant 80 : index
      %get3A_301 = tpu.vector_load %arg13[%get3A_299, %get3A_300] {strides = array<i32>} : memref<256x112xf32, #tpu.memory_space<vmem>>, vector<16xf32>,
      %get3A_302 = arith.index_cast %scan3A_226 : i32 to index
      %get3A_303 = arith.constant 80 : index
      %get3A_304 = tpu.vector_load %arg11[%get3A_302, %get3A_303] {strides = array<i32>} : memref<128x128xf32, #tpu.memory_space<vmem>>, vector<16xf32>,
      %mul3A_305 = arith.mulf %gather3A, %get3A_304 : vector<16xf32>
      %add3A_306 = arith.addf %get3A_301, %mul3A_305 : vector<16xf32>
      %swap3A_307 = arith.index_cast %select_n3A : i32 to index
      %swap3A_308 = arith.constant 80 : index
      %swap3A_309 = tpu.vector_load %arg13[%swap3A_307, %swap3A_308] {strides = array<i32>} : memref<256x112xf32, #tpu.memory_space<vmem>>, vector<16xf32>,
      tpu.vector_store %arg13[%swap3A_307, %swap3A_308], %add3A_306 {strides = array<i32>} : memref<256x112xf32, #tpu.memory_space<vmem>>, vector<16xf32>,
      %get3A_310 = arith.index_cast %select_n3A : i32 to index
      %get3A_311 = arith.constant 96 : index
      %get3A_312 = tpu.vector_load %arg13[%get3A_310, %get3A_311] {strides = array<i32>} : memref<256x112xf32, #tpu.memory_space<vmem>>, vector<16xf32>,
      %get3A_313 = arith.index_cast %scan3A_226 : i32 to index
      %get3A_314 = arith.constant 96 : index
      %get3A_315 = tpu.vector_load %arg11[%get3A_313, %get3A_314] {strides = array<i32>} : memref<128x128xf32, #tpu.memory_space<vmem>>, vector<16xf32>,
      %mul3A_316 = arith.mulf %gather3A, %get3A_315 : vector<16xf32>
      %add3A_317 = arith.addf %get3A_312, %mul3A_316 : vector<16xf32>
      %swap3A_318 = arith.index_cast %select_n3A : i32 to index
      %swap3A_319 = arith.constant 96 : index
      %swap3A_320 = tpu.vector_load %arg13[%swap3A_318, %swap3A_319] {strides = array<i32>} : memref<256x112xf32, #tpu.memory_space<vmem>>, vector<16xf32>,
      tpu.vector_store %arg13[%swap3A_318, %swap3A_319], %add3A_317 {strides = array<i32>} : memref<256x112xf32, #tpu.memory_space<vmem>>, vector<16xf32>,
      %scan3A_321 = arith.constant 0 : i32
      scf.yield %scan3A_321 : i32
    }
    %scan3A_127 = arith.constant 128 : i32
    %dma_start3A_128 = arith.constant 6 : i32
    %dma_start3A_129 = arith.constant 0 : i32
    %dma_start3A_130 = tpu.memref_slice %arg7[%dma_start3A_128, %dma_start3A_129] : memref<10x128xi32, #tpu.memory_space<vmem>> -> memref<1x128xi32, #tpu.memory_space<vmem>>
    %dma_start3A_131 = tpu.memref_squeeze %dma_start3A_130 : memref<1x128xi32, #tpu.memory_space<vmem>> -> memref<128xi32, #tpu.memory_space<vmem>>
    %dma_start3A_132 = arith.constant 0 : i32
    %dma_start3A_133 = arith.constant 0 : i32
    %dma_start3A_134 = tpu.memref_slice %arg5[%dma_start3A_132, %dma_start3A_133] : memref<8192x128xf32, #tpu.memory_space<hbm>> -> memref<8192x128xf32, #tpu.memory_space<hbm>>
    tpu.enqueue_indirect_dma source(%dma_start3A_134 : memref<8192x128xf32, #tpu.memory_space<hbm>>) target(%arg11 : memref<128x128xf32, #tpu.memory_space<vmem>>) offsets(%dma_start3A_131 : memref<128xi32, #tpu.memory_space<vmem>>) semaphore(%arg14 : memref<!tpu.dma_semaphore, #tpu.memory_space<semaphore_mem>>)
    %dma_wait3A_135 = arith.constant 5 : i32
    %dma_wait3A_136 = arith.constant 0 : i32
    %dma_wait3A_137 = tpu.memref_slice %arg7[%dma_wait3A_135, %dma_wait3A_136] : memref<10x128xi32, #tpu.memory_space<vmem>> -> memref<1x128xi32, #tpu.memory_space<vmem>>
    %dma_wait3A_138 = tpu.memref_squeeze %dma_wait3A_137 : memref<1x128xi32, #tpu.memory_space<vmem>> -> memref<128xi32, #tpu.memory_space<vmem>>
    %dma_wait3A_139 = arith.constant 0 : i32
    %dma_wait3A_140 = arith.constant 0 : i32
    %dma_wait3A_141 = tpu.memref_slice %arg5[%dma_wait3A_139, %dma_wait3A_140] : memref<8192x128xf32, #tpu.memory_space<hbm>> -> memref<8192x128xf32, #tpu.memory_space<hbm>>
    tpu.wait_indirect_dma semaphore(%arg15 : memref<!tpu.dma_semaphore, #tpu.memory_space<semaphore_mem>>) src(%dma_wait3A_141 : memref<8192x128xf32, #tpu.memory_space<hbm>>) dst(%arg12 : memref<128x128xf32, #tpu.memory_space<vmem>>)
    %scan3A_142 = arith.constant 0 : i32
    %scan3A_143 = arith.constant 0 : i32
    %scan3A_144 = arith.constant 128 : i32
    %scan3A_145 = arith.addi %scan3A_143, %scan3A_144 : i32
    %scan3A_146 = arith.constant 1 : i32
    %scan3A_147 = scf.for %scan3A_226 = %scan3A_143 to %scan3A_145 step %scan3A_146 iter_args(%scan3A_227 = %scan3A_142) -> (i32)  : i32 {
      %add3A_228 = arith.constant 640 : i32
      %add3A_229 = arith.addi %add3A_228, %scan3A_226 : i32
      %jit3A = arith.constant 5 : i32
      %div3A = arith.divsi %add3A_229, %jit3A : i32
      %sign3A = arith.constant 0 : i32
      %sign3A_230 = arith.cmpi sgt, %add3A_229, %sign3A : i32
      %sign3A_231 = arith.extui %sign3A_230 : i1 to i32
      %sign3A_232 = arith.constant 0 : i32
      %sign3A_233 = arith.cmpi slt, %add3A_229, %sign3A_232 : i32
      %sign3A_234 = arith.extui %sign3A_233 : i1 to i32
      %sign3A_235 = arith.subi %sign3A_231, %sign3A_234 : i32
      %sign3A_236 = arith.constant 0 : i32
      %sign3A_237 = arith.cmpi sgt, %jit3A, %sign3A_236 : i32
      %sign3A_238 = arith.extui %sign3A_237 : i1 to i32
      %sign3A_239 = arith.constant 0 : i32
      %sign3A_240 = arith.cmpi slt, %jit3A, %sign3A_239 : i32
      %sign3A_241 = arith.extui %sign3A_240 : i1 to i32
      %sign3A_242 = arith.subi %sign3A_238, %sign3A_241 : i32
      %ne3A = arith.cmpi ne, %sign3A_235, %sign3A_242 : i32
      %rem3A = arith.remsi %add3A_229, %jit3A : i32
      %ne3A_243 = arith.constant 0 : i32
      %ne3A_244 = arith.cmpi ne, %rem3A, %ne3A_243 : i32
      %and3A = arith.andi %ne3A, %ne3A_244 : i1
      %sub3A = arith.constant 1 : i32
      %sub3A_245 = arith.subi %div3A, %sub3A : i32
      %select_n3A = arith.select %and3A, %sub3A_245, %div3A : i32
      %broadcast_in_dim3A = vector.broadcast %add3A_229 : i32 to vector<16xi32>
      %gather3A = tpu.vector_load_idx %arg9[%broadcast_in_dim3A] : memref<1280xf32, #tpu.memory_space<vmem>>[vector<16xi32>], vector<16xf32>,
      %get3A = arith.index_cast %select_n3A : i32 to index
      %get3A_246 = arith.constant 0 : index
      %get3A_247 = tpu.vector_load %arg13[%get3A, %get3A_246] {strides = array<i32>} : memref<256x112xf32, #tpu.memory_space<vmem>>, vector<16xf32>,
      %get3A_248 = arith.index_cast %scan3A_226 : i32 to index
      %get3A_249 = arith.constant 0 : index
      %get3A_250 = tpu.vector_load %arg12[%get3A_248, %get3A_249] {strides = array<i32>} : memref<128x128xf32, #tpu.memory_space<vmem>>, vector<16xf32>,
      %mul3A_251 = arith.mulf %gather3A, %get3A_250 : vector<16xf32>
      %add3A_252 = arith.addf %get3A_247, %mul3A_251 : vector<16xf32>
      %swap3A = arith.index_cast %select_n3A : i32 to index
      %swap3A_253 = arith.constant 0 : index
      %swap3A_254 = tpu.vector_load %arg13[%swap3A, %swap3A_253] {strides = array<i32>} : memref<256x112xf32, #tpu.memory_space<vmem>>, vector<16xf32>,
      tpu.vector_store %arg13[%swap3A, %swap3A_253], %add3A_252 {strides = array<i32>} : memref<256x112xf32, #tpu.memory_space<vmem>>, vector<16xf32>,
      %get3A_255 = arith.index_cast %select_n3A : i32 to index
      %get3A_256 = arith.constant 16 : index
      %get3A_257 = tpu.vector_load %arg13[%get3A_255, %get3A_256] {strides = array<i32>} : memref<256x112xf32, #tpu.memory_space<vmem>>, vector<16xf32>,
      %get3A_258 = arith.index_cast %scan3A_226 : i32 to index
      %get3A_259 = arith.constant 16 : index
      %get3A_260 = tpu.vector_load %arg12[%get3A_258, %get3A_259] {strides = array<i32>} : memref<128x128xf32, #tpu.memory_space<vmem>>, vector<16xf32>,
      %mul3A_261 = arith.mulf %gather3A, %get3A_260 : vector<16xf32>
      %add3A_262 = arith.addf %get3A_257, %mul3A_261 : vector<16xf32>
      %swap3A_263 = arith.index_cast %select_n3A : i32 to index
      %swap3A_264 = arith.constant 16 : index
      %swap3A_265 = tpu.vector_load %arg13[%swap3A_263, %swap3A_264] {strides = array<i32>} : memref<256x112xf32, #tpu.memory_space<vmem>>, vector<16xf32>,
      tpu.vector_store %arg13[%swap3A_263, %swap3A_264], %add3A_262 {strides = array<i32>} : memref<256x112xf32, #tpu.memory_space<vmem>>, vector<16xf32>,
      %get3A_266 = arith.index_cast %select_n3A : i32 to index
      %get3A_267 = arith.constant 32 : index
      %get3A_268 = tpu.vector_load %arg13[%get3A_266, %get3A_267] {strides = array<i32>} : memref<256x112xf32, #tpu.memory_space<vmem>>, vector<16xf32>,
      %get3A_269 = arith.index_cast %scan3A_226 : i32 to index
      %get3A_270 = arith.constant 32 : index
      %get3A_271 = tpu.vector_load %arg12[%get3A_269, %get3A_270] {strides = array<i32>} : memref<128x128xf32, #tpu.memory_space<vmem>>, vector<16xf32>,
      %mul3A_272 = arith.mulf %gather3A, %get3A_271 : vector<16xf32>
      %add3A_273 = arith.addf %get3A_268, %mul3A_272 : vector<16xf32>
      %swap3A_274 = arith.index_cast %select_n3A : i32 to index
      %swap3A_275 = arith.constant 32 : index
      %swap3A_276 = tpu.vector_load %arg13[%swap3A_274, %swap3A_275] {strides = array<i32>} : memref<256x112xf32, #tpu.memory_space<vmem>>, vector<16xf32>,
      tpu.vector_store %arg13[%swap3A_274, %swap3A_275], %add3A_273 {strides = array<i32>} : memref<256x112xf32, #tpu.memory_space<vmem>>, vector<16xf32>,
      %get3A_277 = arith.index_cast %select_n3A : i32 to index
      %get3A_278 = arith.constant 48 : index
      %get3A_279 = tpu.vector_load %arg13[%get3A_277, %get3A_278] {strides = array<i32>} : memref<256x112xf32, #tpu.memory_space<vmem>>, vector<16xf32>,
      %get3A_280 = arith.index_cast %scan3A_226 : i32 to index
      %get3A_281 = arith.constant 48 : index
      %get3A_282 = tpu.vector_load %arg12[%get3A_280, %get3A_281] {strides = array<i32>} : memref<128x128xf32, #tpu.memory_space<vmem>>, vector<16xf32>,
      %mul3A_283 = arith.mulf %gather3A, %get3A_282 : vector<16xf32>
      %add3A_284 = arith.addf %get3A_279, %mul3A_283 : vector<16xf32>
      %swap3A_285 = arith.index_cast %select_n3A : i32 to index
      %swap3A_286 = arith.constant 48 : index
      %swap3A_287 = tpu.vector_load %arg13[%swap3A_285, %swap3A_286] {strides = array<i32>} : memref<256x112xf32, #tpu.memory_space<vmem>>, vector<16xf32>,
      tpu.vector_store %arg13[%swap3A_285, %swap3A_286], %add3A_284 {strides = array<i32>} : memref<256x112xf32, #tpu.memory_space<vmem>>, vector<16xf32>,
      %get3A_288 = arith.index_cast %select_n3A : i32 to index
      %get3A_289 = arith.constant 64 : index
      %get3A_290 = tpu.vector_load %arg13[%get3A_288, %get3A_289] {strides = array<i32>} : memref<256x112xf32, #tpu.memory_space<vmem>>, vector<16xf32>,
      %get3A_291 = arith.index_cast %scan3A_226 : i32 to index
      %get3A_292 = arith.constant 64 : index
      %get3A_293 = tpu.vector_load %arg12[%get3A_291, %get3A_292] {strides = array<i32>} : memref<128x128xf32, #tpu.memory_space<vmem>>, vector<16xf32>,
      %mul3A_294 = arith.mulf %gather3A, %get3A_293 : vector<16xf32>
      %add3A_295 = arith.addf %get3A_290, %mul3A_294 : vector<16xf32>
      %swap3A_296 = arith.index_cast %select_n3A : i32 to index
      %swap3A_297 = arith.constant 64 : index
      %swap3A_298 = tpu.vector_load %arg13[%swap3A_296, %swap3A_297] {strides = array<i32>} : memref<256x112xf32, #tpu.memory_space<vmem>>, vector<16xf32>,
      tpu.vector_store %arg13[%swap3A_296, %swap3A_297], %add3A_295 {strides = array<i32>} : memref<256x112xf32, #tpu.memory_space<vmem>>, vector<16xf32>,
      %get3A_299 = arith.index_cast %select_n3A : i32 to index
      %get3A_300 = arith.constant 80 : index
      %get3A_301 = tpu.vector_load %arg13[%get3A_299, %get3A_300] {strides = array<i32>} : memref<256x112xf32, #tpu.memory_space<vmem>>, vector<16xf32>,
      %get3A_302 = arith.index_cast %scan3A_226 : i32 to index
      %get3A_303 = arith.constant 80 : index
      %get3A_304 = tpu.vector_load %arg12[%get3A_302, %get3A_303] {strides = array<i32>} : memref<128x128xf32, #tpu.memory_space<vmem>>, vector<16xf32>,
      %mul3A_305 = arith.mulf %gather3A, %get3A_304 : vector<16xf32>
      %add3A_306 = arith.addf %get3A_301, %mul3A_305 : vector<16xf32>
      %swap3A_307 = arith.index_cast %select_n3A : i32 to index
      %swap3A_308 = arith.constant 80 : index
      %swap3A_309 = tpu.vector_load %arg13[%swap3A_307, %swap3A_308] {strides = array<i32>} : memref<256x112xf32, #tpu.memory_space<vmem>>, vector<16xf32>,
      tpu.vector_store %arg13[%swap3A_307, %swap3A_308], %add3A_306 {strides = array<i32>} : memref<256x112xf32, #tpu.memory_space<vmem>>, vector<16xf32>,
      %get3A_310 = arith.index_cast %select_n3A : i32 to index
      %get3A_311 = arith.constant 96 : index
      %get3A_312 = tpu.vector_load %arg13[%get3A_310, %get3A_311] {strides = array<i32>} : memref<256x112xf32, #tpu.memory_space<vmem>>, vector<16xf32>,
      %get3A_313 = arith.index_cast %scan3A_226 : i32 to index
      %get3A_314 = arith.constant 96 : index
      %get3A_315 = tpu.vector_load %arg12[%get3A_313, %get3A_314] {strides = array<i32>} : memref<128x128xf32, #tpu.memory_space<vmem>>, vector<16xf32>,
      %mul3A_316 = arith.mulf %gather3A, %get3A_315 : vector<16xf32>
      %add3A_317 = arith.addf %get3A_312, %mul3A_316 : vector<16xf32>
      %swap3A_318 = arith.index_cast %select_n3A : i32 to index
      %swap3A_319 = arith.constant 96 : index
      %swap3A_320 = tpu.vector_load %arg13[%swap3A_318, %swap3A_319] {strides = array<i32>} : memref<256x112xf32, #tpu.memory_space<vmem>>, vector<16xf32>,
      tpu.vector_store %arg13[%swap3A_318, %swap3A_319], %add3A_317 {strides = array<i32>} : memref<256x112xf32, #tpu.memory_space<vmem>>, vector<16xf32>,
      %scan3A_321 = arith.constant 0 : i32
      scf.yield %scan3A_321 : i32
    }
    %scan3A_148 = arith.constant 128 : i32
    %dma_start3A_149 = arith.constant 7 : i32
    %dma_start3A_150 = arith.constant 0 : i32
    %dma_start3A_151 = tpu.memref_slice %arg7[%dma_start3A_149, %dma_start3A_150] : memref<10x128xi32, #tpu.memory_space<vmem>> -> memref<1x128xi32, #tpu.memory_space<vmem>>
    %dma_start3A_152 = tpu.memref_squeeze %dma_start3A_151 : memref<1x128xi32, #tpu.memory_space<vmem>> -> memref<128xi32, #tpu.memory_space<vmem>>
    %dma_start3A_153 = arith.constant 0 : i32
    %dma_start3A_154 = arith.constant 0 : i32
    %dma_start3A_155 = tpu.memref_slice %arg5[%dma_start3A_153, %dma_start3A_154] : memref<8192x128xf32, #tpu.memory_space<hbm>> -> memref<8192x128xf32, #tpu.memory_space<hbm>>
    tpu.enqueue_indirect_dma source(%dma_start3A_155 : memref<8192x128xf32, #tpu.memory_space<hbm>>) target(%arg12 : memref<128x128xf32, #tpu.memory_space<vmem>>) offsets(%dma_start3A_152 : memref<128xi32, #tpu.memory_space<vmem>>) semaphore(%arg15 : memref<!tpu.dma_semaphore, #tpu.memory_space<semaphore_mem>>)
    %dma_wait3A_156 = arith.constant 6 : i32
    %dma_wait3A_157 = arith.constant 0 : i32
    %dma_wait3A_158 = tpu.memref_slice %arg7[%dma_wait3A_156, %dma_wait3A_157] : memref<10x128xi32, #tpu.memory_space<vmem>> -> memref<1x128xi32, #tpu.memory_space<vmem>>
    %dma_wait3A_159 = tpu.memref_squeeze %dma_wait3A_158 : memref<1x128xi32, #tpu.memory_space<vmem>> -> memref<128xi32, #tpu.memory_space<vmem>>
    %dma_wait3A_160 = arith.constant 0 : i32
    %dma_wait3A_161 = arith.constant 0 : i32
    %dma_wait3A_162 = tpu.memref_slice %arg5[%dma_wait3A_160, %dma_wait3A_161] : memref<8192x128xf32, #tpu.memory_space<hbm>> -> memref<8192x128xf32, #tpu.memory_space<hbm>>
    tpu.wait_indirect_dma semaphore(%arg14 : memref<!tpu.dma_semaphore, #tpu.memory_space<semaphore_mem>>) src(%dma_wait3A_162 : memref<8192x128xf32, #tpu.memory_space<hbm>>) dst(%arg11 : memref<128x128xf32, #tpu.memory_space<vmem>>)
    %scan3A_163 = arith.constant 0 : i32
    %scan3A_164 = arith.constant 0 : i32
    %scan3A_165 = arith.constant 128 : i32
    %scan3A_166 = arith.addi %scan3A_164, %scan3A_165 : i32
    %scan3A_167 = arith.constant 1 : i32
    %scan3A_168 = scf.for %scan3A_226 = %scan3A_164 to %scan3A_166 step %scan3A_167 iter_args(%scan3A_227 = %scan3A_163) -> (i32)  : i32 {
      %add3A_228 = arith.constant 768 : i32
      %add3A_229 = arith.addi %add3A_228, %scan3A_226 : i32
      %jit3A = arith.constant 5 : i32
      %div3A = arith.divsi %add3A_229, %jit3A : i32
      %sign3A = arith.constant 0 : i32
      %sign3A_230 = arith.cmpi sgt, %add3A_229, %sign3A : i32
      %sign3A_231 = arith.extui %sign3A_230 : i1 to i32
      %sign3A_232 = arith.constant 0 : i32
      %sign3A_233 = arith.cmpi slt, %add3A_229, %sign3A_232 : i32
      %sign3A_234 = arith.extui %sign3A_233 : i1 to i32
      %sign3A_235 = arith.subi %sign3A_231, %sign3A_234 : i32
      %sign3A_236 = arith.constant 0 : i32
      %sign3A_237 = arith.cmpi sgt, %jit3A, %sign3A_236 : i32
      %sign3A_238 = arith.extui %sign3A_237 : i1 to i32
      %sign3A_239 = arith.constant 0 : i32
      %sign3A_240 = arith.cmpi slt, %jit3A, %sign3A_239 : i32
      %sign3A_241 = arith.extui %sign3A_240 : i1 to i32
      %sign3A_242 = arith.subi %sign3A_238, %sign3A_241 : i32
      %ne3A = arith.cmpi ne, %sign3A_235, %sign3A_242 : i32
      %rem3A = arith.remsi %add3A_229, %jit3A : i32
      %ne3A_243 = arith.constant 0 : i32
      %ne3A_244 = arith.cmpi ne, %rem3A, %ne3A_243 : i32
      %and3A = arith.andi %ne3A, %ne3A_244 : i1
      %sub3A = arith.constant 1 : i32
      %sub3A_245 = arith.subi %div3A, %sub3A : i32
      %select_n3A = arith.select %and3A, %sub3A_245, %div3A : i32
      %broadcast_in_dim3A = vector.broadcast %add3A_229 : i32 to vector<16xi32>
      %gather3A = tpu.vector_load_idx %arg9[%broadcast_in_dim3A] : memref<1280xf32, #tpu.memory_space<vmem>>[vector<16xi32>], vector<16xf32>,
      %get3A = arith.index_cast %select_n3A : i32 to index
      %get3A_246 = arith.constant 0 : index
      %get3A_247 = tpu.vector_load %arg13[%get3A, %get3A_246] {strides = array<i32>} : memref<256x112xf32, #tpu.memory_space<vmem>>, vector<16xf32>,
      %get3A_248 = arith.index_cast %scan3A_226 : i32 to index
      %get3A_249 = arith.constant 0 : index
      %get3A_250 = tpu.vector_load %arg11[%get3A_248, %get3A_249] {strides = array<i32>} : memref<128x128xf32, #tpu.memory_space<vmem>>, vector<16xf32>,
      %mul3A_251 = arith.mulf %gather3A, %get3A_250 : vector<16xf32>
      %add3A_252 = arith.addf %get3A_247, %mul3A_251 : vector<16xf32>
      %swap3A = arith.index_cast %select_n3A : i32 to index
      %swap3A_253 = arith.constant 0 : index
      %swap3A_254 = tpu.vector_load %arg13[%swap3A, %swap3A_253] {strides = array<i32>} : memref<256x112xf32, #tpu.memory_space<vmem>>, vector<16xf32>,
      tpu.vector_store %arg13[%swap3A, %swap3A_253], %add3A_252 {strides = array<i32>} : memref<256x112xf32, #tpu.memory_space<vmem>>, vector<16xf32>,
      %get3A_255 = arith.index_cast %select_n3A : i32 to index
      %get3A_256 = arith.constant 16 : index
      %get3A_257 = tpu.vector_load %arg13[%get3A_255, %get3A_256] {strides = array<i32>} : memref<256x112xf32, #tpu.memory_space<vmem>>, vector<16xf32>,
      %get3A_258 = arith.index_cast %scan3A_226 : i32 to index
      %get3A_259 = arith.constant 16 : index
      %get3A_260 = tpu.vector_load %arg11[%get3A_258, %get3A_259] {strides = array<i32>} : memref<128x128xf32, #tpu.memory_space<vmem>>, vector<16xf32>,
      %mul3A_261 = arith.mulf %gather3A, %get3A_260 : vector<16xf32>
      %add3A_262 = arith.addf %get3A_257, %mul3A_261 : vector<16xf32>
      %swap3A_263 = arith.index_cast %select_n3A : i32 to index
      %swap3A_264 = arith.constant 16 : index
      %swap3A_265 = tpu.vector_load %arg13[%swap3A_263, %swap3A_264] {strides = array<i32>} : memref<256x112xf32, #tpu.memory_space<vmem>>, vector<16xf32>,
      tpu.vector_store %arg13[%swap3A_263, %swap3A_264], %add3A_262 {strides = array<i32>} : memref<256x112xf32, #tpu.memory_space<vmem>>, vector<16xf32>,
      %get3A_266 = arith.index_cast %select_n3A : i32 to index
      %get3A_267 = arith.constant 32 : index
      %get3A_268 = tpu.vector_load %arg13[%get3A_266, %get3A_267] {strides = array<i32>} : memref<256x112xf32, #tpu.memory_space<vmem>>, vector<16xf32>,
      %get3A_269 = arith.index_cast %scan3A_226 : i32 to index
      %get3A_270 = arith.constant 32 : index
      %get3A_271 = tpu.vector_load %arg11[%get3A_269, %get3A_270] {strides = array<i32>} : memref<128x128xf32, #tpu.memory_space<vmem>>, vector<16xf32>,
      %mul3A_272 = arith.mulf %gather3A, %get3A_271 : vector<16xf32>
      %add3A_273 = arith.addf %get3A_268, %mul3A_272 : vector<16xf32>
      %swap3A_274 = arith.index_cast %select_n3A : i32 to index
      %swap3A_275 = arith.constant 32 : index
      %swap3A_276 = tpu.vector_load %arg13[%swap3A_274, %swap3A_275] {strides = array<i32>} : memref<256x112xf32, #tpu.memory_space<vmem>>, vector<16xf32>,
      tpu.vector_store %arg13[%swap3A_274, %swap3A_275], %add3A_273 {strides = array<i32>} : memref<256x112xf32, #tpu.memory_space<vmem>>, vector<16xf32>,
      %get3A_277 = arith.index_cast %select_n3A : i32 to index
      %get3A_278 = arith.constant 48 : index
      %get3A_279 = tpu.vector_load %arg13[%get3A_277, %get3A_278] {strides = array<i32>} : memref<256x112xf32, #tpu.memory_space<vmem>>, vector<16xf32>,
      %get3A_280 = arith.index_cast %scan3A_226 : i32 to index
      %get3A_281 = arith.constant 48 : index
      %get3A_282 = tpu.vector_load %arg11[%get3A_280, %get3A_281] {strides = array<i32>} : memref<128x128xf32, #tpu.memory_space<vmem>>, vector<16xf32>,
      %mul3A_283 = arith.mulf %gather3A, %get3A_282 : vector<16xf32>
      %add3A_284 = arith.addf %get3A_279, %mul3A_283 : vector<16xf32>
      %swap3A_285 = arith.index_cast %select_n3A : i32 to index
      %swap3A_286 = arith.constant 48 : index
      %swap3A_287 = tpu.vector_load %arg13[%swap3A_285, %swap3A_286] {strides = array<i32>} : memref<256x112xf32, #tpu.memory_space<vmem>>, vector<16xf32>,
      tpu.vector_store %arg13[%swap3A_285, %swap3A_286], %add3A_284 {strides = array<i32>} : memref<256x112xf32, #tpu.memory_space<vmem>>, vector<16xf32>,
      %get3A_288 = arith.index_cast %select_n3A : i32 to index
      %get3A_289 = arith.constant 64 : index
      %get3A_290 = tpu.vector_load %arg13[%get3A_288, %get3A_289] {strides = array<i32>} : memref<256x112xf32, #tpu.memory_space<vmem>>, vector<16xf32>,
      %get3A_291 = arith.index_cast %scan3A_226 : i32 to index
      %get3A_292 = arith.constant 64 : index
      %get3A_293 = tpu.vector_load %arg11[%get3A_291, %get3A_292] {strides = array<i32>} : memref<128x128xf32, #tpu.memory_space<vmem>>, vector<16xf32>,
      %mul3A_294 = arith.mulf %gather3A, %get3A_293 : vector<16xf32>
      %add3A_295 = arith.addf %get3A_290, %mul3A_294 : vector<16xf32>
      %swap3A_296 = arith.index_cast %select_n3A : i32 to index
      %swap3A_297 = arith.constant 64 : index
      %swap3A_298 = tpu.vector_load %arg13[%swap3A_296, %swap3A_297] {strides = array<i32>} : memref<256x112xf32, #tpu.memory_space<vmem>>, vector<16xf32>,
      tpu.vector_store %arg13[%swap3A_296, %swap3A_297], %add3A_295 {strides = array<i32>} : memref<256x112xf32, #tpu.memory_space<vmem>>, vector<16xf32>,
      %get3A_299 = arith.index_cast %select_n3A : i32 to index
      %get3A_300 = arith.constant 80 : index
      %get3A_301 = tpu.vector_load %arg13[%get3A_299, %get3A_300] {strides = array<i32>} : memref<256x112xf32, #tpu.memory_space<vmem>>, vector<16xf32>,
      %get3A_302 = arith.index_cast %scan3A_226 : i32 to index
      %get3A_303 = arith.constant 80 : index
      %get3A_304 = tpu.vector_load %arg11[%get3A_302, %get3A_303] {strides = array<i32>} : memref<128x128xf32, #tpu.memory_space<vmem>>, vector<16xf32>,
      %mul3A_305 = arith.mulf %gather3A, %get3A_304 : vector<16xf32>
      %add3A_306 = arith.addf %get3A_301, %mul3A_305 : vector<16xf32>
      %swap3A_307 = arith.index_cast %select_n3A : i32 to index
      %swap3A_308 = arith.constant 80 : index
      %swap3A_309 = tpu.vector_load %arg13[%swap3A_307, %swap3A_308] {strides = array<i32>} : memref<256x112xf32, #tpu.memory_space<vmem>>, vector<16xf32>,
      tpu.vector_store %arg13[%swap3A_307, %swap3A_308], %add3A_306 {strides = array<i32>} : memref<256x112xf32, #tpu.memory_space<vmem>>, vector<16xf32>,
      %get3A_310 = arith.index_cast %select_n3A : i32 to index
      %get3A_311 = arith.constant 96 : index
      %get3A_312 = tpu.vector_load %arg13[%get3A_310, %get3A_311] {strides = array<i32>} : memref<256x112xf32, #tpu.memory_space<vmem>>, vector<16xf32>,
      %get3A_313 = arith.index_cast %scan3A_226 : i32 to index
      %get3A_314 = arith.constant 96 : index
      %get3A_315 = tpu.vector_load %arg11[%get3A_313, %get3A_314] {strides = array<i32>} : memref<128x128xf32, #tpu.memory_space<vmem>>, vector<16xf32>,
      %mul3A_316 = arith.mulf %gather3A, %get3A_315 : vector<16xf32>
      %add3A_317 = arith.addf %get3A_312, %mul3A_316 : vector<16xf32>
      %swap3A_318 = arith.index_cast %select_n3A : i32 to index
      %swap3A_319 = arith.constant 96 : index
      %swap3A_320 = tpu.vector_load %arg13[%swap3A_318, %swap3A_319] {strides = array<i32>} : memref<256x112xf32, #tpu.memory_space<vmem>>, vector<16xf32>,
      tpu.vector_store %arg13[%swap3A_318, %swap3A_319], %add3A_317 {strides = array<i32>} : memref<256x112xf32, #tpu.memory_space<vmem>>, vector<16xf32>,
      %scan3A_321 = arith.constant 0 : i32
      scf.yield %scan3A_321 : i32
    }
    %scan3A_169 = arith.constant 128 : i32
    %dma_start3A_170 = arith.constant 8 : i32
    %dma_start3A_171 = arith.constant 0 : i32
    %dma_start3A_172 = tpu.memref_slice %arg7[%dma_start3A_170, %dma_start3A_171] : memref<10x128xi32, #tpu.memory_space<vmem>> -> memref<1x128xi32, #tpu.memory_space<vmem>>
    %dma_start3A_173 = tpu.memref_squeeze %dma_start3A_172 : memref<1x128xi32, #tpu.memory_space<vmem>> -> memref<128xi32, #tpu.memory_space<vmem>>
    %dma_start3A_174 = arith.constant 0 : i32
    %dma_start3A_175 = arith.constant 0 : i32
    %dma_start3A_176 = tpu.memref_slice %arg5[%dma_start3A_174, %dma_start3A_175] : memref<8192x128xf32, #tpu.memory_space<hbm>> -> memref<8192x128xf32, #tpu.memory_space<hbm>>
    tpu.enqueue_indirect_dma source(%dma_start3A_176 : memref<8192x128xf32, #tpu.memory_space<hbm>>) target(%arg11 : memref<128x128xf32, #tpu.memory_space<vmem>>) offsets(%dma_start3A_173 : memref<128xi32, #tpu.memory_space<vmem>>) semaphore(%arg14 : memref<!tpu.dma_semaphore, #tpu.memory_space<semaphore_mem>>)
    %dma_wait3A_177 = arith.constant 7 : i32
    %dma_wait3A_178 = arith.constant 0 : i32
    %dma_wait3A_179 = tpu.memref_slice %arg7[%dma_wait3A_177, %dma_wait3A_178] : memref<10x128xi32, #tpu.memory_space<vmem>> -> memref<1x128xi32, #tpu.memory_space<vmem>>
    %dma_wait3A_180 = tpu.memref_squeeze %dma_wait3A_179 : memref<1x128xi32, #tpu.memory_space<vmem>> -> memref<128xi32, #tpu.memory_space<vmem>>
    %dma_wait3A_181 = arith.constant 0 : i32
    %dma_wait3A_182 = arith.constant 0 : i32
    %dma_wait3A_183 = tpu.memref_slice %arg5[%dma_wait3A_181, %dma_wait3A_182] : memref<8192x128xf32, #tpu.memory_space<hbm>> -> memref<8192x128xf32, #tpu.memory_space<hbm>>
    tpu.wait_indirect_dma semaphore(%arg15 : memref<!tpu.dma_semaphore, #tpu.memory_space<semaphore_mem>>) src(%dma_wait3A_183 : memref<8192x128xf32, #tpu.memory_space<hbm>>) dst(%arg12 : memref<128x128xf32, #tpu.memory_space<vmem>>)
    %scan3A_184 = arith.constant 0 : i32
    %scan3A_185 = arith.constant 0 : i32
    %scan3A_186 = arith.constant 128 : i32
    %scan3A_187 = arith.addi %scan3A_185, %scan3A_186 : i32
    %scan3A_188 = arith.constant 1 : i32
    %scan3A_189 = scf.for %scan3A_226 = %scan3A_185 to %scan3A_187 step %scan3A_188 iter_args(%scan3A_227 = %scan3A_184) -> (i32)  : i32 {
      %add3A_228 = arith.constant 896 : i32
      %add3A_229 = arith.addi %add3A_228, %scan3A_226 : i32
      %jit3A = arith.constant 5 : i32
      %div3A = arith.divsi %add3A_229, %jit3A : i32
      %sign3A = arith.constant 0 : i32
      %sign3A_230 = arith.cmpi sgt, %add3A_229, %sign3A : i32
      %sign3A_231 = arith.extui %sign3A_230 : i1 to i32
      %sign3A_232 = arith.constant 0 : i32
      %sign3A_233 = arith.cmpi slt, %add3A_229, %sign3A_232 : i32
      %sign3A_234 = arith.extui %sign3A_233 : i1 to i32
      %sign3A_235 = arith.subi %sign3A_231, %sign3A_234 : i32
      %sign3A_236 = arith.constant 0 : i32
      %sign3A_237 = arith.cmpi sgt, %jit3A, %sign3A_236 : i32
      %sign3A_238 = arith.extui %sign3A_237 : i1 to i32
      %sign3A_239 = arith.constant 0 : i32
      %sign3A_240 = arith.cmpi slt, %jit3A, %sign3A_239 : i32
      %sign3A_241 = arith.extui %sign3A_240 : i1 to i32
      %sign3A_242 = arith.subi %sign3A_238, %sign3A_241 : i32
      %ne3A = arith.cmpi ne, %sign3A_235, %sign3A_242 : i32
      %rem3A = arith.remsi %add3A_229, %jit3A : i32
      %ne3A_243 = arith.constant 0 : i32
      %ne3A_244 = arith.cmpi ne, %rem3A, %ne3A_243 : i32
      %and3A = arith.andi %ne3A, %ne3A_244 : i1
      %sub3A = arith.constant 1 : i32
      %sub3A_245 = arith.subi %div3A, %sub3A : i32
      %select_n3A = arith.select %and3A, %sub3A_245, %div3A : i32
      %broadcast_in_dim3A = vector.broadcast %add3A_229 : i32 to vector<16xi32>
      %gather3A = tpu.vector_load_idx %arg9[%broadcast_in_dim3A] : memref<1280xf32, #tpu.memory_space<vmem>>[vector<16xi32>], vector<16xf32>,
      %get3A = arith.index_cast %select_n3A : i32 to index
      %get3A_246 = arith.constant 0 : index
      %get3A_247 = tpu.vector_load %arg13[%get3A, %get3A_246] {strides = array<i32>} : memref<256x112xf32, #tpu.memory_space<vmem>>, vector<16xf32>,
      %get3A_248 = arith.index_cast %scan3A_226 : i32 to index
      %get3A_249 = arith.constant 0 : index
      %get3A_250 = tpu.vector_load %arg12[%get3A_248, %get3A_249] {strides = array<i32>} : memref<128x128xf32, #tpu.memory_space<vmem>>, vector<16xf32>,
      %mul3A_251 = arith.mulf %gather3A, %get3A_250 : vector<16xf32>
      %add3A_252 = arith.addf %get3A_247, %mul3A_251 : vector<16xf32>
      %swap3A = arith.index_cast %select_n3A : i32 to index
      %swap3A_253 = arith.constant 0 : index
      %swap3A_254 = tpu.vector_load %arg13[%swap3A, %swap3A_253] {strides = array<i32>} : memref<256x112xf32, #tpu.memory_space<vmem>>, vector<16xf32>,
      tpu.vector_store %arg13[%swap3A, %swap3A_253], %add3A_252 {strides = array<i32>} : memref<256x112xf32, #tpu.memory_space<vmem>>, vector<16xf32>,
      %get3A_255 = arith.index_cast %select_n3A : i32 to index
      %get3A_256 = arith.constant 16 : index
      %get3A_257 = tpu.vector_load %arg13[%get3A_255, %get3A_256] {strides = array<i32>} : memref<256x112xf32, #tpu.memory_space<vmem>>, vector<16xf32>,
      %get3A_258 = arith.index_cast %scan3A_226 : i32 to index
      %get3A_259 = arith.constant 16 : index
      %get3A_260 = tpu.vector_load %arg12[%get3A_258, %get3A_259] {strides = array<i32>} : memref<128x128xf32, #tpu.memory_space<vmem>>, vector<16xf32>,
      %mul3A_261 = arith.mulf %gather3A, %get3A_260 : vector<16xf32>
      %add3A_262 = arith.addf %get3A_257, %mul3A_261 : vector<16xf32>
      %swap3A_263 = arith.index_cast %select_n3A : i32 to index
      %swap3A_264 = arith.constant 16 : index
      %swap3A_265 = tpu.vector_load %arg13[%swap3A_263, %swap3A_264] {strides = array<i32>} : memref<256x112xf32, #tpu.memory_space<vmem>>, vector<16xf32>,
      tpu.vector_store %arg13[%swap3A_263, %swap3A_264], %add3A_262 {strides = array<i32>} : memref<256x112xf32, #tpu.memory_space<vmem>>, vector<16xf32>,
      %get3A_266 = arith.index_cast %select_n3A : i32 to index
      %get3A_267 = arith.constant 32 : index
      %get3A_268 = tpu.vector_load %arg13[%get3A_266, %get3A_267] {strides = array<i32>} : memref<256x112xf32, #tpu.memory_space<vmem>>, vector<16xf32>,
      %get3A_269 = arith.index_cast %scan3A_226 : i32 to index
      %get3A_270 = arith.constant 32 : index
      %get3A_271 = tpu.vector_load %arg12[%get3A_269, %get3A_270] {strides = array<i32>} : memref<128x128xf32, #tpu.memory_space<vmem>>, vector<16xf32>,
      %mul3A_272 = arith.mulf %gather3A, %get3A_271 : vector<16xf32>
      %add3A_273 = arith.addf %get3A_268, %mul3A_272 : vector<16xf32>
      %swap3A_274 = arith.index_cast %select_n3A : i32 to index
      %swap3A_275 = arith.constant 32 : index
      %swap3A_276 = tpu.vector_load %arg13[%swap3A_274, %swap3A_275] {strides = array<i32>} : memref<256x112xf32, #tpu.memory_space<vmem>>, vector<16xf32>,
      tpu.vector_store %arg13[%swap3A_274, %swap3A_275], %add3A_273 {strides = array<i32>} : memref<256x112xf32, #tpu.memory_space<vmem>>, vector<16xf32>,
      %get3A_277 = arith.index_cast %select_n3A : i32 to index
      %get3A_278 = arith.constant 48 : index
      %get3A_279 = tpu.vector_load %arg13[%get3A_277, %get3A_278] {strides = array<i32>} : memref<256x112xf32, #tpu.memory_space<vmem>>, vector<16xf32>,
      %get3A_280 = arith.index_cast %scan3A_226 : i32 to index
      %get3A_281 = arith.constant 48 : index
      %get3A_282 = tpu.vector_load %arg12[%get3A_280, %get3A_281] {strides = array<i32>} : memref<128x128xf32, #tpu.memory_space<vmem>>, vector<16xf32>,
      %mul3A_283 = arith.mulf %gather3A, %get3A_282 : vector<16xf32>
      %add3A_284 = arith.addf %get3A_279, %mul3A_283 : vector<16xf32>
      %swap3A_285 = arith.index_cast %select_n3A : i32 to index
      %swap3A_286 = arith.constant 48 : index
      %swap3A_287 = tpu.vector_load %arg13[%swap3A_285, %swap3A_286] {strides = array<i32>} : memref<256x112xf32, #tpu.memory_space<vmem>>, vector<16xf32>,
      tpu.vector_store %arg13[%swap3A_285, %swap3A_286], %add3A_284 {strides = array<i32>} : memref<256x112xf32, #tpu.memory_space<vmem>>, vector<16xf32>,
      %get3A_288 = arith.index_cast %select_n3A : i32 to index
      %get3A_289 = arith.constant 64 : index
      %get3A_290 = tpu.vector_load %arg13[%get3A_288, %get3A_289] {strides = array<i32>} : memref<256x112xf32, #tpu.memory_space<vmem>>, vector<16xf32>,
      %get3A_291 = arith.index_cast %scan3A_226 : i32 to index
      %get3A_292 = arith.constant 64 : index
      %get3A_293 = tpu.vector_load %arg12[%get3A_291, %get3A_292] {strides = array<i32>} : memref<128x128xf32, #tpu.memory_space<vmem>>, vector<16xf32>,
      %mul3A_294 = arith.mulf %gather3A, %get3A_293 : vector<16xf32>
      %add3A_295 = arith.addf %get3A_290, %mul3A_294 : vector<16xf32>
      %swap3A_296 = arith.index_cast %select_n3A : i32 to index
      %swap3A_297 = arith.constant 64 : index
      %swap3A_298 = tpu.vector_load %arg13[%swap3A_296, %swap3A_297] {strides = array<i32>} : memref<256x112xf32, #tpu.memory_space<vmem>>, vector<16xf32>,
      tpu.vector_store %arg13[%swap3A_296, %swap3A_297], %add3A_295 {strides = array<i32>} : memref<256x112xf32, #tpu.memory_space<vmem>>, vector<16xf32>,
      %get3A_299 = arith.index_cast %select_n3A : i32 to index
      %get3A_300 = arith.constant 80 : index
      %get3A_301 = tpu.vector_load %arg13[%get3A_299, %get3A_300] {strides = array<i32>} : memref<256x112xf32, #tpu.memory_space<vmem>>, vector<16xf32>,
      %get3A_302 = arith.index_cast %scan3A_226 : i32 to index
      %get3A_303 = arith.constant 80 : index
      %get3A_304 = tpu.vector_load %arg12[%get3A_302, %get3A_303] {strides = array<i32>} : memref<128x128xf32, #tpu.memory_space<vmem>>, vector<16xf32>,
      %mul3A_305 = arith.mulf %gather3A, %get3A_304 : vector<16xf32>
      %add3A_306 = arith.addf %get3A_301, %mul3A_305 : vector<16xf32>
      %swap3A_307 = arith.index_cast %select_n3A : i32 to index
      %swap3A_308 = arith.constant 80 : index
      %swap3A_309 = tpu.vector_load %arg13[%swap3A_307, %swap3A_308] {strides = array<i32>} : memref<256x112xf32, #tpu.memory_space<vmem>>, vector<16xf32>,
      tpu.vector_store %arg13[%swap3A_307, %swap3A_308], %add3A_306 {strides = array<i32>} : memref<256x112xf32, #tpu.memory_space<vmem>>, vector<16xf32>,
      %get3A_310 = arith.index_cast %select_n3A : i32 to index
      %get3A_311 = arith.constant 96 : index
      %get3A_312 = tpu.vector_load %arg13[%get3A_310, %get3A_311] {strides = array<i32>} : memref<256x112xf32, #tpu.memory_space<vmem>>, vector<16xf32>,
      %get3A_313 = arith.index_cast %scan3A_226 : i32 to index
      %get3A_314 = arith.constant 96 : index
      %get3A_315 = tpu.vector_load %arg12[%get3A_313, %get3A_314] {strides = array<i32>} : memref<128x128xf32, #tpu.memory_space<vmem>>, vector<16xf32>,
      %mul3A_316 = arith.mulf %gather3A, %get3A_315 : vector<16xf32>
      %add3A_317 = arith.addf %get3A_312, %mul3A_316 : vector<16xf32>
      %swap3A_318 = arith.index_cast %select_n3A : i32 to index
      %swap3A_319 = arith.constant 96 : index
      %swap3A_320 = tpu.vector_load %arg13[%swap3A_318, %swap3A_319] {strides = array<i32>} : memref<256x112xf32, #tpu.memory_space<vmem>>, vector<16xf32>,
      tpu.vector_store %arg13[%swap3A_318, %swap3A_319], %add3A_317 {strides = array<i32>} : memref<256x112xf32, #tpu.memory_space<vmem>>, vector<16xf32>,
      %scan3A_321 = arith.constant 0 : i32
      scf.yield %scan3A_321 : i32
    }
    %scan3A_190 = arith.constant 128 : i32
    %dma_start3A_191 = arith.constant 9 : i32
    %dma_start3A_192 = arith.constant 0 : i32
    %dma_start3A_193 = tpu.memref_slice %arg7[%dma_start3A_191, %dma_start3A_192] : memref<10x128xi32, #tpu.memory_space<vmem>> -> memref<1x128xi32, #tpu.memory_space<vmem>>
    %dma_start3A_194 = tpu.memref_squeeze %dma_start3A_193 : memref<1x128xi32, #tpu.memory_space<vmem>> -> memref<128xi32, #tpu.memory_space<vmem>>
    %dma_start3A_195 = arith.constant 0 : i32
    %dma_start3A_196 = arith.constant 0 : i32
    %dma_start3A_197 = tpu.memref_slice %arg5[%dma_start3A_195, %dma_start3A_196] : memref<8192x128xf32, #tpu.memory_space<hbm>> -> memref<8192x128xf32, #tpu.memory_space<hbm>>
    tpu.enqueue_indirect_dma source(%dma_start3A_197 : memref<8192x128xf32, #tpu.memory_space<hbm>>) target(%arg12 : memref<128x128xf32, #tpu.memory_space<vmem>>) offsets(%dma_start3A_194 : memref<128xi32, #tpu.memory_space<vmem>>) semaphore(%arg15 : memref<!tpu.dma_semaphore, #tpu.memory_space<semaphore_mem>>)
    %dma_wait3A_198 = arith.constant 8 : i32
    %dma_wait3A_199 = arith.constant 0 : i32
    %dma_wait3A_200 = tpu.memref_slice %arg7[%dma_wait3A_198, %dma_wait3A_199] : memref<10x128xi32, #tpu.memory_space<vmem>> -> memref<1x128xi32, #tpu.memory_space<vmem>>
    %dma_wait3A_201 = tpu.memref_squeeze %dma_wait3A_200 : memref<1x128xi32, #tpu.memory_space<vmem>> -> memref<128xi32, #tpu.memory_space<vmem>>
    %dma_wait3A_202 = arith.constant 0 : i32
    %dma_wait3A_203 = arith.constant 0 : i32
    %dma_wait3A_204 = tpu.memref_slice %arg5[%dma_wait3A_202, %dma_wait3A_203] : memref<8192x128xf32, #tpu.memory_space<hbm>> -> memref<8192x128xf32, #tpu.memory_space<hbm>>
    tpu.wait_indirect_dma semaphore(%arg14 : memref<!tpu.dma_semaphore, #tpu.memory_space<semaphore_mem>>) src(%dma_wait3A_204 : memref<8192x128xf32, #tpu.memory_space<hbm>>) dst(%arg11 : memref<128x128xf32, #tpu.memory_space<vmem>>)
    %scan3A_205 = arith.constant 0 : i32
    %scan3A_206 = arith.constant 0 : i32
    %scan3A_207 = arith.constant 128 : i32
    %scan3A_208 = arith.addi %scan3A_206, %scan3A_207 : i32
    %scan3A_209 = arith.constant 1 : i32
    %scan3A_210 = scf.for %scan3A_226 = %scan3A_206 to %scan3A_208 step %scan3A_209 iter_args(%scan3A_227 = %scan3A_205) -> (i32)  : i32 {
      %add3A_228 = arith.constant 1024 : i32
      %add3A_229 = arith.addi %add3A_228, %scan3A_226 : i32
      %jit3A = arith.constant 5 : i32
      %div3A = arith.divsi %add3A_229, %jit3A : i32
      %sign3A = arith.constant 0 : i32
      %sign3A_230 = arith.cmpi sgt, %add3A_229, %sign3A : i32
      %sign3A_231 = arith.extui %sign3A_230 : i1 to i32
      %sign3A_232 = arith.constant 0 : i32
      %sign3A_233 = arith.cmpi slt, %add3A_229, %sign3A_232 : i32
      %sign3A_234 = arith.extui %sign3A_233 : i1 to i32
      %sign3A_235 = arith.subi %sign3A_231, %sign3A_234 : i32
      %sign3A_236 = arith.constant 0 : i32
      %sign3A_237 = arith.cmpi sgt, %jit3A, %sign3A_236 : i32
      %sign3A_238 = arith.extui %sign3A_237 : i1 to i32
      %sign3A_239 = arith.constant 0 : i32
      %sign3A_240 = arith.cmpi slt, %jit3A, %sign3A_239 : i32
      %sign3A_241 = arith.extui %sign3A_240 : i1 to i32
      %sign3A_242 = arith.subi %sign3A_238, %sign3A_241 : i32
      %ne3A = arith.cmpi ne, %sign3A_235, %sign3A_242 : i32
      %rem3A = arith.remsi %add3A_229, %jit3A : i32
      %ne3A_243 = arith.constant 0 : i32
      %ne3A_244 = arith.cmpi ne, %rem3A, %ne3A_243 : i32
      %and3A = arith.andi %ne3A, %ne3A_244 : i1
      %sub3A = arith.constant 1 : i32
      %sub3A_245 = arith.subi %div3A, %sub3A : i32
      %select_n3A = arith.select %and3A, %sub3A_245, %div3A : i32
      %broadcast_in_dim3A = vector.broadcast %add3A_229 : i32 to vector<16xi32>
      %gather3A = tpu.vector_load_idx %arg9[%broadcast_in_dim3A] : memref<1280xf32, #tpu.memory_space<vmem>>[vector<16xi32>], vector<16xf32>,
      %get3A = arith.index_cast %select_n3A : i32 to index
      %get3A_246 = arith.constant 0 : index
      %get3A_247 = tpu.vector_load %arg13[%get3A, %get3A_246] {strides = array<i32>} : memref<256x112xf32, #tpu.memory_space<vmem>>, vector<16xf32>,
      %get3A_248 = arith.index_cast %scan3A_226 : i32 to index
      %get3A_249 = arith.constant 0 : index
      %get3A_250 = tpu.vector_load %arg11[%get3A_248, %get3A_249] {strides = array<i32>} : memref<128x128xf32, #tpu.memory_space<vmem>>, vector<16xf32>,
      %mul3A_251 = arith.mulf %gather3A, %get3A_250 : vector<16xf32>
      %add3A_252 = arith.addf %get3A_247, %mul3A_251 : vector<16xf32>
      %swap3A = arith.index_cast %select_n3A : i32 to index
      %swap3A_253 = arith.constant 0 : index
      %swap3A_254 = tpu.vector_load %arg13[%swap3A, %swap3A_253] {strides = array<i32>} : memref<256x112xf32, #tpu.memory_space<vmem>>, vector<16xf32>,
      tpu.vector_store %arg13[%swap3A, %swap3A_253], %add3A_252 {strides = array<i32>} : memref<256x112xf32, #tpu.memory_space<vmem>>, vector<16xf32>,
      %get3A_255 = arith.index_cast %select_n3A : i32 to index
      %get3A_256 = arith.constant 16 : index
      %get3A_257 = tpu.vector_load %arg13[%get3A_255, %get3A_256] {strides = array<i32>} : memref<256x112xf32, #tpu.memory_space<vmem>>, vector<16xf32>,
      %get3A_258 = arith.index_cast %scan3A_226 : i32 to index
      %get3A_259 = arith.constant 16 : index
      %get3A_260 = tpu.vector_load %arg11[%get3A_258, %get3A_259] {strides = array<i32>} : memref<128x128xf32, #tpu.memory_space<vmem>>, vector<16xf32>,
      %mul3A_261 = arith.mulf %gather3A, %get3A_260 : vector<16xf32>
      %add3A_262 = arith.addf %get3A_257, %mul3A_261 : vector<16xf32>
      %swap3A_263 = arith.index_cast %select_n3A : i32 to index
      %swap3A_264 = arith.constant 16 : index
      %swap3A_265 = tpu.vector_load %arg13[%swap3A_263, %swap3A_264] {strides = array<i32>} : memref<256x112xf32, #tpu.memory_space<vmem>>, vector<16xf32>,
      tpu.vector_store %arg13[%swap3A_263, %swap3A_264], %add3A_262 {strides = array<i32>} : memref<256x112xf32, #tpu.memory_space<vmem>>, vector<16xf32>,
      %get3A_266 = arith.index_cast %select_n3A : i32 to index
      %get3A_267 = arith.constant 32 : index
      %get3A_268 = tpu.vector_load %arg13[%get3A_266, %get3A_267] {strides = array<i32>} : memref<256x112xf32, #tpu.memory_space<vmem>>, vector<16xf32>,
      %get3A_269 = arith.index_cast %scan3A_226 : i32 to index
      %get3A_270 = arith.constant 32 : index
      %get3A_271 = tpu.vector_load %arg11[%get3A_269, %get3A_270] {strides = array<i32>} : memref<128x128xf32, #tpu.memory_space<vmem>>, vector<16xf32>,
      %mul3A_272 = arith.mulf %gather3A, %get3A_271 : vector<16xf32>
      %add3A_273 = arith.addf %get3A_268, %mul3A_272 : vector<16xf32>
      %swap3A_274 = arith.index_cast %select_n3A : i32 to index
      %swap3A_275 = arith.constant 32 : index
      %swap3A_276 = tpu.vector_load %arg13[%swap3A_274, %swap3A_275] {strides = array<i32>} : memref<256x112xf32, #tpu.memory_space<vmem>>, vector<16xf32>,
      tpu.vector_store %arg13[%swap3A_274, %swap3A_275], %add3A_273 {strides = array<i32>} : memref<256x112xf32, #tpu.memory_space<vmem>>, vector<16xf32>,
      %get3A_277 = arith.index_cast %select_n3A : i32 to index
      %get3A_278 = arith.constant 48 : index
      %get3A_279 = tpu.vector_load %arg13[%get3A_277, %get3A_278] {strides = array<i32>} : memref<256x112xf32, #tpu.memory_space<vmem>>, vector<16xf32>,
      %get3A_280 = arith.index_cast %scan3A_226 : i32 to index
      %get3A_281 = arith.constant 48 : index
      %get3A_282 = tpu.vector_load %arg11[%get3A_280, %get3A_281] {strides = array<i32>} : memref<128x128xf32, #tpu.memory_space<vmem>>, vector<16xf32>,
      %mul3A_283 = arith.mulf %gather3A, %get3A_282 : vector<16xf32>
      %add3A_284 = arith.addf %get3A_279, %mul3A_283 : vector<16xf32>
      %swap3A_285 = arith.index_cast %select_n3A : i32 to index
      %swap3A_286 = arith.constant 48 : index
      %swap3A_287 = tpu.vector_load %arg13[%swap3A_285, %swap3A_286] {strides = array<i32>} : memref<256x112xf32, #tpu.memory_space<vmem>>, vector<16xf32>,
      tpu.vector_store %arg13[%swap3A_285, %swap3A_286], %add3A_284 {strides = array<i32>} : memref<256x112xf32, #tpu.memory_space<vmem>>, vector<16xf32>,
      %get3A_288 = arith.index_cast %select_n3A : i32 to index
      %get3A_289 = arith.constant 64 : index
      %get3A_290 = tpu.vector_load %arg13[%get3A_288, %get3A_289] {strides = array<i32>} : memref<256x112xf32, #tpu.memory_space<vmem>>, vector<16xf32>,
      %get3A_291 = arith.index_cast %scan3A_226 : i32 to index
      %get3A_292 = arith.constant 64 : index
      %get3A_293 = tpu.vector_load %arg11[%get3A_291, %get3A_292] {strides = array<i32>} : memref<128x128xf32, #tpu.memory_space<vmem>>, vector<16xf32>,
      %mul3A_294 = arith.mulf %gather3A, %get3A_293 : vector<16xf32>
      %add3A_295 = arith.addf %get3A_290, %mul3A_294 : vector<16xf32>
      %swap3A_296 = arith.index_cast %select_n3A : i32 to index
      %swap3A_297 = arith.constant 64 : index
      %swap3A_298 = tpu.vector_load %arg13[%swap3A_296, %swap3A_297] {strides = array<i32>} : memref<256x112xf32, #tpu.memory_space<vmem>>, vector<16xf32>,
      tpu.vector_store %arg13[%swap3A_296, %swap3A_297], %add3A_295 {strides = array<i32>} : memref<256x112xf32, #tpu.memory_space<vmem>>, vector<16xf32>,
      %get3A_299 = arith.index_cast %select_n3A : i32 to index
      %get3A_300 = arith.constant 80 : index
      %get3A_301 = tpu.vector_load %arg13[%get3A_299, %get3A_300] {strides = array<i32>} : memref<256x112xf32, #tpu.memory_space<vmem>>, vector<16xf32>,
      %get3A_302 = arith.index_cast %scan3A_226 : i32 to index
      %get3A_303 = arith.constant 80 : index
      %get3A_304 = tpu.vector_load %arg11[%get3A_302, %get3A_303] {strides = array<i32>} : memref<128x128xf32, #tpu.memory_space<vmem>>, vector<16xf32>,
      %mul3A_305 = arith.mulf %gather3A, %get3A_304 : vector<16xf32>
      %add3A_306 = arith.addf %get3A_301, %mul3A_305 : vector<16xf32>
      %swap3A_307 = arith.index_cast %select_n3A : i32 to index
      %swap3A_308 = arith.constant 80 : index
      %swap3A_309 = tpu.vector_load %arg13[%swap3A_307, %swap3A_308] {strides = array<i32>} : memref<256x112xf32, #tpu.memory_space<vmem>>, vector<16xf32>,
      tpu.vector_store %arg13[%swap3A_307, %swap3A_308], %add3A_306 {strides = array<i32>} : memref<256x112xf32, #tpu.memory_space<vmem>>, vector<16xf32>,
      %get3A_310 = arith.index_cast %select_n3A : i32 to index
      %get3A_311 = arith.constant 96 : index
      %get3A_312 = tpu.vector_load %arg13[%get3A_310, %get3A_311] {strides = array<i32>} : memref<256x112xf32, #tpu.memory_space<vmem>>, vector<16xf32>,
      %get3A_313 = arith.index_cast %scan3A_226 : i32 to index
      %get3A_314 = arith.constant 96 : index
      %get3A_315 = tpu.vector_load %arg11[%get3A_313, %get3A_314] {strides = array<i32>} : memref<128x128xf32, #tpu.memory_space<vmem>>, vector<16xf32>,
      %mul3A_316 = arith.mulf %gather3A, %get3A_315 : vector<16xf32>
      %add3A_317 = arith.addf %get3A_312, %mul3A_316 : vector<16xf32>
      %swap3A_318 = arith.index_cast %select_n3A : i32 to index
      %swap3A_319 = arith.constant 96 : index
      %swap3A_320 = tpu.vector_load %arg13[%swap3A_318, %swap3A_319] {strides = array<i32>} : memref<256x112xf32, #tpu.memory_space<vmem>>, vector<16xf32>,
      tpu.vector_store %arg13[%swap3A_318, %swap3A_319], %add3A_317 {strides = array<i32>} : memref<256x112xf32, #tpu.memory_space<vmem>>, vector<16xf32>,
      %scan3A_321 = arith.constant 0 : i32
      scf.yield %scan3A_321 : i32
    }
    %scan3A_211 = arith.constant 128 : i32
    %dma_wait3A_212 = arith.constant 9 : i32
    %dma_wait3A_213 = arith.constant 0 : i32
    %dma_wait3A_214 = tpu.memref_slice %arg7[%dma_wait3A_212, %dma_wait3A_213] : memref<10x128xi32, #tpu.memory_space<vmem>> -> memref<1x128xi32, #tpu.memory_space<vmem>>
    %dma_wait3A_215 = tpu.memref_squeeze %dma_wait3A_214 : memref<1x128xi32, #tpu.memory_space<vmem>> -> memref<128xi32, #tpu.memory_space<vmem>>
    %dma_wait3A_216 = arith.constant 0 : i32
    %dma_wait3A_217 = arith.constant 0 : i32
    %dma_wait3A_218 = tpu.memref_slice %arg5[%dma_wait3A_216, %dma_wait3A_217] : memref<8192x128xf32, #tpu.memory_space<hbm>> -> memref<8192x128xf32, #tpu.memory_space<hbm>>
    tpu.wait_indirect_dma semaphore(%arg15 : memref<!tpu.dma_semaphore, #tpu.memory_space<semaphore_mem>>) src(%dma_wait3A_218 : memref<8192x128xf32, #tpu.memory_space<hbm>>) dst(%arg12 : memref<128x128xf32, #tpu.memory_space<vmem>>)
    %scan3A_219 = arith.constant 0 : i32
    %scan3A_220 = arith.constant 0 : i32
    %scan3A_221 = arith.constant 128 : i32
    %scan3A_222 = arith.addi %scan3A_220, %scan3A_221 : i32
    %scan3A_223 = arith.constant 1 : i32
    %scan3A_224 = scf.for %scan3A_226 = %scan3A_220 to %scan3A_222 step %scan3A_223 iter_args(%scan3A_227 = %scan3A_219) -> (i32)  : i32 {
      %add3A_228 = arith.constant 1152 : i32
      %add3A_229 = arith.addi %add3A_228, %scan3A_226 : i32
      %jit3A = arith.constant 5 : i32
      %div3A = arith.divsi %add3A_229, %jit3A : i32
      %sign3A = arith.constant 0 : i32
      %sign3A_230 = arith.cmpi sgt, %add3A_229, %sign3A : i32
      %sign3A_231 = arith.extui %sign3A_230 : i1 to i32
      %sign3A_232 = arith.constant 0 : i32
      %sign3A_233 = arith.cmpi slt, %add3A_229, %sign3A_232 : i32
      %sign3A_234 = arith.extui %sign3A_233 : i1 to i32
      %sign3A_235 = arith.subi %sign3A_231, %sign3A_234 : i32
      %sign3A_236 = arith.constant 0 : i32
      %sign3A_237 = arith.cmpi sgt, %jit3A, %sign3A_236 : i32
      %sign3A_238 = arith.extui %sign3A_237 : i1 to i32
      %sign3A_239 = arith.constant 0 : i32
      %sign3A_240 = arith.cmpi slt, %jit3A, %sign3A_239 : i32
      %sign3A_241 = arith.extui %sign3A_240 : i1 to i32
      %sign3A_242 = arith.subi %sign3A_238, %sign3A_241 : i32
      %ne3A = arith.cmpi ne, %sign3A_235, %sign3A_242 : i32
      %rem3A = arith.remsi %add3A_229, %jit3A : i32
      %ne3A_243 = arith.constant 0 : i32
      %ne3A_244 = arith.cmpi ne, %rem3A, %ne3A_243 : i32
      %and3A = arith.andi %ne3A, %ne3A_244 : i1
      %sub3A = arith.constant 1 : i32
      %sub3A_245 = arith.subi %div3A, %sub3A : i32
      %select_n3A = arith.select %and3A, %sub3A_245, %div3A : i32
      %broadcast_in_dim3A = vector.broadcast %add3A_229 : i32 to vector<16xi32>
      %gather3A = tpu.vector_load_idx %arg9[%broadcast_in_dim3A] : memref<1280xf32, #tpu.memory_space<vmem>>[vector<16xi32>], vector<16xf32>,
      %get3A = arith.index_cast %select_n3A : i32 to index
      %get3A_246 = arith.constant 0 : index
      %get3A_247 = tpu.vector_load %arg13[%get3A, %get3A_246] {strides = array<i32>} : memref<256x112xf32, #tpu.memory_space<vmem>>, vector<16xf32>,
      %get3A_248 = arith.index_cast %scan3A_226 : i32 to index
      %get3A_249 = arith.constant 0 : index
      %get3A_250 = tpu.vector_load %arg12[%get3A_248, %get3A_249] {strides = array<i32>} : memref<128x128xf32, #tpu.memory_space<vmem>>, vector<16xf32>,
      %mul3A_251 = arith.mulf %gather3A, %get3A_250 : vector<16xf32>
      %add3A_252 = arith.addf %get3A_247, %mul3A_251 : vector<16xf32>
      %swap3A = arith.index_cast %select_n3A : i32 to index
      %swap3A_253 = arith.constant 0 : index
      %swap3A_254 = tpu.vector_load %arg13[%swap3A, %swap3A_253] {strides = array<i32>} : memref<256x112xf32, #tpu.memory_space<vmem>>, vector<16xf32>,
      tpu.vector_store %arg13[%swap3A, %swap3A_253], %add3A_252 {strides = array<i32>} : memref<256x112xf32, #tpu.memory_space<vmem>>, vector<16xf32>,
      %get3A_255 = arith.index_cast %select_n3A : i32 to index
      %get3A_256 = arith.constant 16 : index
      %get3A_257 = tpu.vector_load %arg13[%get3A_255, %get3A_256] {strides = array<i32>} : memref<256x112xf32, #tpu.memory_space<vmem>>, vector<16xf32>,
      %get3A_258 = arith.index_cast %scan3A_226 : i32 to index
      %get3A_259 = arith.constant 16 : index
      %get3A_260 = tpu.vector_load %arg12[%get3A_258, %get3A_259] {strides = array<i32>} : memref<128x128xf32, #tpu.memory_space<vmem>>, vector<16xf32>,
      %mul3A_261 = arith.mulf %gather3A, %get3A_260 : vector<16xf32>
      %add3A_262 = arith.addf %get3A_257, %mul3A_261 : vector<16xf32>
      %swap3A_263 = arith.index_cast %select_n3A : i32 to index
      %swap3A_264 = arith.constant 16 : index
      %swap3A_265 = tpu.vector_load %arg13[%swap3A_263, %swap3A_264] {strides = array<i32>} : memref<256x112xf32, #tpu.memory_space<vmem>>, vector<16xf32>,
      tpu.vector_store %arg13[%swap3A_263, %swap3A_264], %add3A_262 {strides = array<i32>} : memref<256x112xf32, #tpu.memory_space<vmem>>, vector<16xf32>,
      %get3A_266 = arith.index_cast %select_n3A : i32 to index
      %get3A_267 = arith.constant 32 : index
      %get3A_268 = tpu.vector_load %arg13[%get3A_266, %get3A_267] {strides = array<i32>} : memref<256x112xf32, #tpu.memory_space<vmem>>, vector<16xf32>,
      %get3A_269 = arith.index_cast %scan3A_226 : i32 to index
      %get3A_270 = arith.constant 32 : index
      %get3A_271 = tpu.vector_load %arg12[%get3A_269, %get3A_270] {strides = array<i32>} : memref<128x128xf32, #tpu.memory_space<vmem>>, vector<16xf32>,
      %mul3A_272 = arith.mulf %gather3A, %get3A_271 : vector<16xf32>
      %add3A_273 = arith.addf %get3A_268, %mul3A_272 : vector<16xf32>
      %swap3A_274 = arith.index_cast %select_n3A : i32 to index
      %swap3A_275 = arith.constant 32 : index
      %swap3A_276 = tpu.vector_load %arg13[%swap3A_274, %swap3A_275] {strides = array<i32>} : memref<256x112xf32, #tpu.memory_space<vmem>>, vector<16xf32>,
      tpu.vector_store %arg13[%swap3A_274, %swap3A_275], %add3A_273 {strides = array<i32>} : memref<256x112xf32, #tpu.memory_space<vmem>>, vector<16xf32>,
      %get3A_277 = arith.index_cast %select_n3A : i32 to index
      %get3A_278 = arith.constant 48 : index
      %get3A_279 = tpu.vector_load %arg13[%get3A_277, %get3A_278] {strides = array<i32>} : memref<256x112xf32, #tpu.memory_space<vmem>>, vector<16xf32>,
      %get3A_280 = arith.index_cast %scan3A_226 : i32 to index
      %get3A_281 = arith.constant 48 : index
      %get3A_282 = tpu.vector_load %arg12[%get3A_280, %get3A_281] {strides = array<i32>} : memref<128x128xf32, #tpu.memory_space<vmem>>, vector<16xf32>,
      %mul3A_283 = arith.mulf %gather3A, %get3A_282 : vector<16xf32>
      %add3A_284 = arith.addf %get3A_279, %mul3A_283 : vector<16xf32>
      %swap3A_285 = arith.index_cast %select_n3A : i32 to index
      %swap3A_286 = arith.constant 48 : index
      %swap3A_287 = tpu.vector_load %arg13[%swap3A_285, %swap3A_286] {strides = array<i32>} : memref<256x112xf32, #tpu.memory_space<vmem>>, vector<16xf32>,
      tpu.vector_store %arg13[%swap3A_285, %swap3A_286], %add3A_284 {strides = array<i32>} : memref<256x112xf32, #tpu.memory_space<vmem>>, vector<16xf32>,
      %get3A_288 = arith.index_cast %select_n3A : i32 to index
      %get3A_289 = arith.constant 64 : index
      %get3A_290 = tpu.vector_load %arg13[%get3A_288, %get3A_289] {strides = array<i32>} : memref<256x112xf32, #tpu.memory_space<vmem>>, vector<16xf32>,
      %get3A_291 = arith.index_cast %scan3A_226 : i32 to index
      %get3A_292 = arith.constant 64 : index
      %get3A_293 = tpu.vector_load %arg12[%get3A_291, %get3A_292] {strides = array<i32>} : memref<128x128xf32, #tpu.memory_space<vmem>>, vector<16xf32>,
      %mul3A_294 = arith.mulf %gather3A, %get3A_293 : vector<16xf32>
      %add3A_295 = arith.addf %get3A_290, %mul3A_294 : vector<16xf32>
      %swap3A_296 = arith.index_cast %select_n3A : i32 to index
      %swap3A_297 = arith.constant 64 : index
      %swap3A_298 = tpu.vector_load %arg13[%swap3A_296, %swap3A_297] {strides = array<i32>} : memref<256x112xf32, #tpu.memory_space<vmem>>, vector<16xf32>,
      tpu.vector_store %arg13[%swap3A_296, %swap3A_297], %add3A_295 {strides = array<i32>} : memref<256x112xf32, #tpu.memory_space<vmem>>, vector<16xf32>,
      %get3A_299 = arith.index_cast %select_n3A : i32 to index
      %get3A_300 = arith.constant 80 : index
      %get3A_301 = tpu.vector_load %arg13[%get3A_299, %get3A_300] {strides = array<i32>} : memref<256x112xf32, #tpu.memory_space<vmem>>, vector<16xf32>,
      %get3A_302 = arith.index_cast %scan3A_226 : i32 to index
      %get3A_303 = arith.constant 80 : index
      %get3A_304 = tpu.vector_load %arg12[%get3A_302, %get3A_303] {strides = array<i32>} : memref<128x128xf32, #tpu.memory_space<vmem>>, vector<16xf32>,
      %mul3A_305 = arith.mulf %gather3A, %get3A_304 : vector<16xf32>
      %add3A_306 = arith.addf %get3A_301, %mul3A_305 : vector<16xf32>
      %swap3A_307 = arith.index_cast %select_n3A : i32 to index
      %swap3A_308 = arith.constant 80 : index
      %swap3A_309 = tpu.vector_load %arg13[%swap3A_307, %swap3A_308] {strides = array<i32>} : memref<256x112xf32, #tpu.memory_space<vmem>>, vector<16xf32>,
      tpu.vector_store %arg13[%swap3A_307, %swap3A_308], %add3A_306 {strides = array<i32>} : memref<256x112xf32, #tpu.memory_space<vmem>>, vector<16xf32>,
      %get3A_310 = arith.index_cast %select_n3A : i32 to index
      %get3A_311 = arith.constant 96 : index
      %get3A_312 = tpu.vector_load %arg13[%get3A_310, %get3A_311] {strides = array<i32>} : memref<256x112xf32, #tpu.memory_space<vmem>>, vector<16xf32>,
      %get3A_313 = arith.index_cast %scan3A_226 : i32 to index
      %get3A_314 = arith.constant 96 : index
      %get3A_315 = tpu.vector_load %arg12[%get3A_313, %get3A_314] {strides = array<i32>} : memref<128x128xf32, #tpu.memory_space<vmem>>, vector<16xf32>,
      %mul3A_316 = arith.mulf %gather3A, %get3A_315 : vector<16xf32>
      %add3A_317 = arith.addf %get3A_312, %mul3A_316 : vector<16xf32>
      %swap3A_318 = arith.index_cast %select_n3A : i32 to index
      %swap3A_319 = arith.constant 96 : index
      %swap3A_320 = tpu.vector_load %arg13[%swap3A_318, %swap3A_319] {strides = array<i32>} : memref<256x112xf32, #tpu.memory_space<vmem>>, vector<16xf32>,
      tpu.vector_store %arg13[%swap3A_318, %swap3A_319], %add3A_317 {strides = array<i32>} : memref<256x112xf32, #tpu.memory_space<vmem>>, vector<16xf32>,
      %scan3A_321 = arith.constant 0 : i32
      scf.yield %scan3A_321 : i32
    }
    %scan3A_225 = arith.constant 128 : i32
    "tpu.region"() ({
      %run_scoped3A = tpu.sem_alloc : memref<!tpu.dma_semaphore, #tpu.memory_space<semaphore_mem>>
      %dma_start3A_226 = arith.constant 0 : i32
      %dma_start3A_227 = tpu.memref_slice %arg6[%mul3A_4, %dma_start3A_226] : memref<8192x112xf32, #tpu.memory_space<hbm>> -> memref<256x112xf32, #tpu.memory_space<hbm>>
      %dma_start3A_228 = arith.constant 0 : i32
      %dma_start3A_229 = tpu.memref_slice %arg6[%mul3A_4, %dma_start3A_228] : memref<8192x112xf32, #tpu.memory_space<hbm>> -> memref<256x112xf32, #tpu.memory_space<hbm>>
      tpu.enqueue_dma source(%arg13 : memref<256x112xf32, #tpu.memory_space<vmem>>) target(%dma_start3A_229 : memref<256x112xf32, #tpu.memory_space<hbm>>) target_semaphore(%run_scoped3A : memref<!tpu.dma_semaphore, #tpu.memory_space<semaphore_mem>>)
      %dma_wait3A_230 = arith.constant 0 : i32
      %dma_wait3A_231 = tpu.memref_slice %arg6[%mul3A_4, %dma_wait3A_230] : memref<8192x112xf32, #tpu.memory_space<hbm>> -> memref<256x112xf32, #tpu.memory_space<hbm>>
      %dma_wait3A_232 = arith.constant 0 : i32
      %dma_wait3A_233 = tpu.memref_slice %arg6[%mul3A_4, %dma_wait3A_232] : memref<8192x112xf32, #tpu.memory_space<hbm>> -> memref<256x112xf32, #tpu.memory_space<hbm>>
      tpu.wait_dma2 semaphore(%run_scoped3A : memref<!tpu.dma_semaphore, #tpu.memory_space<semaphore_mem>>) src(%arg13 : memref<256x112xf32, #tpu.memory_space<vmem>>) dst(%dma_wait3A_233 : memref<256x112xf32, #tpu.memory_space<hbm>>)
      tpu.yield
    }) : () -> ()
    return
  }
}

module attributes {stable_mosaic.version = 14 : i64} {
  func.func @_top5_body(%arg0: i32, %arg1: i32, %arg2: memref<256x128xbf16, #tpu.memory_space<vmem>>, %arg3: memref<128x2048xbf16, #tpu.memory_space<vmem>>, %arg4: memref<8x2048xf32, #tpu.memory_space<vmem>>, %arg5: memref<256x128xf32, #tpu.memory_space<vmem>>, %arg6: memref<8x128xf32, #tpu.memory_space<vmem>>, %arg7: memref<256x128xi32, #tpu.memory_space<vmem>>, %arg8: memref<256x128xf32, #tpu.memory_space<vmem>>, %arg9: memref<256x128xf32, #tpu.memory_space<vmem>>, %arg10: memref<5x256x128xf32, #tpu.memory_space<vmem>>) attributes {dimension_semantics = [#tpu.dimension_semantics<parallel>, #tpu.dimension_semantics<arbitrary>], iteration_bounds = array<i64: 32, 4>, scalar_prefetch = 0 : i64, scratch_operands = 1 : i64, tpu.core_type = #tpu.core_type<tc>, window_params = [{transform_indices = @transform_0, window_bounds = array<i64: 256, 128>}, {transform_indices = @transform_1, window_bounds = array<i64: 128, 2048>}, {transform_indices = @transform_2, window_bounds = array<i64: 8, 2048>}, {transform_indices = @transform_3, window_bounds = array<i64: 256, 128>}, {pipeline_mode = #tpu.pipeline_mode<synchronous>, transform_indices = @transform_4, window_bounds = array<i64: 8, 128>}, {transform_indices = @transform_5, window_bounds = array<i64: 256, 128>}, {transform_indices = @transform_6, window_bounds = array<i64: 256, 128>}, {transform_indices = @transform_7, window_bounds = array<i64: 256, 128>}]} {
    %eq3A = arith.constant 0 : i32
    %eq3A_0 = arith.cmpi eq, %arg1, %eq3A : i32
    %convert_element_type3A = arith.extui %eq3A_0 : i1 to i32
    %cond3A = arith.constant 0 : i32
    %cond3A_1 = arith.cmpi ne, %convert_element_type3A, %cond3A : i32
    scf.if %cond3A_1 {
      %broadcast_in_dim3A_254 = arith.constant 1.000000e+09 : f32
      %broadcast_in_dim3A_255 = vector.broadcast %broadcast_in_dim3A_254 : f32 to vector<5x256x128xf32>
      %swap3A_256 = arith.constant 0 : index
      %swap3A_257 = arith.constant 0 : index
      %swap3A_258 = arith.constant 0 : index
      %swap3A_259 = vector.load %arg10[%swap3A_256, %swap3A_257, %swap3A_258] : memref<5x256x128xf32, #tpu.memory_space<vmem>>, vector<5x256x128xf32>
      tpu.vector_store %arg10[%swap3A_256, %swap3A_257, %swap3A_258], %broadcast_in_dim3A_255 {strides = array<i32>} : memref<5x256x128xf32, #tpu.memory_space<vmem>>, vector<5x256x128xf32>,
      %get3A_260 = arith.constant 0 : index
      %get3A_261 = arith.constant 0 : index
      %get3A_262 = vector.load %arg5[%get3A_260, %get3A_261] : memref<256x128xf32, #tpu.memory_space<vmem>>, vector<256x128xf32>
      %get3A_263 = arith.constant 0 : index
      %get3A_264 = arith.constant 0 : index
      %get3A_265 = vector.load %arg6[%get3A_263, %get3A_264] : memref<8x128xf32, #tpu.memory_space<vmem>>, vector<1x128xf32>
      %mul3A_266 = vector.broadcast %get3A_265 : vector<1x128xf32> to vector<256x128xf32>
      %mul3A_267 = arith.mulf %get3A_262, %mul3A_266 : vector<256x128xf32>
      %reduce_sum3A_268 = arith.constant dense<0.000000e+00> : vector<256xf32>
      %reduce_sum3A_269 = vector.multi_reduction <add>, %mul3A_267, %reduce_sum3A_268 [1] : vector<256x128xf32> to vector<256xf32>
      %broadcast_in_dim3A_270 = vector.shape_cast %reduce_sum3A_269 : vector<256xf32> to vector<256x1xf32>
      %get3A_271 = arith.constant 1 : index
      %get3A_272 = arith.constant 0 : index
      %get3A_273 = vector.load %arg6[%get3A_271, %get3A_272] : memref<8x128xf32, #tpu.memory_space<vmem>>, vector<1x1xf32>
      %add3A_274 = vector.broadcast %get3A_273 : vector<1x1xf32> to vector<256x1xf32>
      %add3A_275 = arith.addf %broadcast_in_dim3A_270, %add3A_274 : vector<256x1xf32>
      %logistic3A = arith.negf %add3A_275 : vector<256x1xf32>
      %logistic3A_276 = math.exp %logistic3A : vector<256x1xf32>
      %logistic3A_277 = arith.constant 1.000000e+00 : f32
      %logistic3A_278 = vector.broadcast %logistic3A_277 : f32 to vector<256x1xf32>
      %logistic3A_279 = arith.addf %logistic3A_278, %logistic3A_276 : vector<256x1xf32>
      %logistic3A_280 = arith.divf %logistic3A_278, %logistic3A_279 : vector<256x1xf32>
      %broadcast_in_dim3A_281 = vector.shape_cast %logistic3A_280 : vector<256x1xf32> to vector<256x1xf32>
      %broadcast_in_dim3A_282 = vector.broadcast %broadcast_in_dim3A_281 : vector<256x1xf32> to vector<256x128xf32>
      %swap3A_283 = arith.constant 0 : index
      %swap3A_284 = arith.constant 0 : index
      %swap3A_285 = vector.load %arg9[%swap3A_283, %swap3A_284] : memref<256x128xf32, #tpu.memory_space<vmem>>, vector<256x128xf32>
      tpu.vector_store %arg9[%swap3A_283, %swap3A_284], %broadcast_in_dim3A_282 {strides = array<i32>} : memref<256x128xf32, #tpu.memory_space<vmem>>, vector<256x128xf32>,
    } else {
    }
    %get3A = arith.constant 0 : index
    %get3A_2 = arith.constant 0 : index
    %get3A_3 = vector.load %arg2[%get3A, %get3A_2] : memref<256x128xbf16, #tpu.memory_space<vmem>>, vector<256x128xbf16>
    %convert_element_type3A_4 = arith.extf %get3A_3 : vector<256x128xbf16> to vector<256x128xf32>
    %mul3A = arith.mulf %convert_element_type3A_4, %convert_element_type3A_4 : vector<256x128xf32>
    %reduce_sum3A = arith.constant dense<0.000000e+00> : vector<256xf32>
    %reduce_sum3A_5 = vector.multi_reduction <add>, %mul3A, %reduce_sum3A [1] : vector<256x128xf32> to vector<256xf32>
    %broadcast_in_dim3A = vector.shape_cast %reduce_sum3A_5 : vector<256xf32> to vector<256x1xf32>
    %mul3A_6 = arith.constant 2.500000e-01 : f32
    %mul3A_7 = vector.broadcast %mul3A_6 : f32 to vector<256x1xf32>
    %mul3A_8 = arith.mulf %mul3A_7, %broadcast_in_dim3A : vector<256x1xf32>
    %get3A_9 = arith.constant 0 : index
    %get3A_10 = arith.constant 0 : index
    %get3A_11 = vector.load %arg4[%get3A_9, %get3A_10] : memref<8x2048xf32, #tpu.memory_space<vmem>>, vector<8x2048xf32>
    %mul3A_12 = arith.mulf %get3A_11, %get3A_11 : vector<8x2048xf32>
    %reduce_sum3A_13 = arith.constant dense<0.000000e+00> : vector<2048xf32>
    %reduce_sum3A_14 = vector.multi_reduction <add>, %mul3A_12, %reduce_sum3A_13 [0] : vector<8x2048xf32> to vector<2048xf32>
    %broadcast_in_dim3A_15 = vector.shape_cast %reduce_sum3A_14 : vector<2048xf32> to vector<1x2048xf32>
    %get3A_16 = arith.constant 0 : index
    %get3A_17 = arith.constant 0 : index
    %get3A_18 = vector.load %arg2[%get3A_16, %get3A_17] : memref<256x128xbf16, #tpu.memory_space<vmem>>, vector<256x128xbf16>
    %get3A_19 = arith.constant 0 : index
    %get3A_20 = arith.constant 0 : index
    %get3A_21 = vector.load %arg3[%get3A_19, %get3A_20] : memref<128x2048xbf16, #tpu.memory_space<vmem>>, vector<128x2048xbf16>
    %dot_general3A = arith.constant dense<0.000000e+00> : vector<256x2048xf32>
    %dot_general3A_22 = tpu.matmul %get3A_18, %get3A_21, %dot_general3A {dimension_numbers = #tpu.dot_dimension_numbers<[1], [0], [0], [1], [0, 0, 1, 1], [], []>, transpose_lhs_hint = false} : vector<256x128xbf16>, vector<128x2048xbf16>, vector<256x2048xf32> -> vector<256x2048xf32>
    %add3A = vector.broadcast %mul3A_8 : vector<256x1xf32> to vector<256x2048xf32>
    %add3A_23 = arith.addf %dot_general3A_22, %add3A : vector<256x2048xf32>
    %add3A_24 = vector.broadcast %broadcast_in_dim3A_15 : vector<1x2048xf32> to vector<256x2048xf32>
    %add3A_25 = arith.addf %add3A_23, %add3A_24 : vector<256x2048xf32>
    %iota3A = tpu.iota {dimensions = array<i32: 1>} : vector<256x2048xi32>
    %mul3A_26 = arith.constant 2048 : i32
    %mul3A_27 = arith.muli %arg1, %mul3A_26 : i32
    %add3A_28 = vector.broadcast %mul3A_27 : i32 to vector<256x2048xi32>
    %add3A_29 = arith.addi %iota3A, %add3A_28 : vector<256x2048xi32>
    %convert_element_type3A_30 = arith.sitofp %add3A_29 : vector<256x2048xi32> to vector<256x2048xf32>
    %min3A = arith.constant 2.560000e+02 : f32
    %min3A_31 = vector.broadcast %min3A : f32 to vector<256x2048xf32>
    %min3A_32 = arith.minimumf %add3A_25, %min3A_31 : vector<256x2048xf32>
    %mul3A_33 = arith.constant 8.192000e+03 : f32
    %mul3A_34 = vector.broadcast %mul3A_33 : f32 to vector<256x2048xf32>
    %mul3A_35 = arith.mulf %min3A_32, %mul3A_34 : vector<256x2048xf32>
    %add3A_36 = arith.addf %mul3A_35, %convert_element_type3A_30 : vector<256x2048xf32>
    %get3A_37 = arith.constant 0 : index
    %get3A_38 = arith.constant 0 : index
    %get3A_39 = arith.constant 0 : index
    %get3A_40 = vector.load %arg10[%get3A_37, %get3A_38, %get3A_39] : memref<5x256x128xf32, #tpu.memory_space<vmem>>, vector<1x256x128xf32>
    %get3A_41 = vector.shape_cast %get3A_40 : vector<1x256x128xf32> to vector<256x128xf32>
    %get3A_42 = arith.constant 1 : index
    %get3A_43 = arith.constant 0 : index
    %get3A_44 = arith.constant 0 : index
    %get3A_45 = vector.load %arg10[%get3A_42, %get3A_43, %get3A_44] : memref<5x256x128xf32, #tpu.memory_space<vmem>>, vector<1x256x128xf32>
    %get3A_46 = vector.shape_cast %get3A_45 : vector<1x256x128xf32> to vector<256x128xf32>
    %get3A_47 = arith.constant 2 : index
    %get3A_48 = arith.constant 0 : index
    %get3A_49 = arith.constant 0 : index
    %get3A_50 = vector.load %arg10[%get3A_47, %get3A_48, %get3A_49] : memref<5x256x128xf32, #tpu.memory_space<vmem>>, vector<1x256x128xf32>
    %get3A_51 = vector.shape_cast %get3A_50 : vector<1x256x128xf32> to vector<256x128xf32>
    %get3A_52 = arith.constant 3 : index
    %get3A_53 = arith.constant 0 : index
    %get3A_54 = arith.constant 0 : index
    %get3A_55 = vector.load %arg10[%get3A_52, %get3A_53, %get3A_54] : memref<5x256x128xf32, #tpu.memory_space<vmem>>, vector<1x256x128xf32>
    %get3A_56 = vector.shape_cast %get3A_55 : vector<1x256x128xf32> to vector<256x128xf32>
    %get3A_57 = arith.constant 4 : index
    %get3A_58 = arith.constant 0 : index
    %get3A_59 = arith.constant 0 : index
    %get3A_60 = vector.load %arg10[%get3A_57, %get3A_58, %get3A_59] : memref<5x256x128xf32, #tpu.memory_space<vmem>>, vector<1x256x128xf32>
    %get3A_61 = vector.shape_cast %get3A_60 : vector<1x256x128xf32> to vector<256x128xf32>
    %slice3A = vector.extract_strided_slice %add3A_36 {offsets = [0, 0], sizes = [256, 128], strides = [1, 1]} : vector<256x2048xf32> to vector<256x128xf32>
    %min3A_62 = arith.minimumf %get3A_41, %slice3A : vector<256x128xf32>
    %max3A = arith.maximumf %get3A_41, %slice3A : vector<256x128xf32>
    %min3A_63 = arith.minimumf %get3A_46, %max3A : vector<256x128xf32>
    %max3A_64 = arith.maximumf %get3A_46, %max3A : vector<256x128xf32>
    %min3A_65 = arith.minimumf %get3A_51, %max3A_64 : vector<256x128xf32>
    %max3A_66 = arith.maximumf %get3A_51, %max3A_64 : vector<256x128xf32>
    %min3A_67 = arith.minimumf %get3A_56, %max3A_66 : vector<256x128xf32>
    %max3A_68 = arith.maximumf %get3A_56, %max3A_66 : vector<256x128xf32>
    %min3A_69 = arith.minimumf %get3A_61, %max3A_68 : vector<256x128xf32>
    %slice3A_70 = vector.extract_strided_slice %add3A_36 {offsets = [0, 128], sizes = [256, 128], strides = [1, 1]} : vector<256x2048xf32> to vector<256x128xf32>
    %min3A_71 = arith.minimumf %min3A_62, %slice3A_70 : vector<256x128xf32>
    %max3A_72 = arith.maximumf %min3A_62, %slice3A_70 : vector<256x128xf32>
    %min3A_73 = arith.minimumf %min3A_63, %max3A_72 : vector<256x128xf32>
    %max3A_74 = arith.maximumf %min3A_63, %max3A_72 : vector<256x128xf32>
    %min3A_75 = arith.minimumf %min3A_65, %max3A_74 : vector<256x128xf32>
    %max3A_76 = arith.maximumf %min3A_65, %max3A_74 : vector<256x128xf32>
    %min3A_77 = arith.minimumf %min3A_67, %max3A_76 : vector<256x128xf32>
    %max3A_78 = arith.maximumf %min3A_67, %max3A_76 : vector<256x128xf32>
    %min3A_79 = arith.minimumf %min3A_69, %max3A_78 : vector<256x128xf32>
    %slice3A_80 = vector.extract_strided_slice %add3A_36 {offsets = [0, 256], sizes = [256, 128], strides = [1, 1]} : vector<256x2048xf32> to vector<256x128xf32>
    %min3A_81 = arith.minimumf %min3A_71, %slice3A_80 : vector<256x128xf32>
    %max3A_82 = arith.maximumf %min3A_71, %slice3A_80 : vector<256x128xf32>
    %min3A_83 = arith.minimumf %min3A_73, %max3A_82 : vector<256x128xf32>
    %max3A_84 = arith.maximumf %min3A_73, %max3A_82 : vector<256x128xf32>
    %min3A_85 = arith.minimumf %min3A_75, %max3A_84 : vector<256x128xf32>
    %max3A_86 = arith.maximumf %min3A_75, %max3A_84 : vector<256x128xf32>
    %min3A_87 = arith.minimumf %min3A_77, %max3A_86 : vector<256x128xf32>
    %max3A_88 = arith.maximumf %min3A_77, %max3A_86 : vector<256x128xf32>
    %min3A_89 = arith.minimumf %min3A_79, %max3A_88 : vector<256x128xf32>
    %slice3A_90 = vector.extract_strided_slice %add3A_36 {offsets = [0, 384], sizes = [256, 128], strides = [1, 1]} : vector<256x2048xf32> to vector<256x128xf32>
    %min3A_91 = arith.minimumf %min3A_81, %slice3A_90 : vector<256x128xf32>
    %max3A_92 = arith.maximumf %min3A_81, %slice3A_90 : vector<256x128xf32>
    %min3A_93 = arith.minimumf %min3A_83, %max3A_92 : vector<256x128xf32>
    %max3A_94 = arith.maximumf %min3A_83, %max3A_92 : vector<256x128xf32>
    %min3A_95 = arith.minimumf %min3A_85, %max3A_94 : vector<256x128xf32>
    %max3A_96 = arith.maximumf %min3A_85, %max3A_94 : vector<256x128xf32>
    %min3A_97 = arith.minimumf %min3A_87, %max3A_96 : vector<256x128xf32>
    %max3A_98 = arith.maximumf %min3A_87, %max3A_96 : vector<256x128xf32>
    %min3A_99 = arith.minimumf %min3A_89, %max3A_98 : vector<256x128xf32>
    %slice3A_100 = vector.extract_strided_slice %add3A_36 {offsets = [0, 512], sizes = [256, 128], strides = [1, 1]} : vector<256x2048xf32> to vector<256x128xf32>
    %min3A_101 = arith.minimumf %min3A_91, %slice3A_100 : vector<256x128xf32>
    %max3A_102 = arith.maximumf %min3A_91, %slice3A_100 : vector<256x128xf32>
    %min3A_103 = arith.minimumf %min3A_93, %max3A_102 : vector<256x128xf32>
    %max3A_104 = arith.maximumf %min3A_93, %max3A_102 : vector<256x128xf32>
    %min3A_105 = arith.minimumf %min3A_95, %max3A_104 : vector<256x128xf32>
    %max3A_106 = arith.maximumf %min3A_95, %max3A_104 : vector<256x128xf32>
    %min3A_107 = arith.minimumf %min3A_97, %max3A_106 : vector<256x128xf32>
    %max3A_108 = arith.maximumf %min3A_97, %max3A_106 : vector<256x128xf32>
    %min3A_109 = arith.minimumf %min3A_99, %max3A_108 : vector<256x128xf32>
    %slice3A_110 = vector.extract_strided_slice %add3A_36 {offsets = [0, 640], sizes = [256, 128], strides = [1, 1]} : vector<256x2048xf32> to vector<256x128xf32>
    %min3A_111 = arith.minimumf %min3A_101, %slice3A_110 : vector<256x128xf32>
    %max3A_112 = arith.maximumf %min3A_101, %slice3A_110 : vector<256x128xf32>
    %min3A_113 = arith.minimumf %min3A_103, %max3A_112 : vector<256x128xf32>
    %max3A_114 = arith.maximumf %min3A_103, %max3A_112 : vector<256x128xf32>
    %min3A_115 = arith.minimumf %min3A_105, %max3A_114 : vector<256x128xf32>
    %max3A_116 = arith.maximumf %min3A_105, %max3A_114 : vector<256x128xf32>
    %min3A_117 = arith.minimumf %min3A_107, %max3A_116 : vector<256x128xf32>
    %max3A_118 = arith.maximumf %min3A_107, %max3A_116 : vector<256x128xf32>
    %min3A_119 = arith.minimumf %min3A_109, %max3A_118 : vector<256x128xf32>
    %slice3A_120 = vector.extract_strided_slice %add3A_36 {offsets = [0, 768], sizes = [256, 128], strides = [1, 1]} : vector<256x2048xf32> to vector<256x128xf32>
    %min3A_121 = arith.minimumf %min3A_111, %slice3A_120 : vector<256x128xf32>
    %max3A_122 = arith.maximumf %min3A_111, %slice3A_120 : vector<256x128xf32>
    %min3A_123 = arith.minimumf %min3A_113, %max3A_122 : vector<256x128xf32>
    %max3A_124 = arith.maximumf %min3A_113, %max3A_122 : vector<256x128xf32>
    %min3A_125 = arith.minimumf %min3A_115, %max3A_124 : vector<256x128xf32>
    %max3A_126 = arith.maximumf %min3A_115, %max3A_124 : vector<256x128xf32>
    %min3A_127 = arith.minimumf %min3A_117, %max3A_126 : vector<256x128xf32>
    %max3A_128 = arith.maximumf %min3A_117, %max3A_126 : vector<256x128xf32>
    %min3A_129 = arith.minimumf %min3A_119, %max3A_128 : vector<256x128xf32>
    %slice3A_130 = vector.extract_strided_slice %add3A_36 {offsets = [0, 896], sizes = [256, 128], strides = [1, 1]} : vector<256x2048xf32> to vector<256x128xf32>
    %min3A_131 = arith.minimumf %min3A_121, %slice3A_130 : vector<256x128xf32>
    %max3A_132 = arith.maximumf %min3A_121, %slice3A_130 : vector<256x128xf32>
    %min3A_133 = arith.minimumf %min3A_123, %max3A_132 : vector<256x128xf32>
    %max3A_134 = arith.maximumf %min3A_123, %max3A_132 : vector<256x128xf32>
    %min3A_135 = arith.minimumf %min3A_125, %max3A_134 : vector<256x128xf32>
    %max3A_136 = arith.maximumf %min3A_125, %max3A_134 : vector<256x128xf32>
    %min3A_137 = arith.minimumf %min3A_127, %max3A_136 : vector<256x128xf32>
    %max3A_138 = arith.maximumf %min3A_127, %max3A_136 : vector<256x128xf32>
    %min3A_139 = arith.minimumf %min3A_129, %max3A_138 : vector<256x128xf32>
    %slice3A_140 = vector.extract_strided_slice %add3A_36 {offsets = [0, 1024], sizes = [256, 128], strides = [1, 1]} : vector<256x2048xf32> to vector<256x128xf32>
    %min3A_141 = arith.minimumf %min3A_131, %slice3A_140 : vector<256x128xf32>
    %max3A_142 = arith.maximumf %min3A_131, %slice3A_140 : vector<256x128xf32>
    %min3A_143 = arith.minimumf %min3A_133, %max3A_142 : vector<256x128xf32>
    %max3A_144 = arith.maximumf %min3A_133, %max3A_142 : vector<256x128xf32>
    %min3A_145 = arith.minimumf %min3A_135, %max3A_144 : vector<256x128xf32>
    %max3A_146 = arith.maximumf %min3A_135, %max3A_144 : vector<256x128xf32>
    %min3A_147 = arith.minimumf %min3A_137, %max3A_146 : vector<256x128xf32>
    %max3A_148 = arith.maximumf %min3A_137, %max3A_146 : vector<256x128xf32>
    %min3A_149 = arith.minimumf %min3A_139, %max3A_148 : vector<256x128xf32>
    %slice3A_150 = vector.extract_strided_slice %add3A_36 {offsets = [0, 1152], sizes = [256, 128], strides = [1, 1]} : vector<256x2048xf32> to vector<256x128xf32>
    %min3A_151 = arith.minimumf %min3A_141, %slice3A_150 : vector<256x128xf32>
    %max3A_152 = arith.maximumf %min3A_141, %slice3A_150 : vector<256x128xf32>
    %min3A_153 = arith.minimumf %min3A_143, %max3A_152 : vector<256x128xf32>
    %max3A_154 = arith.maximumf %min3A_143, %max3A_152 : vector<256x128xf32>
    %min3A_155 = arith.minimumf %min3A_145, %max3A_154 : vector<256x128xf32>
    %max3A_156 = arith.maximumf %min3A_145, %max3A_154 : vector<256x128xf32>
    %min3A_157 = arith.minimumf %min3A_147, %max3A_156 : vector<256x128xf32>
    %max3A_158 = arith.maximumf %min3A_147, %max3A_156 : vector<256x128xf32>
    %min3A_159 = arith.minimumf %min3A_149, %max3A_158 : vector<256x128xf32>
    %slice3A_160 = vector.extract_strided_slice %add3A_36 {offsets = [0, 1280], sizes = [256, 128], strides = [1, 1]} : vector<256x2048xf32> to vector<256x128xf32>
    %min3A_161 = arith.minimumf %min3A_151, %slice3A_160 : vector<256x128xf32>
    %max3A_162 = arith.maximumf %min3A_151, %slice3A_160 : vector<256x128xf32>
    %min3A_163 = arith.minimumf %min3A_153, %max3A_162 : vector<256x128xf32>
    %max3A_164 = arith.maximumf %min3A_153, %max3A_162 : vector<256x128xf32>
    %min3A_165 = arith.minimumf %min3A_155, %max3A_164 : vector<256x128xf32>
    %max3A_166 = arith.maximumf %min3A_155, %max3A_164 : vector<256x128xf32>
    %min3A_167 = arith.minimumf %min3A_157, %max3A_166 : vector<256x128xf32>
    %max3A_168 = arith.maximumf %min3A_157, %max3A_166 : vector<256x128xf32>
    %min3A_169 = arith.minimumf %min3A_159, %max3A_168 : vector<256x128xf32>
    %slice3A_170 = vector.extract_strided_slice %add3A_36 {offsets = [0, 1408], sizes = [256, 128], strides = [1, 1]} : vector<256x2048xf32> to vector<256x128xf32>
    %min3A_171 = arith.minimumf %min3A_161, %slice3A_170 : vector<256x128xf32>
    %max3A_172 = arith.maximumf %min3A_161, %slice3A_170 : vector<256x128xf32>
    %min3A_173 = arith.minimumf %min3A_163, %max3A_172 : vector<256x128xf32>
    %max3A_174 = arith.maximumf %min3A_163, %max3A_172 : vector<256x128xf32>
    %min3A_175 = arith.minimumf %min3A_165, %max3A_174 : vector<256x128xf32>
    %max3A_176 = arith.maximumf %min3A_165, %max3A_174 : vector<256x128xf32>
    %min3A_177 = arith.minimumf %min3A_167, %max3A_176 : vector<256x128xf32>
    %max3A_178 = arith.maximumf %min3A_167, %max3A_176 : vector<256x128xf32>
    %min3A_179 = arith.minimumf %min3A_169, %max3A_178 : vector<256x128xf32>
    %slice3A_180 = vector.extract_strided_slice %add3A_36 {offsets = [0, 1536], sizes = [256, 128], strides = [1, 1]} : vector<256x2048xf32> to vector<256x128xf32>
    %min3A_181 = arith.minimumf %min3A_171, %slice3A_180 : vector<256x128xf32>
    %max3A_182 = arith.maximumf %min3A_171, %slice3A_180 : vector<256x128xf32>
    %min3A_183 = arith.minimumf %min3A_173, %max3A_182 : vector<256x128xf32>
    %max3A_184 = arith.maximumf %min3A_173, %max3A_182 : vector<256x128xf32>
    %min3A_185 = arith.minimumf %min3A_175, %max3A_184 : vector<256x128xf32>
    %max3A_186 = arith.maximumf %min3A_175, %max3A_184 : vector<256x128xf32>
    %min3A_187 = arith.minimumf %min3A_177, %max3A_186 : vector<256x128xf32>
    %max3A_188 = arith.maximumf %min3A_177, %max3A_186 : vector<256x128xf32>
    %min3A_189 = arith.minimumf %min3A_179, %max3A_188 : vector<256x128xf32>
    %slice3A_190 = vector.extract_strided_slice %add3A_36 {offsets = [0, 1664], sizes = [256, 128], strides = [1, 1]} : vector<256x2048xf32> to vector<256x128xf32>
    %min3A_191 = arith.minimumf %min3A_181, %slice3A_190 : vector<256x128xf32>
    %max3A_192 = arith.maximumf %min3A_181, %slice3A_190 : vector<256x128xf32>
    %min3A_193 = arith.minimumf %min3A_183, %max3A_192 : vector<256x128xf32>
    %max3A_194 = arith.maximumf %min3A_183, %max3A_192 : vector<256x128xf32>
    %min3A_195 = arith.minimumf %min3A_185, %max3A_194 : vector<256x128xf32>
    %max3A_196 = arith.maximumf %min3A_185, %max3A_194 : vector<256x128xf32>
    %min3A_197 = arith.minimumf %min3A_187, %max3A_196 : vector<256x128xf32>
    %max3A_198 = arith.maximumf %min3A_187, %max3A_196 : vector<256x128xf32>
    %min3A_199 = arith.minimumf %min3A_189, %max3A_198 : vector<256x128xf32>
    %slice3A_200 = vector.extract_strided_slice %add3A_36 {offsets = [0, 1792], sizes = [256, 128], strides = [1, 1]} : vector<256x2048xf32> to vector<256x128xf32>
    %min3A_201 = arith.minimumf %min3A_191, %slice3A_200 : vector<256x128xf32>
    %max3A_202 = arith.maximumf %min3A_191, %slice3A_200 : vector<256x128xf32>
    %min3A_203 = arith.minimumf %min3A_193, %max3A_202 : vector<256x128xf32>
    %max3A_204 = arith.maximumf %min3A_193, %max3A_202 : vector<256x128xf32>
    %min3A_205 = arith.minimumf %min3A_195, %max3A_204 : vector<256x128xf32>
    %max3A_206 = arith.maximumf %min3A_195, %max3A_204 : vector<256x128xf32>
    %min3A_207 = arith.minimumf %min3A_197, %max3A_206 : vector<256x128xf32>
    %max3A_208 = arith.maximumf %min3A_197, %max3A_206 : vector<256x128xf32>
    %min3A_209 = arith.minimumf %min3A_199, %max3A_208 : vector<256x128xf32>
    %slice3A_210 = vector.extract_strided_slice %add3A_36 {offsets = [0, 1920], sizes = [256, 128], strides = [1, 1]} : vector<256x2048xf32> to vector<256x128xf32>
    %min3A_211 = arith.minimumf %min3A_201, %slice3A_210 : vector<256x128xf32>
    %max3A_212 = arith.maximumf %min3A_201, %slice3A_210 : vector<256x128xf32>
    %min3A_213 = arith.minimumf %min3A_203, %max3A_212 : vector<256x128xf32>
    %max3A_214 = arith.maximumf %min3A_203, %max3A_212 : vector<256x128xf32>
    %min3A_215 = arith.minimumf %min3A_205, %max3A_214 : vector<256x128xf32>
    %max3A_216 = arith.maximumf %min3A_205, %max3A_214 : vector<256x128xf32>
    %min3A_217 = arith.minimumf %min3A_207, %max3A_216 : vector<256x128xf32>
    %max3A_218 = arith.maximumf %min3A_207, %max3A_216 : vector<256x128xf32>
    %min3A_219 = arith.minimumf %min3A_209, %max3A_218 : vector<256x128xf32>
    %swap3A = arith.constant 0 : index
    %swap3A_220 = arith.constant 0 : index
    %swap3A_221 = arith.constant 0 : index
    %swap3A_222 = vector.load %arg10[%swap3A, %swap3A_220, %swap3A_221] : memref<5x256x128xf32, #tpu.memory_space<vmem>>, vector<1x256x128xf32>
    %swap3A_223 = vector.shape_cast %swap3A_222 : vector<1x256x128xf32> to vector<256x128xf32>
    %swap3A_224 = vector.shape_cast %min3A_211 : vector<256x128xf32> to vector<1x256x128xf32>
    tpu.vector_store %arg10[%swap3A, %swap3A_220, %swap3A_221], %swap3A_224 {strides = array<i32>} : memref<5x256x128xf32, #tpu.memory_space<vmem>>, vector<1x256x128xf32>,
    %swap3A_225 = arith.constant 1 : index
    %swap3A_226 = arith.constant 0 : index
    %swap3A_227 = arith.constant 0 : index
    %swap3A_228 = vector.load %arg10[%swap3A_225, %swap3A_226, %swap3A_227] : memref<5x256x128xf32, #tpu.memory_space<vmem>>, vector<1x256x128xf32>
    %swap3A_229 = vector.shape_cast %swap3A_228 : vector<1x256x128xf32> to vector<256x128xf32>
    %swap3A_230 = vector.shape_cast %min3A_213 : vector<256x128xf32> to vector<1x256x128xf32>
    tpu.vector_store %arg10[%swap3A_225, %swap3A_226, %swap3A_227], %swap3A_230 {strides = array<i32>} : memref<5x256x128xf32, #tpu.memory_space<vmem>>, vector<1x256x128xf32>,
    %swap3A_231 = arith.constant 2 : index
    %swap3A_232 = arith.constant 0 : index
    %swap3A_233 = arith.constant 0 : index
    %swap3A_234 = vector.load %arg10[%swap3A_231, %swap3A_232, %swap3A_233] : memref<5x256x128xf32, #tpu.memory_space<vmem>>, vector<1x256x128xf32>
    %swap3A_235 = vector.shape_cast %swap3A_234 : vector<1x256x128xf32> to vector<256x128xf32>
    %swap3A_236 = vector.shape_cast %min3A_215 : vector<256x128xf32> to vector<1x256x128xf32>
    tpu.vector_store %arg10[%swap3A_231, %swap3A_232, %swap3A_233], %swap3A_236 {strides = array<i32>} : memref<5x256x128xf32, #tpu.memory_space<vmem>>, vector<1x256x128xf32>,
    %swap3A_237 = arith.constant 3 : index
    %swap3A_238 = arith.constant 0 : index
    %swap3A_239 = arith.constant 0 : index
    %swap3A_240 = vector.load %arg10[%swap3A_237, %swap3A_238, %swap3A_239] : memref<5x256x128xf32, #tpu.memory_space<vmem>>, vector<1x256x128xf32>
    %swap3A_241 = vector.shape_cast %swap3A_240 : vector<1x256x128xf32> to vector<256x128xf32>
    %swap3A_242 = vector.shape_cast %min3A_217 : vector<256x128xf32> to vector<1x256x128xf32>
    tpu.vector_store %arg10[%swap3A_237, %swap3A_238, %swap3A_239], %swap3A_242 {strides = array<i32>} : memref<5x256x128xf32, #tpu.memory_space<vmem>>, vector<1x256x128xf32>,
    %swap3A_243 = arith.constant 4 : index
    %swap3A_244 = arith.constant 0 : index
    %swap3A_245 = arith.constant 0 : index
    %swap3A_246 = vector.load %arg10[%swap3A_243, %swap3A_244, %swap3A_245] : memref<5x256x128xf32, #tpu.memory_space<vmem>>, vector<1x256x128xf32>
    %swap3A_247 = vector.shape_cast %swap3A_246 : vector<1x256x128xf32> to vector<256x128xf32>
    %swap3A_248 = vector.shape_cast %min3A_219 : vector<256x128xf32> to vector<1x256x128xf32>
    tpu.vector_store %arg10[%swap3A_243, %swap3A_244, %swap3A_245], %swap3A_248 {strides = array<i32>} : memref<5x256x128xf32, #tpu.memory_space<vmem>>, vector<1x256x128xf32>,
    %eq3A_249 = arith.constant 3 : i32
    %eq3A_250 = arith.cmpi eq, %arg1, %eq3A_249 : i32
    %convert_element_type3A_251 = arith.extui %eq3A_250 : i1 to i32
    %cond3A_252 = arith.constant 0 : i32
    %cond3A_253 = arith.cmpi ne, %convert_element_type3A_251, %cond3A_252 : i32
    scf.if %cond3A_253 {
      %concatenate3A = tpu.concatenate %min3A_211, %min3A_213, %min3A_215, %min3A_217, %min3A_219 in 1 : vector<256x128xf32>, vector<256x128xf32>, vector<256x128xf32>, vector<256x128xf32>, vector<256x128xf32> -> vector<256x640xf32>
      %reduce_min3A = arith.constant dense<0x7F800000> : vector<256xf32>
      %reduce_min3A_254 = vector.multi_reduction <minimumf>, %concatenate3A, %reduce_min3A [1] : vector<256x640xf32> to vector<256xf32>
      %broadcast_in_dim3A_255 = vector.shape_cast %reduce_min3A_254 : vector<256xf32> to vector<256x1xf32>
      %eq3A_256 = vector.broadcast %broadcast_in_dim3A_255 : vector<256x1xf32> to vector<256x640xf32>
      %eq3A_257 = arith.cmpf oeq, %concatenate3A, %eq3A_256 : vector<256x640xf32>
      %jit3A = arith.constant 1.000000e+09 : f32
      %broadcast_in_dim3A_258 = vector.broadcast %jit3A : f32 to vector<256x640xf32>
      %select_n3A = arith.select %eq3A_257, %broadcast_in_dim3A_258, %concatenate3A : vector<256x640xi1>, vector<256x640xf32>
      %reduce_min3A_259 = arith.constant dense<0x7F800000> : vector<256xf32>
      %reduce_min3A_260 = vector.multi_reduction <minimumf>, %select_n3A, %reduce_min3A_259 [1] : vector<256x640xf32> to vector<256xf32>
      %broadcast_in_dim3A_261 = vector.shape_cast %reduce_min3A_260 : vector<256xf32> to vector<256x1xf32>
      %eq3A_262 = vector.broadcast %broadcast_in_dim3A_261 : vector<256x1xf32> to vector<256x640xf32>
      %eq3A_263 = arith.cmpf oeq, %select_n3A, %eq3A_262 : vector<256x640xf32>
      %jit3A_264 = arith.constant 1.000000e+09 : f32
      %broadcast_in_dim3A_265 = vector.broadcast %jit3A_264 : f32 to vector<256x640xf32>
      %select_n3A_266 = arith.select %eq3A_263, %broadcast_in_dim3A_265, %select_n3A : vector<256x640xi1>, vector<256x640xf32>
      %reduce_min3A_267 = arith.constant dense<0x7F800000> : vector<256xf32>
      %reduce_min3A_268 = vector.multi_reduction <minimumf>, %select_n3A_266, %reduce_min3A_267 [1] : vector<256x640xf32> to vector<256xf32>
      %broadcast_in_dim3A_269 = vector.shape_cast %reduce_min3A_268 : vector<256xf32> to vector<256x1xf32>
      %eq3A_270 = vector.broadcast %broadcast_in_dim3A_269 : vector<256x1xf32> to vector<256x640xf32>
      %eq3A_271 = arith.cmpf oeq, %select_n3A_266, %eq3A_270 : vector<256x640xf32>
      %jit3A_272 = arith.constant 1.000000e+09 : f32
      %broadcast_in_dim3A_273 = vector.broadcast %jit3A_272 : f32 to vector<256x640xf32>
      %select_n3A_274 = arith.select %eq3A_271, %broadcast_in_dim3A_273, %select_n3A_266 : vector<256x640xi1>, vector<256x640xf32>
      %reduce_min3A_275 = arith.constant dense<0x7F800000> : vector<256xf32>
      %reduce_min3A_276 = vector.multi_reduction <minimumf>, %select_n3A_274, %reduce_min3A_275 [1] : vector<256x640xf32> to vector<256xf32>
      %broadcast_in_dim3A_277 = vector.shape_cast %reduce_min3A_276 : vector<256xf32> to vector<256x1xf32>
      %eq3A_278 = vector.broadcast %broadcast_in_dim3A_277 : vector<256x1xf32> to vector<256x640xf32>
      %eq3A_279 = arith.cmpf oeq, %select_n3A_274, %eq3A_278 : vector<256x640xf32>
      %jit3A_280 = arith.constant 1.000000e+09 : f32
      %broadcast_in_dim3A_281 = vector.broadcast %jit3A_280 : f32 to vector<256x640xf32>
      %select_n3A_282 = arith.select %eq3A_279, %broadcast_in_dim3A_281, %select_n3A_274 : vector<256x640xi1>, vector<256x640xf32>
      %reduce_min3A_283 = arith.constant dense<0x7F800000> : vector<256xf32>
      %reduce_min3A_284 = vector.multi_reduction <minimumf>, %select_n3A_282, %reduce_min3A_283 [1] : vector<256x640xf32> to vector<256xf32>
      %broadcast_in_dim3A_285 = vector.shape_cast %reduce_min3A_284 : vector<256xf32> to vector<256x1xf32>
      %concatenate3A_286 = tpu.concatenate %broadcast_in_dim3A_255, %broadcast_in_dim3A_261, %broadcast_in_dim3A_269, %broadcast_in_dim3A_277, %broadcast_in_dim3A_285 in 1 : vector<256x1xf32>, vector<256x1xf32>, vector<256x1xf32>, vector<256x1xf32>, vector<256x1xf32> -> vector<256x5xf32>
      %mul3A_287 = arith.constant 1.22070313E-4 : f32
      %mul3A_288 = vector.broadcast %mul3A_287 : f32 to vector<256x5xf32>
      %mul3A_289 = arith.mulf %concatenate3A_286, %mul3A_288 : vector<256x5xf32>
      %floor3A = math.floor %mul3A_289 : vector<256x5xf32>
      %mul3A_290 = arith.constant 8.192000e+03 : f32
      %mul3A_291 = vector.broadcast %mul3A_290 : f32 to vector<256x5xf32>
      %mul3A_292 = arith.mulf %floor3A, %mul3A_291 : vector<256x5xf32>
      %sub3A = arith.subf %concatenate3A_286, %mul3A_292 : vector<256x5xf32>
      %sqrt3A = math.sqrt %floor3A : vector<256x5xf32>
      %mul3A_293 = arith.constant 6.250000e-02 : f32
      %mul3A_294 = vector.broadcast %mul3A_293 : f32 to vector<256x5xf32>
      %mul3A_295 = arith.mulf %sqrt3A, %mul3A_294 : vector<256x5xf32>
      %sub3A_296 = arith.constant 1.000000e+00 : f32
      %sub3A_297 = vector.broadcast %sub3A_296 : f32 to vector<256x5xf32>
      %sub3A_298 = arith.subf %sub3A_297, %mul3A_295 : vector<256x5xf32>
      %broadcast_in_dim3A_299 = arith.constant 0.000000e+00 : f32
      %broadcast_in_dim3A_300 = vector.broadcast %broadcast_in_dim3A_299 : f32 to vector<256x123xf32>
      %concatenate3A_301 = tpu.concatenate %sub3A, %broadcast_in_dim3A_300 in 1 : vector<256x5xf32>, vector<256x123xf32> -> vector<256x128xf32>
      %convert_element_type3A_302 = arith.fptosi %concatenate3A_301 : vector<256x128xf32> to vector<256x128xi32>
      %swap3A_303 = arith.constant 0 : index
      %swap3A_304 = arith.constant 0 : index
      %swap3A_305 = vector.load %arg7[%swap3A_303, %swap3A_304] : memref<256x128xi32, #tpu.memory_space<vmem>>, vector<256x128xi32>
      tpu.vector_store %arg7[%swap3A_303, %swap3A_304], %convert_element_type3A_302 {strides = array<i32>} : memref<256x128xi32, #tpu.memory_space<vmem>>, vector<256x128xi32>,
      %concatenate3A_306 = tpu.concatenate %sub3A_298, %broadcast_in_dim3A_300 in 1 : vector<256x5xf32>, vector<256x123xf32> -> vector<256x128xf32>
      %swap3A_307 = arith.constant 0 : index
      %swap3A_308 = arith.constant 0 : index
      %swap3A_309 = vector.load %arg8[%swap3A_307, %swap3A_308] : memref<256x128xf32, #tpu.memory_space<vmem>>, vector<256x128xf32>
      tpu.vector_store %arg8[%swap3A_307, %swap3A_308], %concatenate3A_306 {strides = array<i32>} : memref<256x128xf32, #tpu.memory_space<vmem>>, vector<256x128xf32>,
    } else {
    }
    return
  }
  func.func @transform_0(%arg0: i32, %arg1: i32) -> (i32, i32) {
    %c0_i32 = arith.constant 0 : i32
    %c0_i32_0 = arith.constant 0 : i32
    return %arg0, %c0_i32 : i32, i32
  }
  func.func @transform_1(%arg0: i32, %arg1: i32) -> (i32, i32) {
    %c0_i32 = arith.constant 0 : i32
    %c0_i32_0 = arith.constant 0 : i32
    return %c0_i32, %arg1 : i32, i32
  }
  func.func @transform_2(%arg0: i32, %arg1: i32) -> (i32, i32) {
    %c0_i32 = arith.constant 0 : i32
    %c0_i32_0 = arith.constant 0 : i32
    return %c0_i32, %arg1 : i32, i32
  }
  func.func @transform_3(%arg0: i32, %arg1: i32) -> (i32, i32) {
    %c0_i32 = arith.constant 0 : i32
    %c0_i32_0 = arith.constant 0 : i32
    return %arg0, %c0_i32 : i32, i32
  }
  func.func @transform_4(%arg0: i32, %arg1: i32) -> (i32, i32) {
    %c0_i32 = arith.constant 0 : i32
    %c0_i32_0 = arith.constant 0 : i32
    %c0_i32_1 = arith.constant 0 : i32
    return %c0_i32, %c0_i32_0 : i32, i32
  }
  func.func @transform_5(%arg0: i32, %arg1: i32) -> (i32, i32) {
    %c0_i32 = arith.constant 0 : i32
    %c0_i32_0 = arith.constant 0 : i32
    return %arg0, %c0_i32 : i32, i32
  }
  func.func @transform_6(%arg0: i32, %arg1: i32) -> (i32, i32) {
    %c0_i32 = arith.constant 0 : i32
    %c0_i32_0 = arith.constant 0 : i32
    return %arg0, %c0_i32 : i32, i32
  }
  func.func @transform_7(%arg0: i32, %arg1: i32) -> (i32, i32) {
    %c0_i32 = arith.constant 0 : i32
    %c0_i32_0 = arith.constant 0 : i32
    return %arg0, %c0_i32 : i32, i32
  }
}

</mosaic_0001>

<sc_bundles>
// kernel: kernel.4.cloned.1.call-start
scs
__scs_entry_jumppad:
0x0: {  	(pc) =	sbr.rel $0x88, $3  }
0x1: {  	(tag) =	ssettag $0x0;
	lr =	simm.s32 $0x1  }
0x2: {  	[smem:$0x3F9B] =	sst lr;
	_ =	strace $0xD0000000  }
0x3: {  	_ = 	snop  }
0x4: {  	_ = 	snop  }
0x5: {  	_ = 	snop  }
0x6: {  	_ = 	snop  }
0x7: {  	_ = 	snop  }
__scs_overlays_trampoline_lowered:
0x8: {  	[smem:$0x3FAA] =	sst s0  }
0x9: {  	[smem:$0x3FAB] =	sst s1  }
0xa: {  	[smem:$0x3FAC] =	sst s2  }
0xb: {  	[smem:$0x3FAD] =	sst s3  }
0xc: {  	[smem:$0x3FAE] =	sst s4  }
0xd: {  	[smem:$0x3FAF] =	sst s5  }
0xe: {  	[smem:$0x3FB0] =	sst s6  }
0xf: {  	[smem:$0x3FB1] =	sst s7  }
0x10: {  	[smem:$0x3FB2] =	sst s8  }
0x11: {  	[smem:$0x3FB3] =	sst s9;
	s0 =	simm.s32 @!p0 $0x0  }
0x12: {  	s1 =	sld [smem:$0x3F99];
	s0 =	simm.s32 @p0 $0x1  }
0x13: {  	[smem:$0x3FB4] =	sst s0;
	s0 =	simm.s32 @!p1 $0x0  }
0x14: {  	s2 =	sld [smem:$0x3F98];
	s0 =	simm.s32 @p1 $0x1  }
0x15: {  	[smem:$0x3FB5] =	sst s0;
	s0 =	simm.s32 @!p2 $0x0  }
0x16: {  	s3 =	sld [smem:$0x3FDB];
	s0 =	simm.s32 @p2 $0x1  }
0x17: {  	s4 =	simm.s32 $0x1BF5;
	[smem:$0x3FB7] =	sst s0  }
0x18: {  	s0 =	sld [smem:$0x3F9A];
	_ =	swait.ge [sflag:s4], $0x0  }
0x19: {  	s7 =	sld [smem:$0x3F9B]  }
0x1a: {  	s8 =	sadd.s32 $0xFFFFE003, lr  }
0x1b: {  	s9 =	sadd.s32 $0xFFFFFEF7, lr;
	s5 =	simm.s32 $0xFFFFFFFF;
	p2 =	slt.u32 s8, $0xFFFFF086  }
0x1c: {  	p1 =	slt.u32 s9, $0xF7A;
	s5 =	simm.s32 @!p2 $0x0  }
0x1d: {  	s5 =	simm.s32 @p1 $0x1;
	p0 =	seq.s32 s7, s2  }
0x1e: {  	s7 =	smul.u32 @!p0 $0xF7A, s2;
	p2 =	seq.s32 @!p0 s5, $0x0  }
0x1f: {  	s9 =	smul.u32 $0xF7A, s1;
	s8 =	simm.s32 @!p0 $0x1BF5;
	p2 =	por !p2, p0  }
0x20: {  	[sflag:s8] =	ssyncset.s32 @!p0 $0xFFFFF086;
	s6 =	sadd.s32 @!p0 s3, s7;
	s7 =	simm.s32 @!p0 $0x108  }
0x21: {  	s3 =	sadd.s32 s3, s9;
	s6 =	sadd.s32 @!p0 $0x88, s6;
	s7 =	simm.s32 @p2 $0x1082  }
0x22: {  	[simem:s7], [sflag:s8] =	dma.local @!p0 [hbm:s6], $0xF7A  }
0x23: {  	s9 =	sor.u32 $0xD0000000, s2;
	s6 =	simm.s32 $0x108;
	_ =	swait.ge @!p0 [sflag:s8], $0x0  }
0x24: {  	s3 =	sadd.s32 $0x88, s3;
	s6 =	simm.s32 @!p1 $0x1082;
	[sflag:s4] =	ssyncset.s32 $0xFFFFF086  }
0x25: {  	[simem:s6], [sflag:s4] =	dma.local [hbm:s3], $0xF7A  }
0x26: {  	[smem:$0x3F9B] =	sst s1;
	(tag) =	ssettag s2;
	_ =	strace s9  }
0x27: {  	s1 =	sld [smem:$0x3FAB]  }
0x28: {  	s2 =	sld [smem:$0x3FAC]  }
0x29: {  	s4 =	sld [smem:$0x3FAE]  }
0x2a: {  	p0 =	seq.s32 s5, $0x0;
	s5 =	sld [smem:$0x3FAF]  }
0x2b: {  	s6 =	sld [smem:$0x3FB0]  }
0x2c: {  	s7 =	sld [smem:$0x3FB1]  }
0x2d: {  	s3 =	simm.s32 $0x108;
	s8 =	sld [smem:$0x3FB2]  }
0x2e: {  	s3 =	simm.s32 @!p0 $0x1082;
	s9 =	sld [smem:$0x3FB3]  }
0x2f: {  	lr =	sadd.s32 s0, s3;
	s0 =	sld [smem:$0x3FAA]  }
0x30: {  	s3 =	sld [smem:$0x3FAD]  }
0x31: {  	[smem:$0x3FB6] =	sst s10  }
0x32: {  	s10 =	sld [smem:$0x3FB4];
	_ =	sdelay $0x3  }
0x33: {  	p0 =	seq.s32 s10, $0x1;
	s10 =	sld [smem:$0x3FB6];
	_ =	sdelay $0x3  }
0x34: {  	[smem:$0x3FB6] =	sst s10  }
0x35: {  	s10 =	sld [smem:$0x3FB5];
	_ =	sdelay $0x3  }
0x36: {  	p1 =	seq.s32 s10, $0x1;
	s10 =	sld [smem:$0x3FB6];
	_ =	sdelay $0x3  }
0x37: {  	[smem:$0x3FB6] =	sst s10  }
0x38: {  	s10 =	sld [smem:$0x3FB7]  }
0x39: {  	_ = 	snop;
	(pc) =	sbr.ind lr, $3  }
0x3a: {  	_ = 	snop  }
0x3b: {  	_ = 	snop  }
0x3c: {  	p2 =	seq.s32 s10, $0x1;
	s10 =	sld [smem:$0x3FB6]  }
0x3d: {  	_ =	shalt  }
0x3e: {  	_ =	shalt  }
0x3f: {  	_ =	shalt  }
0x40: {  	_ =	shalt  }
0x41: {  	_ =	shalt  }
0x42: {  	_ =	shalt  }
0x43: {  	_ =	shalt  }
0x44: {  	_ =	shalt  }
0x45: {  	_ =	shalt  }
0x46: {  	_ =	shalt  }
0x47: {  	_ =	shalt  }
0x48: {  	_ =	shalt  }
0x49: {  	_ =	shalt  }
0x4a: {  	_ =	shalt  }
0x4b: {  	_ =	shalt  }
0x4c: {  	_ =	shalt  }
0x4d: {  	_ =	shalt  }
0x4e: {  	_ =	shalt  }
0x4f: {  	_ =	shalt  }
0x50: {  	_ =	shalt  }
0x51: {  	_ =	shalt  }
0x52: {  	_ =	shalt  }
0x53: {  	_ =	shalt  }
0x54: {  	_ =	shalt  }
0x55: {  	_ =	shalt  }
0x56: {  	_ =	shalt  }
0x57: {  	_ =	shalt  }
0x58: {  	_ =	shalt  }
0x59: {  	_ =	shalt  }
0x5a: {  	_ =	shalt  }
0x5b: {  	_ =	shalt  }
0x5c: {  	_ =	shalt  }
0x5d: {  	_ =	shalt  }
0x5e: {  	_ =	shalt  }
0x5f: {  	_ =	shalt  }
0x60: {  	_ =	shalt  }
0x61: {  	_ =	shalt  }
0x62: {  	_ =	shalt  }
0x63: {  	_ =	shalt  }
0x64: {  	_ =	shalt  }
0x65: {  	_ =	shalt  }
0x66: {  	_ =	shalt  }
0x67: {  	_ =	shalt  }
0x68: {  	_ =	shalt  }
0x69: {  	_ =	shalt  }
0x6a: {  	_ =	shalt  }
0x6b: {  	_ =	shalt  }
0x6c: {  	_ =	shalt  }
0x6d: {  	_ =	shalt  }
0x6e: {  	_ =	shalt  }
0x6f: {  	_ =	shalt  }
0x70: {  	_ =	shalt  }
0x71: {  	_ =	shalt  }
0x72: {  	_ =	shalt  }
0x73: {  	_ =	shalt  }
0x74: {  	_ =	shalt  }
0x75: {  	_ =	shalt  }
0x76: {  	_ =	shalt  }
0x77: {  	_ =	shalt  }
0x78: {  	_ =	shalt  }
0x79: {  	_ =	shalt  }
0x7a: {  	_ =	shalt  }
0x7b: {  	_ =	shalt  }
0x7c: {  	_ =	shalt  }
0x7d: {  	_ =	shalt  }
0x7e: {  	_ =	shalt  }
0x7f: {  	_ =	shalt  }
0x80: {  	_ =	shalt  }
0x81: {  	_ =	shalt  }
0x82: {  	_ =	shalt  }
0x83: {  	_ =	shalt  }
0x84: {  	_ =	shalt  }
0x85: {  	_ =	shalt  }
0x86: {  	_ =	shalt  }
0x87: {  	_ =	shalt  }
.Lfunc_end0:
.L_simem_size_0:
called_computation_lowered:
.L_overlay_start_0:
0x88: {  	s2 =	sld [smem:$0x3FD9]  }
0x89: {  	s3 =	sld [smem:$0x3FFE];
	_ =	sdelay $0x1  }
0x8a: {  	s1 =	srdreg.scid  }
0x8b: {  	s0 =	sand.u32 $0x1, s1  }
0x8c: {  	s17 =	sshll.u32 s0, $0xA;
	s2 =	sadd.s32 s3, s2  }
0x8d: {  	s2 =	sadd.s32 s2, s17  }
0x8e: {  	[smem:$0x3FC2] =	sst s2  }
0x8f: {  	_ = 	snop  }
0x90: {  	s2 =	sld [smem:$0x3FD0];
	(tm) =	ssettm $0x1  }
0x91: {  	s18 =	sld [smem:$0x3FFB];
	_ =	sdelay $0x3  }
0x92: {  	_ =	strace s18  }
0x93: {  	s3 =	sld [smem:$0x3FFC];
	_ =	sdelay $0x3  }
0x94: {  	_ =	strace s3  }
0x95: {  	s3 =	sld [smem:$0x3FFD];
	_ =	sdelay $0x3  }
0x96: {  	_ =	strace s3  }
0x97: {  	_ =	strace $0x8FFFFFFF  }
0x98: {  	s19 =	sld [smem:$0x3FDB];
	_ =	sdelay $0x1  }
0x99: {  	s4 =	simm.s32 $_scs_section_size  }
0x9a: {  	s5 =	simm.s32 $_size__tile_overlayer_lowered;
	s6 =	simm.s32 $_tile_overlayer_lowered  }
0x9b: {  	s22 =	simm.s32 $0x1BFF;
	s21 =	sshll.u32 s6, $0x1;
	s3 =	sadd.s32 s4, s19  }
0x9c: {  	s7 =	simm.s32 $0x0;
	s20 =	sshll.u32 s5, $0x1;
	s5 =	sadd.s32 s21, s3  }
0x9d: {  	[timem:s7], [sflag:s22] =	dma.local [hbm:s5], s20  }
0x9e: {  	_ =	swait.ge [sflag:s22], s20  }
0x9f: {  	s4 =	ssub.s32 $0x0, s20;
	[sflag:s22] =	ssyncset.done $0x0  }
0xa0: {  	[sflag:s22] =	ssyncadd.s32 s4;
	_ =	sdelay $0x1  }
0xa1: {  	s23 =	simm.s32 $0x1B8B  }
0xa2: {  	_ =	swait.ge [sflag:s23], $0x1  }
0xa3: {  	[sflag:s23] =	ssyncset.done $0x0  }
0xa4: {  	s25 =	simm.s32 $0x1B8E;
	s24 =	sld [smem:$0x3FFE];
	[sflag:s23] =	ssyncadd.s32 $0xFFFFFFFF  }
0xa5: {  	s26 =	simm.s32 $execute0_lowered;
	[smem:$0x3FD2] =	sst s25  }
0xa6: {  	s5 =	sshll.u32 s26, $0x1;
	_ =	strace $0x80000046;
	[dreg:$0x1] =	wrdreg $0xFFFFFFFF  }
0xa7: {  	s28 =	simm.s32 $_size_execute0_lowered;
	s3 =	sadd.s32 s3, s5;
	[dreg:$0x0] =	wrdreg $0x0  }
0xa8: {  	s5 =	sshll.u32 s28, $0x1;
	[dreg:$0x2] =	wrdreg s3  }
0xa9: {  	[dreg:$0x3] =	wrdreg s5  }
0xaa: {  	[dreg:$0x4] =	wrdreg $0xC0  }
0xab: {  	_ =	task [dreg:s7], $0x5FFFF  }
0xac: {  	[dreg:$0x1] =	wrdreg $0xFFFFFFFF  }
0xad: {  	[dreg:$0x0] =	wrdreg $0x60  }
0xae: {  	[dreg:$0x2] =	wrdreg s24  }
0xaf: {  	[dreg:$0x3] =	wrdreg s2  }
0xb0: {  	[dreg:$0x4] =	wrdreg $0x9  }
0xb1: {  	_ =	task.clear_ibuf [dreg:s7], $0x5FFFF;
	_ =	strace $0x90000046  }
0xb2: {  	s29 =	simm.s32 $0x9;
	_ =	strace $0x80000048  }
0xb3: {  	_ =	swait.ge [sflag:s29], $0x1  }
0xb4: {  	[sflag:s29] =	ssyncadd.s32 $0xFFFFFFFF  }
0xb5: {  	_ =	strace $0x90000048  }
0xb6: {  	_ =	sfence  }
0xb7: {  	s30 =	sld [smem:$0x0];
	_ =	sdelay $0x2  }
0xb8: {  	s31 =	sshll.u32 s1, $0xD;
	s1 =	sshrl.u32 s1, $0x2  }
0xb9: {  	s3 =	sand.u32 $0x4000, s31;
	s1 =	sadd.s32 s1, s30  }
0xba: {  	s0 =	sor.u32 s3, s0;
	s1 =	sshll.u32 s1, $0x11  }
0xbb: {  	s0 =	sor.u32 s1, s0  }
0xbc: {  	s0 =	sadd.s32 $0x8F2B, s0  }
0xbd: {  	[sflag:s0] =	ssyncadd.remote.s32 $0x1  }
0xbe: {  	_ =	sfence.sel $0xFFFF  }
0xbf: {  	[dreg:$0x0] =	wrdreg $0xFFFFFFFF;
	(pc) =	sbr.abs _section_cstart, $3  }
0xc0: {  	[dreg:$0x1] =	wrdreg $0xFFFFFFFF  }
0xc1: {  	_ =	task.clear_ibuf [dreg:s7], $0x2FFFF;
	_ =	strace $0x9FFFFFFF  }
0xc2: {  	(tm) =	ssettm $0x7FFFFFFF  }
0xc3: {  	_ =	shalt  }
tec
execute0_lowered:
.L_overlay_start_1:
0x0: {  	(tag) =	ssettag $0x1  }
0x1: {  	s0 =	rddreg [dreg:$0x0];
	s1 =	srdreg.scid  }
0x2: {  	s3 =	stileid.u32;
	s2 =	rddreg [dreg:$0x1]  }
0x3: {  	s9 =	simm.s32 $0x1200;
	s10 =	simm.s32 $0x3;
	s11 =	simm.s32 $0x800  }
0x4: {  	s12 =	simm.s32 $0x80;
	s13 =	simm.s32 $0x3200;
	s14 =	simm.s32 $0x7200  }
0x5: {  	s15 =	simm.s32 $0x1;
	s16 =	simm.s32 $0xD00;
	s17 =	simm.s32 $0x100  }
0x6: {  	s18 =	simm.s32 $0x2;
	s19 =	simm.s32 $0x180;
	s20 =	simm.s32 $0x200  }
0x7: {  	s21 =	simm.s32 $0x280;
	s22 =	simm.s32 $0x300;
	s23 =	simm.s32 $0x380  }
0x8: {  	s24 =	simm.s32 $0x400;
	s25 =	simm.s32 $0x480;
	s26 =	simm.s32 $0xB200  }
0x9: {  	s1 =	sand.u32 $0x1, s1;
	s4 =	sshll.u32 s3, $0x1;
	s3 =	simm.s32 $0x0  }
0xa: {  	s28 =	simm.s32 $0x0;
	s4 =	sor.u32 s1, s4;
	[smem:$0x7FF] =	sst s3  }
0xb: {  	s1 =	ssub.s32 $0x2, s1;
	s5 =	sshll.u32 s4, $0x8;
	s6 =	smul.u32 $0xA0, s4  }
0xc: {  	_ =	strace $0x80000047;
	s7 =	sshll.u32 s4, $0xC;
	s31 =	sshrl.u32 s1, $0x1  }
0xd: {  	s4 =	sadd.s32 $0x4200, s0;
	s5 =	sadd.s32 s5, s0;
	s1 =	ssub.s32 s1, s31  }
0xe: {  	s6 =	sadd.s32 s6, s0;
	s0 =	sadd.s32 s7, s0;
	s5 =	sadd.s32 $0xE00, s5  }
0xf: {  	v0 =	vimm.f32 $0.0e+00;
	s8 =	smax.u32 s1, $0x1;
	s6 =	sadd.s32 $0x2E00, s6;
	s7 =	sadd.s32 $0x4600, s0  }
.LBB2_1:
0x10: {  	[tilespmem:s9], [sflag:$0x3] =	stream.linear.gather [hbm4b:s4+s3], $0x2000, $0x38;
	[tilespmem:$0x13200] =	vst v63  }
0x11: {  	_ =	swait.ge [sflag:s10], $0x2000  }
0x12: {  	[sflag:s10] =	ssyncset.done $0x0  }
0x13: {  	[sflag:s10] =	ssyncadd.s32 $0xFFFFE000  }
0x14: {  	[tilespmem:s3], [sflag:$0x3] =	stream.linear.gather [hbm4b:s5+s3], $0x500, $0x38;
	[tilespmem:$0x13200] =	vst v63  }
0x15: {  	_ =	swait.ge [sflag:s10], $0x500  }
0x16: {  	[sflag:s10] =	ssyncset.done $0x0  }
0x17: {  	[sflag:s10] =	ssyncadd.s32 $0xFFFFFB00  }
0x18: {  	[tilespmem:s11], [sflag:$0x3] =	stream.linear.gather [hbm4b:s6+s3], $0x500, $0x38;
	[tilespmem:$0x13200] =	vst v63  }
0x19: {  	s0 =	sand.u32 $0x1E00, s3;
	_ =	swait.ge [sflag:s10], $0x500  }
0x1a: {  	s1 =	sand.u32 $0x70, s3;
	s0 =	sshrl.u32 s0, $0x2;
	[sflag:s10] =	ssyncset.done $0x0  }
0x1b: {  	s0 =	sor.u32 s1, s0;
	[sflag:s10] =	ssyncadd.s32 $0xFFFFFB00  }
0x1c: {  	v1 =	vld [tilespmem:s0+$0x0];
	_ =	sdelay $0x5  }
0x1d: {  	s31 =	simm.s32 $0x0  }
0x1e: {  	v2 =	vld [tilespmem:s31+$0x800]  }
0x1f: {  	v1 =	vld.idx.msk [tilespmem:v1+s9+$0x0], $0xffff;
	_ =	sdelay $0x3  }
0x20: {  	s1 =	simm.s32 $0x40  }
0x21: {  	s30 =	simm.s32 $0x10;
	s29 =	simm.s32 $0x20;
	s0 =	sand.u32 $0x1E00, s1;
	v1 =	vmul.f32 v2, v1  }
.LBB2_2:
0x22: {  	p0 =	sne.s32 s29, $0x4F0;
	s30 =	sand.u32 $0x70, s30;
	s0 =	sshrl.u32 s0, $0x2  }
0x23: {  	s0 =	sor.u32 s30, s0;
	[tilespmem:s31+$0xD00] =	vst v1;
	s30 =	smov.u32 s29  }
0x24: {  	v1 =	vld [tilespmem:s0+$0x0];
	_ =	sdelay $0x7  }
0x25: {  	s31 =	sshra.s32 s1, $0x2;
	v1 =	vld.idx.msk [tilespmem:v1+s9+$0x0], $0xffff  }
0x26: {  	v2 =	vld [tilespmem:s31+$0x800]  }
.Ltmp0:
0x27: {  	(pc) =	sbr.rel @p0 .LBB2_2-.Ltmp0, $3  }
0x28: {  	_ =	sdelay $0x1  }
0x29: {  	s1 =	sadd.s32 $0x40, s1  }
0x2a: {  	s29 =	sadd.s32 $0x10, s29;
	s0 =	sand.u32 $0x1E00, s1;
	v1 =	vmul.f32 v2, v1  }
0x2b: {  	s29 =	sand.u32 $0x70, s30;
	s0 =	sshrl.u32 s0, $0x2  }
0x2c: {  	s0 =	sor.u32 s29, s0;
	[tilespmem:s31+$0xD00] =	vst v1  }
0x2d: {  	v1 =	vld [tilespmem:s0+$0x0];
	_ =	sdelay $0x5  }
0x2e: {  	s31 =	sshra.s32 s1, $0x2  }
0x2f: {  	v2 =	vld [tilespmem:s31+$0x800]  }
0x30: {  	v1 =	vld.idx.msk [tilespmem:v1+s9+$0x0], $0xffff;
	_ =	sdelay $0x4  }
0x31: {  	v1 =	vmul.f32 v2, v1;
	_ =	sdelay $0x1  }
0x32: {  	s1 =	simm.s32 $0x0;
	s29 =	simm.s32 $0x200;
	[tilespmem:s31+$0xD00] =	vst v1  }
.LBB2_4:
0x33: {  	p0 =	sne.s32 s29, $0x1FE00;
	[tilespmem:s1+$0xB260] =	vst v0  }
0x34: {  	[tilespmem:s1+$0xB200] =	vst v0  }
.Ltmp1:
0x35: {  	[tilespmem:s1+$0xB210] =	vst v0;
	(pc) =	sbr.rel @p0 .LBB2_4-.Ltmp1, $4  }
0x36: {  	[tilespmem:s1+$0xB220] =	vst v0  }
0x37: {  	[tilespmem:s1+$0xB230] =	vst v0  }
0x38: {  	[tilespmem:s1+$0xB240] =	vst v0  }
0x39: {  	[tilespmem:s1+$0xB250] =	vst v0;
	s1 =	sshra.s32 s29, $0x2;
	s29 =	sadd.s32 $0x200, s29  }
0x3a: {  	[tilespmem:s1+$0xB260] =	vst v0  }
0x3b: {  	[tilespmem:s1+$0xB200] =	vst v0  }
0x3c: {  	[tilespmem:s1+$0xB210] =	vst v0  }
0x3d: {  	[tilespmem:s1+$0xB220] =	vst v0  }
0x3e: {  	[tilespmem:s1+$0xB230] =	vst v0  }
0x3f: {  	[tilespmem:s1+$0xB240] =	vst v0  }
0x40: {  	[tilespmem:s1+$0xB250] =	vst v0;
	s0 =	simm.s32 $0x0  }
0x41: {  	[tilespmem:s13], [sflag:$0x1] =	stream.indirect.gather [hbm4b:s2+s12], $0x80, s0, s12, $0xb8;
	[tilespmem:$0x13200] =	vst v63  }
0x42: {  	v1 =	vmov s0  }
0x43: {  	[tilespmem:s14], [sflag:$0x2] =	stream.indirect.gather [hbm4b:s2+s12], $0x80, s12, s12, $0xb8;
	[tilespmem:$0x13200] =	vst v63  }
0x44: {  	_ =	swait.ge [sflag:s15], $0x4000  }
0x45: {  	[sflag:s15] =	ssyncset.done $0x0  }
0x46: {  	s0 =	smul.u32 $0xCD, s0;
	[sflag:s15] =	ssyncadd.s32 $0xFFFFC000  }
0x47: {  	s29 =	simm.s32 $0x3230;
	v3 =	vld.idx.msk [tilespmem:v1+s16+$0x0], $0xffff  }
0x48: {  	s0 =	sshrl.u32 s0, $0x3;
	v1 =	vld [tilespmem:s29+$0xFFFFFFD0]  }
0x49: {  	s30 =	sand.u32 $0x1F80, s0  }
0x4a: {  	v2 =	vld [tilespmem:s30+$0xB200];
	_ =	sdelay $0x2  }
0x4b: {  	v1 =	vmul.f32 v1, v3;
	_ =	sdelay $0x1  }
0x4c: {  	v1 =	vadd.f32 v1, v2;
	_ =	sdelay $0x1  }
0x4d: {  	[tilespmem:s30+$0xB200] =	vst v1  }
0x4e: {  	v1 =	vld [tilespmem:s29+$0xFFFFFFE0];
	_ =	sdelay $0x1  }
0x4f: {  	v2 =	vld [tilespmem:s30+$0xB210];
	_ =	sdelay $0x2  }
0x50: {  	v1 =	vmul.f32 v1, v3;
	_ =	sdelay $0x1  }
0x51: {  	v1 =	vadd.f32 v1, v2;
	_ =	sdelay $0x1  }
0x52: {  	[tilespmem:s30+$0xB210] =	vst v1  }
0x53: {  	v1 =	vld [tilespmem:s29+$0xFFFFFFF0];
	_ =	sdelay $0x1  }
0x54: {  	v2 =	vld [tilespmem:s30+$0xB220];
	_ =	sdelay $0x2  }
0x55: {  	v1 =	vmul.f32 v1, v3;
	_ =	sdelay $0x1  }
0x56: {  	v1 =	vadd.f32 v1, v2;
	_ =	sdelay $0x1  }
0x57: {  	[tilespmem:s30+$0xB220] =	vst v1  }
0x58: {  	v1 =	vld [tilespmem:s29+$0x0];
	_ =	sdelay $0x1  }
0x59: {  	v2 =	vld [tilespmem:s30+$0xB230];
	_ =	sdelay $0x2  }
0x5a: {  	v1 =	vmul.f32 v1, v3;
	_ =	sdelay $0x1  }
0x5b: {  	v1 =	vadd.f32 v1, v2;
	_ =	sdelay $0x1  }
0x5c: {  	[tilespmem:s30+$0xB230] =	vst v1  }
0x5d: {  	v1 =	vld [tilespmem:s29+$0x10];
	_ =	sdelay $0x1  }
0x5e: {  	v2 =	vld [tilespmem:s30+$0xB240];
	_ =	sdelay $0x2  }
0x5f: {  	v1 =	vmul.f32 v1, v3;
	_ =	sdelay $0x1  }
0x60: {  	v1 =	vadd.f32 v1, v2;
	_ =	sdelay $0x1  }
0x61: {  	[tilespmem:s30+$0xB240] =	vst v1  }
0x62: {  	v1 =	vld [tilespmem:s29+$0x20];
	_ =	sdelay $0x1  }
0x63: {  	v2 =	vld [tilespmem:s30+$0xB250];
	_ =	sdelay $0x2  }
0x64: {  	v1 =	vmul.f32 v1, v3;
	_ =	sdelay $0x1  }
0x65: {  	v1 =	vadd.f32 v1, v2;
	_ =	sdelay $0x1  }
0x66: {  	[tilespmem:s30+$0xB250] =	vst v1  }
0x67: {  	v4 =	vld [tilespmem:s29+$0x30];
	_ =	sdelay $0x1  }
0x68: {  	v2 =	vld [tilespmem:s30+$0xB260];
	_ =	sdelay $0x1  }
0x69: {  	s31 =	simm.s32 $0x1  }
0x6a: {  	s1 =	simm.s32 $0x2;
	v1 =	vmov s31;
	v3 =	vmul.f32 v4, v3  }
.LBB2_6:
0x6b: {  	p0 =	sne.s32 s1, $0x7F  }
0x6c: {  	v2 =	vadd.f32 v3, v2;
	_ =	sdelay $0x1  }
0x6d: {  	s0 =	smul.u32 $0xCD, s31;
	s31 =	smov.u32 s1;
	[tilespmem:s30+$0xB260] =	vst v2  }
0x6e: {  	s29 =	sadd.s32 $0x80, s29;
	v3 =	vld.idx.msk [tilespmem:v1+s16+$0x0], $0xffff  }
0x6f: {  	s0 =	sshrl.u32 s0, $0x3;
	v1 =	vld [tilespmem:s29+$0xFFFFFFD0]  }
0x70: {  	s30 =	sand.u32 $0x1F80, s0  }
0x71: {  	v2 =	vld [tilespmem:s30+$0xB200];
	_ =	sdelay $0x2  }
0x72: {  	v1 =	vmul.f32 v1, v3;
	_ =	sdelay $0x1  }
0x73: {  	v1 =	vadd.f32 v1, v2;
	_ =	sdelay $0x1  }
0x74: {  	[tilespmem:s30+$0xB200] =	vst v1  }
0x75: {  	v1 =	vld [tilespmem:s29+$0xFFFFFFE0];
	_ =	sdelay $0x1  }
0x76: {  	v2 =	vld [tilespmem:s30+$0xB210];
	_ =	sdelay $0x2  }
0x77: {  	v1 =	vmul.f32 v1, v3;
	_ =	sdelay $0x1  }
0x78: {  	v1 =	vadd.f32 v1, v2;
	_ =	sdelay $0x1  }
0x79: {  	[tilespmem:s30+$0xB210] =	vst v1  }
0x7a: {  	v1 =	vld [tilespmem:s29+$0xFFFFFFF0];
	_ =	sdelay $0x1  }
0x7b: {  	v2 =	vld [tilespmem:s30+$0xB220];
	_ =	sdelay $0x2  }
0x7c: {  	v1 =	vmul.f32 v1, v3;
	_ =	sdelay $0x1  }
0x7d: {  	v1 =	vadd.f32 v1, v2;
	_ =	sdelay $0x1  }
0x7e: {  	[tilespmem:s30+$0xB220] =	vst v1  }
0x7f: {  	v1 =	vld [tilespmem:s29+$0x0];
	_ =	sdelay $0x1  }
0x80: {  	v2 =	vld [tilespmem:s30+$0xB230];
	_ =	sdelay $0x2  }
0x81: {  	v1 =	vmul.f32 v1, v3;
	_ =	sdelay $0x1  }
0x82: {  	v1 =	vadd.f32 v1, v2;
	_ =	sdelay $0x1  }
0x83: {  	[tilespmem:s30+$0xB230] =	vst v1  }
0x84: {  	v1 =	vld [tilespmem:s29+$0x10];
	_ =	sdelay $0x1  }
0x85: {  	v2 =	vld [tilespmem:s30+$0xB240];
	_ =	sdelay $0x2  }
0x86: {  	v1 =	vmul.f32 v1, v3;
	_ =	sdelay $0x1  }
0x87: {  	v1 =	vadd.f32 v1, v2;
	_ =	sdelay $0x1  }
0x88: {  	[tilespmem:s30+$0xB240] =	vst v1  }
0x89: {  	v1 =	vld [tilespmem:s29+$0x20];
	_ =	sdelay $0x1  }
0x8a: {  	v2 =	vld [tilespmem:s30+$0xB250];
	_ =	sdelay $0x2  }
0x8b: {  	v1 =	vmul.f32 v1, v3;
	_ =	sdelay $0x1  }
0x8c: {  	v1 =	vadd.f32 v1, v2;
	_ =	sdelay $0x1  }
0x8d: {  	[tilespmem:s30+$0xB250] =	vst v1  }
0x8e: {  	v4 =	vld [tilespmem:s29+$0x30]  }
.Ltmp2:
0x8f: {  	(pc) =	sbr.rel @p0 .LBB2_6-.Ltmp2, $2  }
0x90: {  	v2 =	vld [tilespmem:s30+$0xB260];
	_ =	sdelay $0x2  }
0x91: {  	s1 =	sadd.s32 $0x1, s1;
	v1 =	vmov s31;
	v3 =	vmul.f32 v4, v3  }
0x92: {  	_ = 	snop  }
0x93: {  	v2 =	vadd.f32 v3, v2;
	_ =	sdelay $0x1  }
0x94: {  	s0 =	smul.u32 $0xCD, s31;
	[tilespmem:s30+$0xB260] =	vst v2  }
0x95: {  	s1 =	sadd.s32 $0x80, s29;
	v1 =	vld.idx.msk [tilespmem:v1+s16+$0x0], $0xffff  }
0x96: {  	s0 =	sshrl.u32 s0, $0x3;
	v2 =	vld [tilespmem:s1+$0xFFFFFFD0]  }
0x97: {  	s0 =	sand.u32 $0x1F80, s0  }
0x98: {  	v3 =	vld [tilespmem:s0+$0xB200];
	_ =	sdelay $0x2  }
0x99: {  	v2 =	vmul.f32 v2, v1;
	_ =	sdelay $0x1  }
0x9a: {  	v2 =	vadd.f32 v2, v3;
	_ =	sdelay $0x1  }
0x9b: {  	[tilespmem:s0+$0xB200] =	vst v2  }
0x9c: {  	v2 =	vld [tilespmem:s1+$0xFFFFFFE0];
	_ =	sdelay $0x1  }
0x9d: {  	v3 =	vld [tilespmem:s0+$0xB210];
	_ =	sdelay $0x2  }
0x9e: {  	v2 =	vmul.f32 v2, v1;
	_ =	sdelay $0x1  }
0x9f: {  	v2 =	vadd.f32 v2, v3;
	_ =	sdelay $0x1  }
0xa0: {  	[tilespmem:s0+$0xB210] =	vst v2  }
0xa1: {  	v2 =	vld [tilespmem:s1+$0xFFFFFFF0];
	_ =	sdelay $0x1  }
0xa2: {  	v3 =	vld [tilespmem:s0+$0xB220];
	_ =	sdelay $0x2  }
0xa3: {  	v2 =	vmul.f32 v2, v1;
	_ =	sdelay $0x1  }
0xa4: {  	v2 =	vadd.f32 v2, v3;
	_ =	sdelay $0x1  }
0xa5: {  	[tilespmem:s0+$0xB220] =	vst v2  }
0xa6: {  	v2 =	vld [tilespmem:s1+$0x0];
	_ =	sdelay $0x1  }
0xa7: {  	v3 =	vld [tilespmem:s0+$0xB230];
	_ =	sdelay $0x2  }
0xa8: {  	v2 =	vmul.f32 v2, v1;
	_ =	sdelay $0x1  }
0xa9: {  	v2 =	vadd.f32 v2, v3;
	_ =	sdelay $0x1  }
0xaa: {  	[tilespmem:s0+$0xB230] =	vst v2  }
0xab: {  	v2 =	vld [tilespmem:s1+$0x10];
	_ =	sdelay $0x1  }
0xac: {  	v3 =	vld [tilespmem:s0+$0xB240];
	_ =	sdelay $0x2  }
0xad: {  	v2 =	vmul.f32 v2, v1;
	_ =	sdelay $0x1  }
0xae: {  	v2 =	vadd.f32 v2, v3;
	_ =	sdelay $0x1  }
0xaf: {  	[tilespmem:s0+$0xB240] =	vst v2  }
0xb0: {  	v2 =	vld [tilespmem:s1+$0x20];
	_ =	sdelay $0x1  }
0xb1: {  	v3 =	vld [tilespmem:s0+$0xB250];
	_ =	sdelay $0x2  }
0xb2: {  	v2 =	vmul.f32 v2, v1;
	_ =	sdelay $0x1  }
0xb3: {  	v2 =	vadd.f32 v2, v3;
	_ =	sdelay $0x1  }
0xb4: {  	[tilespmem:s0+$0xB250] =	vst v2  }
0xb5: {  	v2 =	vld [tilespmem:s1+$0x30];
	_ =	sdelay $0x1  }
0xb6: {  	v3 =	vld [tilespmem:s0+$0xB260];
	_ =	sdelay $0x2  }
0xb7: {  	v1 =	vmul.f32 v2, v1;
	_ =	sdelay $0x1  }
0xb8: {  	v1 =	vadd.f32 v1, v3  }
0xb9: {  	s1 =	simm.s32 $0x80  }
0xba: {  	[tilespmem:s0+$0xB260] =	vst v1;
	v1 =	vmov s1  }
0xbb: {  	[tilespmem:s13], [sflag:$0x1] =	stream.indirect.gather [hbm4b:s2+s1], $0x80, s17, s1, $0xb8;
	[tilespmem:$0x13200] =	vst v63  }
0xbc: {  	_ =	swait.ge [sflag:s18], $0x4000  }
0xbd: {  	[sflag:s18] =	ssyncset.done $0x0  }
0xbe: {  	s1 =	smul.u32 $0xCD, s1;
	[sflag:s18] =	ssyncadd.s32 $0xFFFFC000  }
0xbf: {  	s29 =	simm.s32 $0x7230;
	v3 =	vld.idx.msk [tilespmem:v1+s16+$0x0], $0xffff  }
0xc0: {  	s0 =	sshrl.u32 s1, $0x3;
	v1 =	vld [tilespmem:s29+$0xFFFFFFD0]  }
0xc1: {  	s30 =	sand.u32 $0x1F80, s0  }
0xc2: {  	v2 =	vld [tilespmem:s30+$0xB200];
	_ =	sdelay $0x2  }
0xc3: {  	v1 =	vmul.f32 v1, v3;
	_ =	sdelay $0x1  }
0xc4: {  	v1 =	vadd.f32 v1, v2;
	_ =	sdelay $0x1  }
0xc5: {  	[tilespmem:s30+$0xB200] =	vst v1  }
0xc6: {  	v1 =	vld [tilespmem:s29+$0xFFFFFFE0];
	_ =	sdelay $0x1  }
0xc7: {  	v2 =	vld [tilespmem:s30+$0xB210];
	_ =	sdelay $0x2  }
0xc8: {  	v1 =	vmul.f32 v1, v3;
	_ =	sdelay $0x1  }
0xc9: {  	v1 =	vadd.f32 v1, v2;
	_ =	sdelay $0x1  }
0xca: {  	[tilespmem:s30+$0xB210] =	vst v1  }
0xcb: {  	v1 =	vld [tilespmem:s29+$0xFFFFFFF0];
	_ =	sdelay $0x1  }
0xcc: {  	v2 =	vld [tilespmem:s30+$0xB220];
	_ =	sdelay $0x2  }
0xcd: {  	v1 =	vmul.f32 v1, v3;
	_ =	sdelay $0x1  }
0xce: {  	v1 =	vadd.f32 v1, v2;
	_ =	sdelay $0x1  }
0xcf: {  	[tilespmem:s30+$0xB220] =	vst v1  }
0xd0: {  	v1 =	vld [tilespmem:s29+$0x0];
	_ =	sdelay $0x1  }
0xd1: {  	v2 =	vld [tilespmem:s30+$0xB230];
	_ =	sdelay $0x2  }
0xd2: {  	v1 =	vmul.f32 v1, v3;
	_ =	sdelay $0x1  }
0xd3: {  	v1 =	vadd.f32 v1, v2;
	_ =	sdelay $0x1  }
0xd4: {  	[tilespmem:s30+$0xB230] =	vst v1  }
0xd5: {  	v1 =	vld [tilespmem:s29+$0x10];
	_ =	sdelay $0x1  }
0xd6: {  	v2 =	vld [tilespmem:s30+$0xB240];
	_ =	sdelay $0x2  }
0xd7: {  	v1 =	vmul.f32 v1, v3;
	_ =	sdelay $0x1  }
0xd8: {  	v1 =	vadd.f32 v1, v2;
	_ =	sdelay $0x1  }
0xd9: {  	[tilespmem:s30+$0xB240] =	vst v1  }
0xda: {  	v1 =	vld [tilespmem:s29+$0x20];
	_ =	sdelay $0x1  }
0xdb: {  	v2 =	vld [tilespmem:s30+$0xB250];
	_ =	sdelay $0x2  }
0xdc: {  	v1 =	vmul.f32 v1, v3;
	_ =	sdelay $0x1  }
0xdd: {  	v1 =	vadd.f32 v1, v2;
	_ =	sdelay $0x1  }
0xde: {  	[tilespmem:s30+$0xB250] =	vst v1  }
0xdf: {  	v4 =	vld [tilespmem:s29+$0x30];
	_ =	sdelay $0x1  }
0xe0: {  	v2 =	vld [tilespmem:s30+$0xB260];
	_ =	sdelay $0x1  }
0xe1: {  	s31 =	simm.s32 $0x81  }
0xe2: {  	s1 =	simm.s32 $0x82;
	v1 =	vmov s31;
	v3 =	vmul.f32 v4, v3  }
.LBB2_8:
0xe3: {  	p0 =	sne.s32 s1, $0xFF  }
0xe4: {  	v2 =	vadd.f32 v3, v2;
	_ =	sdelay $0x1  }
0xe5: {  	s0 =	smul.u32 $0xCD, s31;
	s31 =	smov.u32 s1;
	[tilespmem:s30+$0xB260] =	vst v2  }
0xe6: {  	s29 =	sadd.s32 $0x80, s29;
	v3 =	vld.idx.msk [tilespmem:v1+s16+$0x0], $0xffff  }
0xe7: {  	s0 =	sshrl.u32 s0, $0x3;
	v1 =	vld [tilespmem:s29+$0xFFFFFFD0]  }
0xe8: {  	s30 =	sand.u32 $0x1F80, s0  }
0xe9: {  	v2 =	vld [tilespmem:s30+$0xB200];
	_ =	sdelay $0x2  }
0xea: {  	v1 =	vmul.f32 v1, v3;
	_ =	sdelay $0x1  }
0xeb: {  	v1 =	vadd.f32 v1, v2;
	_ =	sdelay $0x1  }
0xec: {  	[tilespmem:s30+$0xB200] =	vst v1  }
0xed: {  	v1 =	vld [tilespmem:s29+$0xFFFFFFE0];
	_ =	sdelay $0x1  }
0xee: {  	v2 =	vld [tilespmem:s30+$0xB210];
	_ =	sdelay $0x2  }
0xef: {  	v1 =	vmul.f32 v1, v3;
	_ =	sdelay $0x1  }
0xf0: {  	v1 =	vadd.f32 v1, v2;
	_ =	sdelay $0x1  }
0xf1: {  	[tilespmem:s30+$0xB210] =	vst v1  }
0xf2: {  	v1 =	vld [tilespmem:s29+$0xFFFFFFF0];
	_ =	sdelay $0x1  }
0xf3: {  	v2 =	vld [tilespmem:s30+$0xB220];
	_ =	sdelay $0x2  }
0xf4: {  	v1 =	vmul.f32 v1, v3;
	_ =	sdelay $0x1  }
0xf5: {  	v1 =	vadd.f32 v1, v2;
	_ =	sdelay $0x1  }
0xf6: {  	[tilespmem:s30+$0xB220] =	vst v1  }
0xf7: {  	v1 =	vld [tilespmem:s29+$0x0];
	_ =	sdelay $0x1  }
0xf8: {  	v2 =	vld [tilespmem:s30+$0xB230];
	_ =	sdelay $0x2  }
0xf9: {  	v1 =	vmul.f32 v1, v3;
	_ =	sdelay $0x1  }
0xfa: {  	v1 =	vadd.f32 v1, v2;
	_ =	sdelay $0x1  }
0xfb: {  	[tilespmem:s30+$0xB230] =	vst v1  }
0xfc: {  	v1 =	vld [tilespmem:s29+$0x10];
	_ =	sdelay $0x1  }
0xfd: {  	v2 =	vld [tilespmem:s30+$0xB240];
	_ =	sdelay $0x2  }
0xfe: {  	v1 =	vmul.f32 v1, v3;
	_ =	sdelay $0x1  }
0xff: {  	v1 =	vadd.f32 v1, v2;
	_ =	sdelay $0x1  }
0x100: {  	[tilespmem:s30+$0xB240] =	vst v1  }
0x101: {  	v1 =	vld [tilespmem:s29+$0x20];
	_ =	sdelay $0x1  }
0x102: {  	v2 =	vld [tilespmem:s30+$0xB250];
	_ =	sdelay $0x2  }
0x103: {  	v1 =	vmul.f32 v1, v3;
	_ =	sdelay $0x1  }
0x104: {  	v1 =	vadd.f32 v1, v2;
	_ =	sdelay $0x1  }
0x105: {  	[tilespmem:s30+$0xB250] =	vst v1  }
0x106: {  	v4 =	vld [tilespmem:s29+$0x30]  }
.Ltmp3:
0x107: {  	(pc) =	sbr.rel @p0 .LBB2_8-.Ltmp3, $2  }
0x108: {  	v2 =	vld [tilespmem:s30+$0xB260];
	_ =	sdelay $0x2  }
0x109: {  	s1 =	sadd.s32 $0x1, s1;
	v1 =	vmov s31;
	v3 =	vmul.f32 v4, v3  }
0x10a: {  	_ = 	snop  }
0x10b: {  	v2 =	vadd.f32 v3, v2;
	_ =	sdelay $0x1  }
0x10c: {  	s0 =	smul.u32 $0xCD, s31;
	[tilespmem:s30+$0xB260] =	vst v2  }
0x10d: {  	s1 =	sadd.s32 $0x80, s29;
	v1 =	vld.idx.msk [tilespmem:v1+s16+$0x0], $0xffff  }
0x10e: {  	s0 =	sshrl.u32 s0, $0x3;
	v2 =	vld [tilespmem:s1+$0xFFFFFFD0]  }
0x10f: {  	s0 =	sand.u32 $0x1F80, s0  }
0x110: {  	v3 =	vld [tilespmem:s0+$0xB200];
	_ =	sdelay $0x2  }
0x111: {  	v2 =	vmul.f32 v2, v1;
	_ =	sdelay $0x1  }
0x112: {  	v2 =	vadd.f32 v2, v3;
	_ =	sdelay $0x1  }
0x113: {  	[tilespmem:s0+$0xB200] =	vst v2  }
0x114: {  	v2 =	vld [tilespmem:s1+$0xFFFFFFE0];
	_ =	sdelay $0x1  }
0x115: {  	v3 =	vld [tilespmem:s0+$0xB210];
	_ =	sdelay $0x2  }
0x116: {  	v2 =	vmul.f32 v2, v1;
	_ =	sdelay $0x1  }
0x117: {  	v2 =	vadd.f32 v2, v3;
	_ =	sdelay $0x1  }
0x118: {  	[tilespmem:s0+$0xB210] =	vst v2  }
0x119: {  	v2 =	vld [tilespmem:s1+$0xFFFFFFF0];
	_ =	sdelay $0x1  }
0x11a: {  	v3 =	vld [tilespmem:s0+$0xB220];
	_ =	sdelay $0x2  }
0x11b: {  	v2 =	vmul.f32 v2, v1;
	_ =	sdelay $0x1  }
0x11c: {  	v2 =	vadd.f32 v2, v3;
	_ =	sdelay $0x1  }
0x11d: {  	[tilespmem:s0+$0xB220] =	vst v2  }
0x11e: {  	v2 =	vld [tilespmem:s1+$0x0];
	_ =	sdelay $0x1  }
0x11f: {  	v3 =	vld [tilespmem:s0+$0xB230];
	_ =	sdelay $0x2  }
0x120: {  	v2 =	vmul.f32 v2, v1;
	_ =	sdelay $0x1  }
0x121: {  	v2 =	vadd.f32 v2, v3;
	_ =	sdelay $0x1  }
0x122: {  	[tilespmem:s0+$0xB230] =	vst v2  }
0x123: {  	v2 =	vld [tilespmem:s1+$0x10];
	_ =	sdelay $0x1  }
0x124: {  	v3 =	vld [tilespmem:s0+$0xB240];
	_ =	sdelay $0x2  }
0x125: {  	v2 =	vmul.f32 v2, v1;
	_ =	sdelay $0x1  }
0x126: {  	v2 =	vadd.f32 v2, v3;
	_ =	sdelay $0x1  }
0x127: {  	[tilespmem:s0+$0xB240] =	vst v2  }
0x128: {  	v2 =	vld [tilespmem:s1+$0x20];
	_ =	sdelay $0x1  }
0x129: {  	v3 =	vld [tilespmem:s0+$0xB250];
	_ =	sdelay $0x2  }
0x12a: {  	v2 =	vmul.f32 v2, v1;
	_ =	sdelay $0x1  }
0x12b: {  	v2 =	vadd.f32 v2, v3;
	_ =	sdelay $0x1  }
0x12c: {  	[tilespmem:s0+$0xB250] =	vst v2  }
0x12d: {  	v2 =	vld [tilespmem:s1+$0x30];
	_ =	sdelay $0x1  }
0x12e: {  	v3 =	vld [tilespmem:s0+$0xB260];
	_ =	sdelay $0x2  }
0x12f: {  	v1 =	vmul.f32 v2, v1;
	_ =	sdelay $0x1  }
0x130: {  	v1 =	vadd.f32 v1, v3  }
0x131: {  	s1 =	simm.s32 $0x100  }
0x132: {  	[tilespmem:s0+$0xB260] =	vst v1;
	v1 =	vmov s1  }
0x133: {  	[tilespmem:s14], [sflag:$0x2] =	stream.indirect.gather [hbm4b:s2+s12], $0x80, s19, s12, $0xb8;
	[tilespmem:$0x13200] =	vst v63  }
0x134: {  	_ =	swait.ge [sflag:s15], $0x4000  }
0x135: {  	[sflag:s15] =	ssyncset.done $0x0  }
0x136: {  	s1 =	smul.u32 $0xCCCD, s1;
	[sflag:s15] =	ssyncadd.s32 $0xFFFFC000  }
0x137: {  	s29 =	simm.s32 $0x3230;
	v3 =	vld.idx.msk [tilespmem:v1+s16+$0x0], $0xffff  }
0x138: {  	s0 =	sshrl.u32 s1, $0xB;
	v1 =	vld [tilespmem:s29+$0xFFFFFFD0]  }
0x139: {  	s30 =	sand.u32 $0xFF80, s0  }
0x13a: {  	v2 =	vld [tilespmem:s30+$0xB200];
	_ =	sdelay $0x2  }
0x13b: {  	v1 =	vmul.f32 v1, v3;
	_ =	sdelay $0x1  }
0x13c: {  	v1 =	vadd.f32 v1, v2;
	_ =	sdelay $0x1  }
0x13d: {  	[tilespmem:s30+$0xB200] =	vst v1  }
0x13e: {  	v1 =	vld [tilespmem:s29+$0xFFFFFFE0];
	_ =	sdelay $0x1  }
0x13f: {  	v2 =	vld [tilespmem:s30+$0xB210];
	_ =	sdelay $0x2  }
0x140: {  	v1 =	vmul.f32 v1, v3;
	_ =	sdelay $0x1  }
0x141: {  	v1 =	vadd.f32 v1, v2;
	_ =	sdelay $0x1  }
0x142: {  	[tilespmem:s30+$0xB210] =	vst v1  }
0x143: {  	v1 =	vld [tilespmem:s29+$0xFFFFFFF0];
	_ =	sdelay $0x1  }
0x144: {  	v2 =	vld [tilespmem:s30+$0xB220];
	_ =	sdelay $0x2  }
0x145: {  	v1 =	vmul.f32 v1, v3;
	_ =	sdelay $0x1  }
0x146: {  	v1 =	vadd.f32 v1, v2;
	_ =	sdelay $0x1  }
0x147: {  	[tilespmem:s30+$0xB220] =	vst v1  }
0x148: {  	v1 =	vld [tilespmem:s29+$0x0];
	_ =	sdelay $0x1  }
0x149: {  	v2 =	vld [tilespmem:s30+$0xB230];
	_ =	sdelay $0x2  }
0x14a: {  	v1 =	vmul.f32 v1, v3;
	_ =	sdelay $0x1  }
0x14b: {  	v1 =	vadd.f32 v1, v2;
	_ =	sdelay $0x1  }
0x14c: {  	[tilespmem:s30+$0xB230] =	vst v1  }
0x14d: {  	v1 =	vld [tilespmem:s29+$0x10];
	_ =	sdelay $0x1  }
0x14e: {  	v2 =	vld [tilespmem:s30+$0xB240];
	_ =	sdelay $0x2  }
0x14f: {  	v1 =	vmul.f32 v1, v3;
	_ =	sdelay $0x1  }
0x150: {  	v1 =	vadd.f32 v1, v2;
	_ =	sdelay $0x1  }
0x151: {  	[tilespmem:s30+$0xB240] =	vst v1  }
0x152: {  	v1 =	vld [tilespmem:s29+$0x20];
	_ =	sdelay $0x1  }
0x153: {  	v2 =	vld [tilespmem:s30+$0xB250];
	_ =	sdelay $0x2  }
0x154: {  	v1 =	vmul.f32 v1, v3;
	_ =	sdelay $0x1  }
0x155: {  	v1 =	vadd.f32 v1, v2;
	_ =	sdelay $0x1  }
0x156: {  	[tilespmem:s30+$0xB250] =	vst v1  }
0x157: {  	v4 =	vld [tilespmem:s29+$0x30];
	_ =	sdelay $0x1  }
0x158: {  	v2 =	vld [tilespmem:s30+$0xB260];
	_ =	sdelay $0x1  }
0x159: {  	s31 =	simm.s32 $0x101  }
0x15a: {  	s1 =	simm.s32 $0x102;
	v1 =	vmov s31;
	v3 =	vmul.f32 v4, v3  }
.LBB2_10:
0x15b: {  	p0 =	sne.s32 s1, $0x17F  }
0x15c: {  	v2 =	vadd.f32 v3, v2;
	_ =	sdelay $0x1  }
0x15d: {  	s0 =	smul.u32 $0xCCCD, s31;
	s31 =	smov.u32 s1;
	[tilespmem:s30+$0xB260] =	vst v2  }
0x15e: {  	s29 =	sadd.s32 $0x80, s29;
	v3 =	vld.idx.msk [tilespmem:v1+s16+$0x0], $0xffff  }
0x15f: {  	s0 =	sshrl.u32 s0, $0xB;
	v1 =	vld [tilespmem:s29+$0xFFFFFFD0]  }
0x160: {  	s30 =	sand.u32 $0xFF80, s0  }
0x161: {  	v2 =	vld [tilespmem:s30+$0xB200];
	_ =	sdelay $0x2  }
0x162: {  	v1 =	vmul.f32 v1, v3;
	_ =	sdelay $0x1  }
0x163: {  	v1 =	vadd.f32 v1, v2;
	_ =	sdelay $0x1  }
0x164: {  	[tilespmem:s30+$0xB200] =	vst v1  }
0x165: {  	v1 =	vld [tilespmem:s29+$0xFFFFFFE0];
	_ =	sdelay $0x1  }
0x166: {  	v2 =	vld [tilespmem:s30+$0xB210];
	_ =	sdelay $0x2  }
0x167: {  	v1 =	vmul.f32 v1, v3;
	_ =	sdelay $0x1  }
0x168: {  	v1 =	vadd.f32 v1, v2;
	_ =	sdelay $0x1  }
0x169: {  	[tilespmem:s30+$0xB210] =	vst v1  }
0x16a: {  	v1 =	vld [tilespmem:s29+$0xFFFFFFF0];
	_ =	sdelay $0x1  }
0x16b: {  	v2 =	vld [tilespmem:s30+$0xB220];
	_ =	sdelay $0x2  }
0x16c: {  	v1 =	vmul.f32 v1, v3;
	_ =	sdelay $0x1  }
0x16d: {  	v1 =	vadd.f32 v1, v2;
	_ =	sdelay $0x1  }
0x16e: {  	[tilespmem:s30+$0xB220] =	vst v1  }
0x16f: {  	v1 =	vld [tilespmem:s29+$0x0];
	_ =	sdelay $0x1  }
0x170: {  	v2 =	vld [tilespmem:s30+$0xB230];
	_ =	sdelay $0x2  }
0x171: {  	v1 =	vmul.f32 v1, v3;
	_ =	sdelay $0x1  }
0x172: {  	v1 =	vadd.f32 v1, v2;
	_ =	sdelay $0x1  }
0x173: {  	[tilespmem:s30+$0xB230] =	vst v1  }
0x174: {  	v1 =	vld [tilespmem:s29+$0x10];
	_ =	sdelay $0x1  }
0x175: {  	v2 =	vld [tilespmem:s30+$0xB240];
	_ =	sdelay $0x2  }
0x176: {  	v1 =	vmul.f32 v1, v3;
	_ =	sdelay $0x1  }
0x177: {  	v1 =	vadd.f32 v1, v2;
	_ =	sdelay $0x1  }
0x178: {  	[tilespmem:s30+$0xB240] =	vst v1  }
0x179: {  	v1 =	vld [tilespmem:s29+$0x20];
	_ =	sdelay $0x1  }
0x17a: {  	v2 =	vld [tilespmem:s30+$0xB250];
	_ =	sdelay $0x2  }
0x17b: {  	v1 =	vmul.f32 v1, v3;
	_ =	sdelay $0x1  }
0x17c: {  	v1 =	vadd.f32 v1, v2;
	_ =	sdelay $0x1  }
0x17d: {  	[tilespmem:s30+$0xB250] =	vst v1  }
0x17e: {  	v4 =	vld [tilespmem:s29+$0x30]  }
.Ltmp4:
0x17f: {  	(pc) =	sbr.rel @p0 .LBB2_10-.Ltmp4, $2  }
0x180: {  	v2 =	vld [tilespmem:s30+$0xB260];
	_ =	sdelay $0x2  }
0x181: {  	s1 =	sadd.s32 $0x1, s1;
	v1 =	vmov s31;
	v3 =	vmul.f32 v4, v3  }
0x182: {  	_ = 	snop  }
0x183: {  	v2 =	vadd.f32 v3, v2;
	_ =	sdelay $0x1  }
0x184: {  	s0 =	smul.u32 $0xCCCD, s31;
	[tilespmem:s30+$0xB260] =	vst v2  }
0x185: {  	s1 =	sadd.s32 $0x80, s29;
	v1 =	vld.idx.msk [tilespmem:v1+s16+$0x0], $0xffff  }
0x186: {  	s0 =	sshrl.u32 s0, $0xB;
	v2 =	vld [tilespmem:s1+$0xFFFFFFD0]  }
0x187: {  	s0 =	sand.u32 $0xFF80, s0  }
0x188: {  	v3 =	vld [tilespmem:s0+$0xB200];
	_ =	sdelay $0x2  }
0x189: {  	v2 =	vmul.f32 v2, v1;
	_ =	sdelay $0x1  }
0x18a: {  	v2 =	vadd.f32 v2, v3;
	_ =	sdelay $0x1  }
0x18b: {  	[tilespmem:s0+$0xB200] =	vst v2  }
0x18c: {  	v2 =	vld [tilespmem:s1+$0xFFFFFFE0];
	_ =	sdelay $0x1  }
0x18d: {  	v3 =	vld [tilespmem:s0+$0xB210];
	_ =	sdelay $0x2  }
0x18e: {  	v2 =	vmul.f32 v2, v1;
	_ =	sdelay $0x1  }
0x18f: {  	v2 =	vadd.f32 v2, v3;
	_ =	sdelay $0x1  }
0x190: {  	[tilespmem:s0+$0xB210] =	vst v2  }
0x191: {  	v2 =	vld [tilespmem:s1+$0xFFFFFFF0];
	_ =	sdelay $0x1  }
0x192: {  	v3 =	vld [tilespmem:s0+$0xB220];
	_ =	sdelay $0x2  }
0x193: {  	v2 =	vmul.f32 v2, v1;
	_ =	sdelay $0x1  }
0x194: {  	v2 =	vadd.f32 v2, v3;
	_ =	sdelay $0x1  }
0x195: {  	[tilespmem:s0+$0xB220] =	vst v2  }
0x196: {  	v2 =	vld [tilespmem:s1+$0x0];
	_ =	sdelay $0x1  }
0x197: {  	v3 =	vld [tilespmem:s0+$0xB230];
	_ =	sdelay $0x2  }
0x198: {  	v2 =	vmul.f32 v2, v1;
	_ =	sdelay $0x1  }
0x199: {  	v2 =	vadd.f32 v2, v3;
	_ =	sdelay $0x1  }
0x19a: {  	[tilespmem:s0+$0xB230] =	vst v2  }
0x19b: {  	v2 =	vld [tilespmem:s1+$0x10];
	_ =	sdelay $0x1  }
0x19c: {  	v3 =	vld [tilespmem:s0+$0xB240];
	_ =	sdelay $0x2  }
0x19d: {  	v2 =	vmul.f32 v2, v1;
	_ =	sdelay $0x1  }
0x19e: {  	v2 =	vadd.f32 v2, v3;
	_ =	sdelay $0x1  }
0x19f: {  	[tilespmem:s0+$0xB240] =	vst v2  }
0x1a0: {  	v2 =	vld [tilespmem:s1+$0x20];
	_ =	sdelay $0x1  }
0x1a1: {  	v3 =	vld [tilespmem:s0+$0xB250];
	_ =	sdelay $0x2  }
0x1a2: {  	v2 =	vmul.f32 v2, v1;
	_ =	sdelay $0x1  }
0x1a3: {  	v2 =	vadd.f32 v2, v3;
	_ =	sdelay $0x1  }
0x1a4: {  	[tilespmem:s0+$0xB250] =	vst v2  }
0x1a5: {  	v2 =	vld [tilespmem:s1+$0x30];
	_ =	sdelay $0x1  }
0x1a6: {  	v3 =	vld [tilespmem:s0+$0xB260];
	_ =	sdelay $0x2  }
0x1a7: {  	v1 =	vmul.f32 v2, v1;
	_ =	sdelay $0x1  }
0x1a8: {  	v1 =	vadd.f32 v1, v3  }
0x1a9: {  	s1 =	simm.s32 $0x180  }
0x1aa: {  	[tilespmem:s0+$0xB260] =	vst v1;
	v1 =	vmov s1  }
0x1ab: {  	[tilespmem:s13], [sflag:$0x1] =	stream.indirect.gather [hbm4b:s2+s12], $0x80, s20, s12, $0xb8;
	[tilespmem:$0x13200] =	vst v63  }
0x1ac: {  	_ =	swait.ge [sflag:s18], $0x4000  }
0x1ad: {  	[sflag:s18] =	ssyncset.done $0x0  }
0x1ae: {  	s1 =	smul.u32 $0xCCCD, s1;
	[sflag:s18] =	ssyncadd.s32 $0xFFFFC000  }
0x1af: {  	s29 =	simm.s32 $0x7230;
	v3 =	vld.idx.msk [tilespmem:v1+s16+$0x0], $0xffff  }
0x1b0: {  	s0 =	sshrl.u32 s1, $0xB;
	v1 =	vld [tilespmem:s29+$0xFFFFFFD0]  }
0x1b1: {  	s30 =	sand.u32 $0xFF80, s0  }
0x1b2: {  	v2 =	vld [tilespmem:s30+$0xB200];
	_ =	sdelay $0x2  }
0x1b3: {  	v1 =	vmul.f32 v1, v3;
	_ =	sdelay $0x1  }
0x1b4: {  	v1 =	vadd.f32 v1, v2;
	_ =	sdelay $0x1  }
0x1b5: {  	[tilespmem:s30+$0xB200] =	vst v1  }
0x1b6: {  	v1 =	vld [tilespmem:s29+$0xFFFFFFE0];
	_ =	sdelay $0x1  }
0x1b7: {  	v2 =	vld [tilespmem:s30+$0xB210];
	_ =	sdelay $0x2  }
0x1b8: {  	v1 =	vmul.f32 v1, v3;
	_ =	sdelay $0x1  }
0x1b9: {  	v1 =	vadd.f32 v1, v2;
	_ =	sdelay $0x1  }
0x1ba: {  	[tilespmem:s30+$0xB210] =	vst v1  }
0x1bb: {  	v1 =	vld [tilespmem:s29+$0xFFFFFFF0];
	_ =	sdelay $0x1  }
0x1bc: {  	v2 =	vld [tilespmem:s30+$0xB220];
	_ =	sdelay $0x2  }
0x1bd: {  	v1 =	vmul.f32 v1, v3;
	_ =	sdelay $0x1  }
0x1be: {  	v1 =	vadd.f32 v1, v2;
	_ =	sdelay $0x1  }
0x1bf: {  	[tilespmem:s30+$0xB220] =	vst v1  }
0x1c0: {  	v1 =	vld [tilespmem:s29+$0x0];
	_ =	sdelay $0x1  }
0x1c1: {  	v2 =	vld [tilespmem:s30+$0xB230];
	_ =	sdelay $0x2  }
0x1c2: {  	v1 =	vmul.f32 v1, v3;
	_ =	sdelay $0x1  }
0x1c3: {  	v1 =	vadd.f32 v1, v2;
	_ =	sdelay $0x1  }
0x1c4: {  	[tilespmem:s30+$0xB230] =	vst v1  }
0x1c5: {  	v1 =	vld [tilespmem:s29+$0x10];
	_ =	sdelay $0x1  }
0x1c6: {  	v2 =	vld [tilespmem:s30+$0xB240];
	_ =	sdelay $0x2  }
0x1c7: {  	v1 =	vmul.f32 v1, v3;
	_ =	sdelay $0x1  }
0x1c8: {  	v1 =	vadd.f32 v1, v2;
	_ =	sdelay $0x1  }
0x1c9: {  	[tilespmem:s30+$0xB240] =	vst v1  }
0x1ca: {  	v1 =	vld [tilespmem:s29+$0x20];
	_ =	sdelay $0x1  }
0x1cb: {  	v2 =	vld [tilespmem:s30+$0xB250];
	_ =	sdelay $0x2  }
0x1cc: {  	v1 =	vmul.f32 v1, v3;
	_ =	sdelay $0x1  }
0x1cd: {  	v1 =	vadd.f32 v1, v2;
	_ =	sdelay $0x1  }
0x1ce: {  	[tilespmem:s30+$0xB250] =	vst v1  }
0x1cf: {  	v4 =	vld [tilespmem:s29+$0x30];
	_ =	sdelay $0x1  }
0x1d0: {  	v2 =	vld [tilespmem:s30+$0xB260];
	_ =	sdelay $0x1  }
0x1d1: {  	s31 =	simm.s32 $0x181  }
0x1d2: {  	s1 =	simm.s32 $0x182;
	v1 =	vmov s31;
	v3 =	vmul.f32 v4, v3  }
.LBB2_12:
0x1d3: {  	p0 =	sne.s32 s1, $0x1FF  }
0x1d4: {  	v2 =	vadd.f32 v3, v2;
	_ =	sdelay $0x1  }
0x1d5: {  	s0 =	smul.u32 $0xCCCD, s31;
	s31 =	smov.u32 s1;
	[tilespmem:s30+$0xB260] =	vst v2  }
0x1d6: {  	s29 =	sadd.s32 $0x80, s29;
	v3 =	vld.idx.msk [tilespmem:v1+s16+$0x0], $0xffff  }
0x1d7: {  	s0 =	sshrl.u32 s0, $0xB;
	v1 =	vld [tilespmem:s29+$0xFFFFFFD0]  }
0x1d8: {  	s30 =	sand.u32 $0xFF80, s0  }
0x1d9: {  	v2 =	vld [tilespmem:s30+$0xB200];
	_ =	sdelay $0x2  }
0x1da: {  	v1 =	vmul.f32 v1, v3;
	_ =	sdelay $0x1  }
0x1db: {  	v1 =	vadd.f32 v1, v2;
	_ =	sdelay $0x1  }
0x1dc: {  	[tilespmem:s30+$0xB200] =	vst v1  }
0x1dd: {  	v1 =	vld [tilespmem:s29+$0xFFFFFFE0];
	_ =	sdelay $0x1  }
0x1de: {  	v2 =	vld [tilespmem:s30+$0xB210];
	_ =	sdelay $0x2  }
0x1df: {  	v1 =	vmul.f32 v1, v3;
	_ =	sdelay $0x1  }
0x1e0: {  	v1 =	vadd.f32 v1, v2;
	_ =	sdelay $0x1  }
0x1e1: {  	[tilespmem:s30+$0xB210] =	vst v1  }
0x1e2: {  	v1 =	vld [tilespmem:s29+$0xFFFFFFF0];
	_ =	sdelay $0x1  }
0x1e3: {  	v2 =	vld [tilespmem:s30+$0xB220];
	_ =	sdelay $0x2  }
0x1e4: {  	v1 =	vmul.f32 v1, v3;
	_ =	sdelay $0x1  }
0x1e5: {  	v1 =	vadd.f32 v1, v2;
	_ =	sdelay $0x1  }
0x1e6: {  	[tilespmem:s30+$0xB220] =	vst v1  }
0x1e7: {  	v1 =	vld [tilespmem:s29+$0x0];
	_ =	sdelay $0x1  }
0x1e8: {  	v2 =	vld [tilespmem:s30+$0xB230];
	_ =	sdelay $0x2  }
0x1e9: {  	v1 =	vmul.f32 v1, v3;
	_ =	sdelay $0x1  }
0x1ea: {  	v1 =	vadd.f32 v1, v2;
	_ =	sdelay $0x1  }
0x1eb: {  	[tilespmem:s30+$0xB230] =	vst v1  }
0x1ec: {  	v1 =	vld [tilespmem:s29+$0x10];
	_ =	sdelay $0x1  }
0x1ed: {  	v2 =	vld [tilespmem:s30+$0xB240];
	_ =	sdelay $0x2  }
0x1ee: {  	v1 =	vmul.f32 v1, v3;
	_ =	sdelay $0x1  }
0x1ef: {  	v1 =	vadd.f32 v1, v2;
	_ =	sdelay $0x1  }
0x1f0: {  	[tilespmem:s30+$0xB240] =	vst v1  }
0x1f1: {  	v1 =	vld [tilespmem:s29+$0x20];
	_ =	sdelay $0x1  }
0x1f2: {  	v2 =	vld [tilespmem:s30+$0xB250];
	_ =	sdelay $0x2  }
0x1f3: {  	v1 =	vmul.f32 v1, v3;
	_ =	sdelay $0x1  }
0x1f4: {  	v1 =	vadd.f32 v1, v2;
	_ =	sdelay $0x1  }
0x1f5: {  	[tilespmem:s30+$0xB250] =	vst v1  }
0x1f6: {  	v4 =	vld [tilespmem:s29+$0x30]  }
.Ltmp5:
0x1f7: {  	(pc) =	sbr.rel @p0 .LBB2_12-.Ltmp5, $2  }
0x1f8: {  	v2 =	vld [tilespmem:s30+$0xB260];
	_ =	sdelay $0x2  }
0x1f9: {  	s1 =	sadd.s32 $0x1, s1;
	v1 =	vmov s31;
	v3 =	vmul.f32 v4, v3  }
0x1fa: {  	_ = 	snop  }
0x1fb: {  	v2 =	vadd.f32 v3, v2;
	_ =	sdelay $0x1  }
0x1fc: {  	s0 =	smul.u32 $0xCCCD, s31;
	[tilespmem:s30+$0xB260] =	vst v2  }
0x1fd: {  	s1 =	sadd.s32 $0x80, s29;
	v1 =	vld.idx.msk [tilespmem:v1+s16+$0x0], $0xffff  }
0x1fe: {  	s0 =	sshrl.u32 s0, $0xB;
	v2 =	vld [tilespmem:s1+$0xFFFFFFD0]  }
0x1ff: {  	s0 =	sand.u32 $0xFF80, s0  }
0x200: {  	v3 =	vld [tilespmem:s0+$0xB200];
	_ =	sdelay $0x2  }
0x201: {  	v2 =	vmul.f32 v2, v1;
	_ =	sdelay $0x1  }
0x202: {  	v2 =	vadd.f32 v2, v3;
	_ =	sdelay $0x1  }
0x203: {  	[tilespmem:s0+$0xB200] =	vst v2  }
0x204: {  	v2 =	vld [tilespmem:s1+$0xFFFFFFE0];
	_ =	sdelay $0x1  }
0x205: {  	v3 =	vld [tilespmem:s0+$0xB210];
	_ =	sdelay $0x2  }
0x206: {  	v2 =	vmul.f32 v2, v1;
	_ =	sdelay $0x1  }
0x207: {  	v2 =	vadd.f32 v2, v3;
	_ =	sdelay $0x1  }
0x208: {  	[tilespmem:s0+$0xB210] =	vst v2  }
0x209: {  	v2 =	vld [tilespmem:s1+$0xFFFFFFF0];
	_ =	sdelay $0x1  }
0x20a: {  	v3 =	vld [tilespmem:s0+$0xB220];
	_ =	sdelay $0x2  }
0x20b: {  	v2 =	vmul.f32 v2, v1;
	_ =	sdelay $0x1  }
0x20c: {  	v2 =	vadd.f32 v2, v3;
	_ =	sdelay $0x1  }
0x20d: {  	[tilespmem:s0+$0xB220] =	vst v2  }
0x20e: {  	v2 =	vld [tilespmem:s1+$0x0];
	_ =	sdelay $0x1  }
0x20f: {  	v3 =	vld [tilespmem:s0+$0xB230];
	_ =	sdelay $0x2  }
0x210: {  	v2 =	vmul.f32 v2, v1;
	_ =	sdelay $0x1  }
0x211: {  	v2 =	vadd.f32 v2, v3;
	_ =	sdelay $0x1  }
0x212: {  	[tilespmem:s0+$0xB230] =	vst v2  }
0x213: {  	v2 =	vld [tilespmem:s1+$0x10];
	_ =	sdelay $0x1  }
0x214: {  	v3 =	vld [tilespmem:s0+$0xB240];
	_ =	sdelay $0x2  }
0x215: {  	v2 =	vmul.f32 v2, v1;
	_ =	sdelay $0x1  }
0x216: {  	v2 =	vadd.f32 v2, v3;
	_ =	sdelay $0x1  }
0x217: {  	[tilespmem:s0+$0xB240] =	vst v2  }
0x218: {  	v2 =	vld [tilespmem:s1+$0x20];
	_ =	sdelay $0x1  }
0x219: {  	v3 =	vld [tilespmem:s0+$0xB250];
	_ =	sdelay $0x2  }
0x21a: {  	v2 =	vmul.f32 v2, v1;
	_ =	sdelay $0x1  }
0x21b: {  	v2 =	vadd.f32 v2, v3;
	_ =	sdelay $0x1  }
0x21c: {  	[tilespmem:s0+$0xB250] =	vst v2  }
0x21d: {  	v2 =	vld [tilespmem:s1+$0x30];
	_ =	sdelay $0x1  }
0x21e: {  	v3 =	vld [tilespmem:s0+$0xB260];
	_ =	sdelay $0x2  }
0x21f: {  	v1 =	vmul.f32 v2, v1;
	_ =	sdelay $0x1  }
0x220: {  	v1 =	vadd.f32 v1, v3  }
0x221: {  	s1 =	simm.s32 $0x200  }
0x222: {  	[tilespmem:s0+$0xB260] =	vst v1;
	v1 =	vmov s1  }
0x223: {  	[tilespmem:s14], [sflag:$0x2] =	stream.indirect.gather [hbm4b:s2+s12], $0x80, s21, s12, $0xb8;
	[tilespmem:$0x13200] =	vst v63  }
0x224: {  	_ =	swait.ge [sflag:s15], $0x4000  }
0x225: {  	[sflag:s15] =	ssyncset.done $0x0  }
0x226: {  	s1 =	smul.u32 $0xCCCD, s1;
	[sflag:s15] =	ssyncadd.s32 $0xFFFFC000  }
0x227: {  	s29 =	simm.s32 $0x3230;
	v3 =	vld.idx.msk [tilespmem:v1+s16+$0x0], $0xffff  }
0x228: {  	s0 =	sshrl.u32 s1, $0xB;
	v1 =	vld [tilespmem:s29+$0xFFFFFFD0]  }
0x229: {  	s30 =	sand.u32 $0xFF80, s0  }
0x22a: {  	v2 =	vld [tilespmem:s30+$0xB200];
	_ =	sdelay $0x2  }
0x22b: {  	v1 =	vmul.f32 v1, v3;
	_ =	sdelay $0x1  }
0x22c: {  	v1 =	vadd.f32 v1, v2;
	_ =	sdelay $0x1  }
0x22d: {  	[tilespmem:s30+$0xB200] =	vst v1  }
0x22e: {  	v1 =	vld [tilespmem:s29+$0xFFFFFFE0];
	_ =	sdelay $0x1  }
0x22f: {  	v2 =	vld [tilespmem:s30+$0xB210];
	_ =	sdelay $0x2  }
0x230: {  	v1 =	vmul.f32 v1, v3;
	_ =	sdelay $0x1  }
0x231: {  	v1 =	vadd.f32 v1, v2;
	_ =	sdelay $0x1  }
0x232: {  	[tilespmem:s30+$0xB210] =	vst v1  }
0x233: {  	v1 =	vld [tilespmem:s29+$0xFFFFFFF0];
	_ =	sdelay $0x1  }
0x234: {  	v2 =	vld [tilespmem:s30+$0xB220];
	_ =	sdelay $0x2  }
0x235: {  	v1 =	vmul.f32 v1, v3;
	_ =	sdelay $0x1  }
0x236: {  	v1 =	vadd.f32 v1, v2;
	_ =	sdelay $0x1  }
0x237: {  	[tilespmem:s30+$0xB220] =	vst v1  }
0x238: {  	v1 =	vld [tilespmem:s29+$0x0];
	_ =	sdelay $0x1  }
0x239: {  	v2 =	vld [tilespmem:s30+$0xB230];
	_ =	sdelay $0x2  }
0x23a: {  	v1 =	vmul.f32 v1, v3;
	_ =	sdelay $0x1  }
0x23b: {  	v1 =	vadd.f32 v1, v2;
	_ =	sdelay $0x1  }
0x23c: {  	[tilespmem:s30+$0xB230] =	vst v1  }
0x23d: {  	v1 =	vld [tilespmem:s29+$0x10];
	_ =	sdelay $0x1  }
0x23e: {  	v2 =	vld [tilespmem:s30+$0xB240];
	_ =	sdelay $0x2  }
0x23f: {  	v1 =	vmul.f32 v1, v3;
	_ =	sdelay $0x1  }
0x240: {  	v1 =	vadd.f32 v1, v2;
	_ =	sdelay $0x1  }
0x241: {  	[tilespmem:s30+$0xB240] =	vst v1  }
0x242: {  	v1 =	vld [tilespmem:s29+$0x20];
	_ =	sdelay $0x1  }
0x243: {  	v2 =	vld [tilespmem:s30+$0xB250];
	_ =	sdelay $0x2  }
0x244: {  	v1 =	vmul.f32 v1, v3;
	_ =	sdelay $0x1  }
0x245: {  	v1 =	vadd.f32 v1, v2;
	_ =	sdelay $0x1  }
0x246: {  	[tilespmem:s30+$0xB250] =	vst v1  }
0x247: {  	v4 =	vld [tilespmem:s29+$0x30];
	_ =	sdelay $0x1  }
0x248: {  	v2 =	vld [tilespmem:s30+$0xB260];
	_ =	sdelay $0x1  }
0x249: {  	s31 =	simm.s32 $0x201  }
0x24a: {  	s1 =	simm.s32 $0x202;
	v1 =	vmov s31;
	v3 =	vmul.f32 v4, v3  }
.LBB2_14:
0x24b: {  	p0 =	sne.s32 s1, $0x27F  }
0x24c: {  	v2 =	vadd.f32 v3, v2;
	_ =	sdelay $0x1  }
0x24d: {  	s0 =	smul.u32 $0xCCCD, s31;
	s31 =	smov.u32 s1;
	[tilespmem:s30+$0xB260] =	vst v2  }
0x24e: {  	s29 =	sadd.s32 $0x80, s29;
	v3 =	vld.idx.msk [tilespmem:v1+s16+$0x0], $0xffff  }
0x24f: {  	s0 =	sshrl.u32 s0, $0xB;
	v1 =	vld [tilespmem:s29+$0xFFFFFFD0]  }
0x250: {  	s30 =	sand.u32 $0xFF80, s0  }
0x251: {  	v2 =	vld [tilespmem:s30+$0xB200];
	_ =	sdelay $0x2  }
0x252: {  	v1 =	vmul.f32 v1, v3;
	_ =	sdelay $0x1  }
0x253: {  	v1 =	vadd.f32 v1, v2;
	_ =	sdelay $0x1  }
0x254: {  	[tilespmem:s30+$0xB200] =	vst v1  }
0x255: {  	v1 =	vld [tilespmem:s29+$0xFFFFFFE0];
	_ =	sdelay $0x1  }
0x256: {  	v2 =	vld [tilespmem:s30+$0xB210];
	_ =	sdelay $0x2  }
0x257: {  	v1 =	vmul.f32 v1, v3;
	_ =	sdelay $0x1  }
0x258: {  	v1 =	vadd.f32 v1, v2;
	_ =	sdelay $0x1  }
0x259: {  	[tilespmem:s30+$0xB210] =	vst v1  }
0x25a: {  	v1 =	vld [tilespmem:s29+$0xFFFFFFF0];
	_ =	sdelay $0x1  }
0x25b: {  	v2 =	vld [tilespmem:s30+$0xB220];
	_ =	sdelay $0x2  }
0x25c: {  	v1 =	vmul.f32 v1, v3;
	_ =	sdelay $0x1  }
0x25d: {  	v1 =	vadd.f32 v1, v2;
	_ =	sdelay $0x1  }
0x25e: {  	[tilespmem:s30+$0xB220] =	vst v1  }
0x25f: {  	v1 =	vld [tilespmem:s29+$0x0];
	_ =	sdelay $0x1  }
0x260: {  	v2 =	vld [tilespmem:s30+$0xB230];
	_ =	sdelay $0x2  }
0x261: {  	v1 =	vmul.f32 v1, v3;
	_ =	sdelay $0x1  }
0x262: {  	v1 =	vadd.f32 v1, v2;
	_ =	sdelay $0x1  }
0x263: {  	[tilespmem:s30+$0xB230] =	vst v1  }
0x264: {  	v1 =	vld [tilespmem:s29+$0x10];
	_ =	sdelay $0x1  }
0x265: {  	v2 =	vld [tilespmem:s30+$0xB240];
	_ =	sdelay $0x2  }
0x266: {  	v1 =	vmul.f32 v1, v3;
	_ =	sdelay $0x1  }
0x267: {  	v1 =	vadd.f32 v1, v2;
	_ =	sdelay $0x1  }
0x268: {  	[tilespmem:s30+$0xB240] =	vst v1  }
0x269: {  	v1 =	vld [tilespmem:s29+$0x20];
	_ =	sdelay $0x1  }
0x26a: {  	v2 =	vld [tilespmem:s30+$0xB250];
	_ =	sdelay $0x2  }
0x26b: {  	v1 =	vmul.f32 v1, v3;
	_ =	sdelay $0x1  }
0x26c: {  	v1 =	vadd.f32 v1, v2;
	_ =	sdelay $0x1  }
0x26d: {  	[tilespmem:s30+$0xB250] =	vst v1  }
0x26e: {  	v4 =	vld [tilespmem:s29+$0x30]  }
.Ltmp6:
0x26f: {  	(pc) =	sbr.rel @p0 .LBB2_14-.Ltmp6, $2  }
0x270: {  	v2 =	vld [tilespmem:s30+$0xB260];
	_ =	sdelay $0x2  }
0x271: {  	s1 =	sadd.s32 $0x1, s1;
	v1 =	vmov s31;
	v3 =	vmul.f32 v4, v3  }
0x272: {  	_ = 	snop  }
0x273: {  	v2 =	vadd.f32 v3, v2;
	_ =	sdelay $0x1  }
0x274: {  	s0 =	smul.u32 $0xCCCD, s31;
	[tilespmem:s30+$0xB260] =	vst v2  }
0x275: {  	s1 =	sadd.s32 $0x80, s29;
	v1 =	vld.idx.msk [tilespmem:v1+s16+$0x0], $0xffff  }
0x276: {  	s0 =	sshrl.u32 s0, $0xB;
	v2 =	vld [tilespmem:s1+$0xFFFFFFD0]  }
0x277: {  	s0 =	sand.u32 $0xFF80, s0  }
0x278: {  	v3 =	vld [tilespmem:s0+$0xB200];
	_ =	sdelay $0x2  }
0x279: {  	v2 =	vmul.f32 v2, v1;
	_ =	sdelay $0x1  }
0x27a: {  	v2 =	vadd.f32 v2, v3;
	_ =	sdelay $0x1  }
0x27b: {  	[tilespmem:s0+$0xB200] =	vst v2  }
0x27c: {  	v2 =	vld [tilespmem:s1+$0xFFFFFFE0];
	_ =	sdelay $0x1  }
0x27d: {  	v3 =	vld [tilespmem:s0+$0xB210];
	_ =	sdelay $0x2  }
0x27e: {  	v2 =	vmul.f32 v2, v1;
	_ =	sdelay $0x1  }
0x27f: {  	v2 =	vadd.f32 v2, v3;
	_ =	sdelay $0x1  }
0x280: {  	[tilespmem:s0+$0xB210] =	vst v2  }
0x281: {  	v2 =	vld [tilespmem:s1+$0xFFFFFFF0];
	_ =	sdelay $0x1  }
0x282: {  	v3 =	vld [tilespmem:s0+$0xB220];
	_ =	sdelay $0x2  }
0x283: {  	v2 =	vmul.f32 v2, v1;
	_ =	sdelay $0x1  }
0x284: {  	v2 =	vadd.f32 v2, v3;
	_ =	sdelay $0x1  }
0x285: {  	[tilespmem:s0+$0xB220] =	vst v2  }
0x286: {  	v2 =	vld [tilespmem:s1+$0x0];
	_ =	sdelay $0x1  }
0x287: {  	v3 =	vld [tilespmem:s0+$0xB230];
	_ =	sdelay $0x2  }
0x288: {  	v2 =	vmul.f32 v2, v1;
	_ =	sdelay $0x1  }
0x289: {  	v2 =	vadd.f32 v2, v3;
	_ =	sdelay $0x1  }
0x28a: {  	[tilespmem:s0+$0xB230] =	vst v2  }
0x28b: {  	v2 =	vld [tilespmem:s1+$0x10];
	_ =	sdelay $0x1  }
0x28c: {  	v3 =	vld [tilespmem:s0+$0xB240];
	_ =	sdelay $0x2  }
0x28d: {  	v2 =	vmul.f32 v2, v1;
	_ =	sdelay $0x1  }
0x28e: {  	v2 =	vadd.f32 v2, v3;
	_ =	sdelay $0x1  }
0x28f: {  	[tilespmem:s0+$0xB240] =	vst v2  }
0x290: {  	v2 =	vld [tilespmem:s1+$0x20];
	_ =	sdelay $0x1  }
0x291: {  	v3 =	vld [tilespmem:s0+$0xB250];
	_ =	sdelay $0x2  }
0x292: {  	v2 =	vmul.f32 v2, v1;
	_ =	sdelay $0x1  }
0x293: {  	v2 =	vadd.f32 v2, v3;
	_ =	sdelay $0x1  }
0x294: {  	[tilespmem:s0+$0xB250] =	vst v2  }
0x295: {  	v2 =	vld [tilespmem:s1+$0x30];
	_ =	sdelay $0x1  }
0x296: {  	v3 =	vld [tilespmem:s0+$0xB260];
	_ =	sdelay $0x2  }
0x297: {  	v1 =	vmul.f32 v2, v1;
	_ =	sdelay $0x1  }
0x298: {  	v1 =	vadd.f32 v1, v3  }
0x299: {  	s1 =	simm.s32 $0x280  }
0x29a: {  	[tilespmem:s0+$0xB260] =	vst v1;
	v1 =	vmov s1  }
0x29b: {  	[tilespmem:s13], [sflag:$0x1] =	stream.indirect.gather [hbm4b:s2+s12], $0x80, s22, s12, $0xb8;
	[tilespmem:$0x13200] =	vst v63  }
0x29c: {  	_ =	swait.ge [sflag:s18], $0x4000  }
0x29d: {  	[sflag:s18] =	ssyncset.done $0x0  }
0x29e: {  	s1 =	smul.u32 $0xCCCD, s1;
	[sflag:s18] =	ssyncadd.s32 $0xFFFFC000  }
0x29f: {  	s29 =	simm.s32 $0x7230;
	v3 =	vld.idx.msk [tilespmem:v1+s16+$0x0], $0xffff  }
0x2a0: {  	s0 =	sshrl.u32 s1, $0xB;
	v1 =	vld [tilespmem:s29+$0xFFFFFFD0]  }
0x2a1: {  	s30 =	sand.u32 $0xFF80, s0  }
0x2a2: {  	v2 =	vld [tilespmem:s30+$0xB200];
	_ =	sdelay $0x2  }
0x2a3: {  	v1 =	vmul.f32 v1, v3;
	_ =	sdelay $0x1  }
0x2a4: {  	v1 =	vadd.f32 v1, v2;
	_ =	sdelay $0x1  }
0x2a5: {  	[tilespmem:s30+$0xB200] =	vst v1  }
0x2a6: {  	v1 =	vld [tilespmem:s29+$0xFFFFFFE0];
	_ =	sdelay $0x1  }
0x2a7: {  	v2 =	vld [tilespmem:s30+$0xB210];
	_ =	sdelay $0x2  }
0x2a8: {  	v1 =	vmul.f32 v1, v3;
	_ =	sdelay $0x1  }
0x2a9: {  	v1 =	vadd.f32 v1, v2;
	_ =	sdelay $0x1  }
0x2aa: {  	[tilespmem:s30+$0xB210] =	vst v1  }
0x2ab: {  	v1 =	vld [tilespmem:s29+$0xFFFFFFF0];
	_ =	sdelay $0x1  }
0x2ac: {  	v2 =	vld [tilespmem:s30+$0xB220];
	_ =	sdelay $0x2  }
0x2ad: {  	v1 =	vmul.f32 v1, v3;
	_ =	sdelay $0x1  }
0x2ae: {  	v1 =	vadd.f32 v1, v2;
	_ =	sdelay $0x1  }
0x2af: {  	[tilespmem:s30+$0xB220] =	vst v1  }
0x2b0: {  	v1 =	vld [tilespmem:s29+$0x0];
	_ =	sdelay $0x1  }
0x2b1: {  	v2 =	vld [tilespmem:s30+$0xB230];
	_ =	sdelay $0x2  }
0x2b2: {  	v1 =	vmul.f32 v1, v3;
	_ =	sdelay $0x1  }
0x2b3: {  	v1 =	vadd.f32 v1, v2;
	_ =	sdelay $0x1  }
0x2b4: {  	[tilespmem:s30+$0xB230] =	vst v1  }
0x2b5: {  	v1 =	vld [tilespmem:s29+$0x10];
	_ =	sdelay $0x1  }
0x2b6: {  	v2 =	vld [tilespmem:s30+$0xB240];
	_ =	sdelay $0x2  }
0x2b7: {  	v1 =	vmul.f32 v1, v3;
	_ =	sdelay $0x1  }
0x2b8: {  	v1 =	vadd.f32 v1, v2;
	_ =	sdelay $0x1  }
0x2b9: {  	[tilespmem:s30+$0xB240] =	vst v1  }
0x2ba: {  	v1 =	vld [tilespmem:s29+$0x20];
	_ =	sdelay $0x1  }
0x2bb: {  	v2 =	vld [tilespmem:s30+$0xB250];
	_ =	sdelay $0x2  }
0x2bc: {  	v1 =	vmul.f32 v1, v3;
	_ =	sdelay $0x1  }
0x2bd: {  	v1 =	vadd.f32 v1, v2;
	_ =	sdelay $0x1  }
0x2be: {  	[tilespmem:s30+$0xB250] =	vst v1  }
0x2bf: {  	v4 =	vld [tilespmem:s29+$0x30];
	_ =	sdelay $0x1  }
0x2c0: {  	v2 =	vld [tilespmem:s30+$0xB260];
	_ =	sdelay $0x1  }
0x2c1: {  	s31 =	simm.s32 $0x281  }
0x2c2: {  	s1 =	simm.s32 $0x282;
	v1 =	vmov s31;
	v3 =	vmul.f32 v4, v3  }
.LBB2_16:
0x2c3: {  	p0 =	sne.s32 s1, $0x2FF  }
0x2c4: {  	v2 =	vadd.f32 v3, v2;
	_ =	sdelay $0x1  }
0x2c5: {  	s0 =	smul.u32 $0xCCCD, s31;
	s31 =	smov.u32 s1;
	[tilespmem:s30+$0xB260] =	vst v2  }
0x2c6: {  	s29 =	sadd.s32 $0x80, s29;
	v3 =	vld.idx.msk [tilespmem:v1+s16+$0x0], $0xffff  }
0x2c7: {  	s0 =	sshrl.u32 s0, $0xB;
	v1 =	vld [tilespmem:s29+$0xFFFFFFD0]  }
0x2c8: {  	s30 =	sand.u32 $0xFF80, s0  }
0x2c9: {  	v2 =	vld [tilespmem:s30+$0xB200];
	_ =	sdelay $0x2  }
0x2ca: {  	v1 =	vmul.f32 v1, v3;
	_ =	sdelay $0x1  }
0x2cb: {  	v1 =	vadd.f32 v1, v2;
	_ =	sdelay $0x1  }
0x2cc: {  	[tilespmem:s30+$0xB200] =	vst v1  }
0x2cd: {  	v1 =	vld [tilespmem:s29+$0xFFFFFFE0];
	_ =	sdelay $0x1  }
0x2ce: {  	v2 =	vld [tilespmem:s30+$0xB210];
	_ =	sdelay $0x2  }
0x2cf: {  	v1 =	vmul.f32 v1, v3;
	_ =	sdelay $0x1  }
0x2d0: {  	v1 =	vadd.f32 v1, v2;
	_ =	sdelay $0x1  }
0x2d1: {  	[tilespmem:s30+$0xB210] =	vst v1  }
0x2d2: {  	v1 =	vld [tilespmem:s29+$0xFFFFFFF0];
	_ =	sdelay $0x1  }
0x2d3: {  	v2 =	vld [tilespmem:s30+$0xB220];
	_ =	sdelay $0x2  }
0x2d4: {  	v1 =	vmul.f32 v1, v3;
	_ =	sdelay $0x1  }
0x2d5: {  	v1 =	vadd.f32 v1, v2;
	_ =	sdelay $0x1  }
0x2d6: {  	[tilespmem:s30+$0xB220] =	vst v1  }
0x2d7: {  	v1 =	vld [tilespmem:s29+$0x0];
	_ =	sdelay $0x1  }
0x2d8: {  	v2 =	vld [tilespmem:s30+$0xB230];
	_ =	sdelay $0x2  }
0x2d9: {  	v1 =	vmul.f32 v1, v3;
	_ =	sdelay $0x1  }
0x2da: {  	v1 =	vadd.f32 v1, v2;
	_ =	sdelay $0x1  }
0x2db: {  	[tilespmem:s30+$0xB230] =	vst v1  }
0x2dc: {  	v1 =	vld [tilespmem:s29+$0x10];
	_ =	sdelay $0x1  }
0x2dd: {  	v2 =	vld [tilespmem:s30+$0xB240];
	_ =	sdelay $0x2  }
0x2de: {  	v1 =	vmul.f32 v1, v3;
	_ =	sdelay $0x1  }
0x2df: {  	v1 =	vadd.f32 v1, v2;
	_ =	sdelay $0x1  }
0x2e0: {  	[tilespmem:s30+$0xB240] =	vst v1  }
0x2e1: {  	v1 =	vld [tilespmem:s29+$0x20];
	_ =	sdelay $0x1  }
0x2e2: {  	v2 =	vld [tilespmem:s30+$0xB250];
	_ =	sdelay $0x2  }
0x2e3: {  	v1 =	vmul.f32 v1, v3;
	_ =	sdelay $0x1  }
0x2e4: {  	v1 =	vadd.f32 v1, v2;
	_ =	sdelay $0x1  }
0x2e5: {  	[tilespmem:s30+$0xB250] =	vst v1  }
0x2e6: {  	v4 =	vld [tilespmem:s29+$0x30]  }
.Ltmp7:
0x2e7: {  	(pc) =	sbr.rel @p0 .LBB2_16-.Ltmp7, $2  }
0x2e8: {  	v2 =	vld [tilespmem:s30+$0xB260];
	_ =	sdelay $0x2  }
0x2e9: {  	s1 =	sadd.s32 $0x1, s1;
	v1 =	vmov s31;
	v3 =	vmul.f32 v4, v3  }
0x2ea: {  	_ = 	snop  }
0x2eb: {  	v2 =	vadd.f32 v3, v2;
	_ =	sdelay $0x1  }
0x2ec: {  	s0 =	smul.u32 $0xCCCD, s31;
	[tilespmem:s30+$0xB260] =	vst v2  }
0x2ed: {  	s1 =	sadd.s32 $0x80, s29;
	v1 =	vld.idx.msk [tilespmem:v1+s16+$0x0], $0xffff  }
0x2ee: {  	s0 =	sshrl.u32 s0, $0xB;
	v2 =	vld [tilespmem:s1+$0xFFFFFFD0]  }
0x2ef: {  	s0 =	sand.u32 $0xFF80, s0  }
0x2f0: {  	v3 =	vld [tilespmem:s0+$0xB200];
	_ =	sdelay $0x2  }
0x2f1: {  	v2 =	vmul.f32 v2, v1;
	_ =	sdelay $0x1  }
0x2f2: {  	v2 =	vadd.f32 v2, v3;
	_ =	sdelay $0x1  }
0x2f3: {  	[tilespmem:s0+$0xB200] =	vst v2  }
0x2f4: {  	v2 =	vld [tilespmem:s1+$0xFFFFFFE0];
	_ =	sdelay $0x1  }
0x2f5: {  	v3 =	vld [tilespmem:s0+$0xB210];
	_ =	sdelay $0x2  }
0x2f6: {  	v2 =	vmul.f32 v2, v1;
	_ =	sdelay $0x1  }
0x2f7: {  	v2 =	vadd.f32 v2, v3;
	_ =	sdelay $0x1  }
0x2f8: {  	[tilespmem:s0+$0xB210] =	vst v2  }
0x2f9: {  	v2 =	vld [tilespmem:s1+$0xFFFFFFF0];
	_ =	sdelay $0x1  }
0x2fa: {  	v3 =	vld [tilespmem:s0+$0xB220];
	_ =	sdelay $0x2  }
0x2fb: {  	v2 =	vmul.f32 v2, v1;
	_ =	sdelay $0x1  }
0x2fc: {  	v2 =	vadd.f32 v2, v3;
	_ =	sdelay $0x1  }
0x2fd: {  	[tilespmem:s0+$0xB220] =	vst v2  }
0x2fe: {  	v2 =	vld [tilespmem:s1+$0x0];
	_ =	sdelay $0x1  }
0x2ff: {  	v3 =	vld [tilespmem:s0+$0xB230];
	_ =	sdelay $0x2  }
0x300: {  	v2 =	vmul.f32 v2, v1;
	_ =	sdelay $0x1  }
0x301: {  	v2 =	vadd.f32 v2, v3;
	_ =	sdelay $0x1  }
0x302: {  	[tilespmem:s0+$0xB230] =	vst v2  }
0x303: {  	v2 =	vld [tilespmem:s1+$0x10];
	_ =	sdelay $0x1  }
0x304: {  	v3 =	vld [tilespmem:s0+$0xB240];
	_ =	sdelay $0x2  }
0x305: {  	v2 =	vmul.f32 v2, v1;
	_ =	sdelay $0x1  }
0x306: {  	v2 =	vadd.f32 v2, v3;
	_ =	sdelay $0x1  }
0x307: {  	[tilespmem:s0+$0xB240] =	vst v2  }
0x308: {  	v2 =	vld [tilespmem:s1+$0x20];
	_ =	sdelay $0x1  }
0x309: {  	v3 =	vld [tilespmem:s0+$0xB250];
	_ =	sdelay $0x2  }
0x30a: {  	v2 =	vmul.f32 v2, v1;
	_ =	sdelay $0x1  }
0x30b: {  	v2 =	vadd.f32 v2, v3;
	_ =	sdelay $0x1  }
0x30c: {  	[tilespmem:s0+$0xB250] =	vst v2  }
0x30d: {  	v2 =	vld [tilespmem:s1+$0x30];
	_ =	sdelay $0x1  }
0x30e: {  	v3 =	vld [tilespmem:s0+$0xB260];
	_ =	sdelay $0x2  }
0x30f: {  	v1 =	vmul.f32 v2, v1;
	_ =	sdelay $0x1  }
0x310: {  	v1 =	vadd.f32 v1, v3  }
0x311: {  	s1 =	simm.s32 $0x300  }
0x312: {  	[tilespmem:s0+$0xB260] =	vst v1;
	v1 =	vmov s1  }
0x313: {  	[tilespmem:s14], [sflag:$0x2] =	stream.indirect.gather [hbm4b:s2+s12], $0x80, s23, s12, $0xb8;
	[tilespmem:$0x13200] =	vst v63  }
0x314: {  	_ =	swait.ge [sflag:s15], $0x4000  }
0x315: {  	[sflag:s15] =	ssyncset.done $0x0  }
0x316: {  	s1 =	smul.u32 $0xCCCD, s1;
	[sflag:s15] =	ssyncadd.s32 $0xFFFFC000  }
0x317: {  	s29 =	simm.s32 $0x3230;
	v3 =	vld.idx.msk [tilespmem:v1+s16+$0x0], $0xffff  }
0x318: {  	s0 =	sshrl.u32 s1, $0xB;
	v1 =	vld [tilespmem:s29+$0xFFFFFFD0]  }
0x319: {  	s30 =	sand.u32 $0xFF80, s0  }
0x31a: {  	v2 =	vld [tilespmem:s30+$0xB200];
	_ =	sdelay $0x2  }
0x31b: {  	v1 =	vmul.f32 v1, v3;
	_ =	sdelay $0x1  }
0x31c: {  	v1 =	vadd.f32 v1, v2;
	_ =	sdelay $0x1  }
0x31d: {  	[tilespmem:s30+$0xB200] =	vst v1  }
0x31e: {  	v1 =	vld [tilespmem:s29+$0xFFFFFFE0];
	_ =	sdelay $0x1  }
0x31f: {  	v2 =	vld [tilespmem:s30+$0xB210];
	_ =	sdelay $0x2  }
0x320: {  	v1 =	vmul.f32 v1, v3;
	_ =	sdelay $0x1  }
0x321: {  	v1 =	vadd.f32 v1, v2;
	_ =	sdelay $0x1  }
0x322: {  	[tilespmem:s30+$0xB210] =	vst v1  }
0x323: {  	v1 =	vld [tilespmem:s29+$0xFFFFFFF0];
	_ =	sdelay $0x1  }
0x324: {  	v2 =	vld [tilespmem:s30+$0xB220];
	_ =	sdelay $0x2  }
0x325: {  	v1 =	vmul.f32 v1, v3;
	_ =	sdelay $0x1  }
0x326: {  	v1 =	vadd.f32 v1, v2;
	_ =	sdelay $0x1  }
0x327: {  	[tilespmem:s30+$0xB220] =	vst v1  }
0x328: {  	v1 =	vld [tilespmem:s29+$0x0];
	_ =	sdelay $0x1  }
0x329: {  	v2 =	vld [tilespmem:s30+$0xB230];
	_ =	sdelay $0x2  }
0x32a: {  	v1 =	vmul.f32 v1, v3;
	_ =	sdelay $0x1  }
0x32b: {  	v1 =	vadd.f32 v1, v2;
	_ =	sdelay $0x1  }
0x32c: {  	[tilespmem:s30+$0xB230] =	vst v1  }
0x32d: {  	v1 =	vld [tilespmem:s29+$0x10];
	_ =	sdelay $0x1  }
0x32e: {  	v2 =	vld [tilespmem:s30+$0xB240];
	_ =	sdelay $0x2  }
0x32f: {  	v1 =	vmul.f32 v1, v3;
	_ =	sdelay $0x1  }
0x330: {  	v1 =	vadd.f32 v1, v2;
	_ =	sdelay $0x1  }
0x331: {  	[tilespmem:s30+$0xB240] =	vst v1  }
0x332: {  	v1 =	vld [tilespmem:s29+$0x20];
	_ =	sdelay $0x1  }
0x333: {  	v2 =	vld [tilespmem:s30+$0xB250];
	_ =	sdelay $0x2  }
0x334: {  	v1 =	vmul.f32 v1, v3;
	_ =	sdelay $0x1  }
0x335: {  	v1 =	vadd.f32 v1, v2;
	_ =	sdelay $0x1  }
0x336: {  	[tilespmem:s30+$0xB250] =	vst v1  }
0x337: {  	v4 =	vld [tilespmem:s29+$0x30];
	_ =	sdelay $0x1  }
0x338: {  	v2 =	vld [tilespmem:s30+$0xB260];
	_ =	sdelay $0x1  }
0x339: {  	s31 =	simm.s32 $0x301  }
0x33a: {  	s1 =	simm.s32 $0x302;
	v1 =	vmov s31;
	v3 =	vmul.f32 v4, v3  }
.LBB2_18:
0x33b: {  	p0 =	sne.s32 s1, $0x37F  }
0x33c: {  	v2 =	vadd.f32 v3, v2;
	_ =	sdelay $0x1  }
0x33d: {  	s0 =	smul.u32 $0xCCCD, s31;
	s31 =	smov.u32 s1;
	[tilespmem:s30+$0xB260] =	vst v2  }
0x33e: {  	s29 =	sadd.s32 $0x80, s29;
	v3 =	vld.idx.msk [tilespmem:v1+s16+$0x0], $0xffff  }
0x33f: {  	s0 =	sshrl.u32 s0, $0xB;
	v1 =	vld [tilespmem:s29+$0xFFFFFFD0]  }
0x340: {  	s30 =	sand.u32 $0xFF80, s0  }
0x341: {  	v2 =	vld [tilespmem:s30+$0xB200];
	_ =	sdelay $0x2  }
0x342: {  	v1 =	vmul.f32 v1, v3;
	_ =	sdelay $0x1  }
0x343: {  	v1 =	vadd.f32 v1, v2;
	_ =	sdelay $0x1  }
0x344: {  	[tilespmem:s30+$0xB200] =	vst v1  }
0x345: {  	v1 =	vld [tilespmem:s29+$0xFFFFFFE0];
	_ =	sdelay $0x1  }
0x346: {  	v2 =	vld [tilespmem:s30+$0xB210];
	_ =	sdelay $0x2  }
0x347: {  	v1 =	vmul.f32 v1, v3;
	_ =	sdelay $0x1  }
0x348: {  	v1 =	vadd.f32 v1, v2;
	_ =	sdelay $0x1  }
0x349: {  	[tilespmem:s30+$0xB210] =	vst v1  }
0x34a: {  	v1 =	vld [tilespmem:s29+$0xFFFFFFF0];
	_ =	sdelay $0x1  }
0x34b: {  	v2 =	vld [tilespmem:s30+$0xB220];
	_ =	sdelay $0x2  }
0x34c: {  	v1 =	vmul.f32 v1, v3;
	_ =	sdelay $0x1  }
0x34d: {  	v1 =	vadd.f32 v1, v2;
	_ =	sdelay $0x1  }
0x34e: {  	[tilespmem:s30+$0xB220] =	vst v1  }
0x34f: {  	v1 =	vld [tilespmem:s29+$0x0];
	_ =	sdelay $0x1  }
0x350: {  	v2 =	vld [tilespmem:s30+$0xB230];
	_ =	sdelay $0x2  }
0x351: {  	v1 =	vmul.f32 v1, v3;
	_ =	sdelay $0x1  }
0x352: {  	v1 =	vadd.f32 v1, v2;
	_ =	sdelay $0x1  }
0x353: {  	[tilespmem:s30+$0xB230] =	vst v1  }
0x354: {  	v1 =	vld [tilespmem:s29+$0x10];
	_ =	sdelay $0x1  }
0x355: {  	v2 =	vld [tilespmem:s30+$0xB240];
	_ =	sdelay $0x2  }
0x356: {  	v1 =	vmul.f32 v1, v3;
	_ =	sdelay $0x1  }
0x357: {  	v1 =	vadd.f32 v1, v2;
	_ =	sdelay $0x1  }
0x358: {  	[tilespmem:s30+$0xB240] =	vst v1  }
0x359: {  	v1 =	vld [tilespmem:s29+$0x20];
	_ =	sdelay $0x1  }
0x35a: {  	v2 =	vld [tilespmem:s30+$0xB250];
	_ =	sdelay $0x2  }
0x35b: {  	v1 =	vmul.f32 v1, v3;
	_ =	sdelay $0x1  }
0x35c: {  	v1 =	vadd.f32 v1, v2;
	_ =	sdelay $0x1  }
0x35d: {  	[tilespmem:s30+$0xB250] =	vst v1  }
0x35e: {  	v4 =	vld [tilespmem:s29+$0x30]  }
.Ltmp8:
0x35f: {  	(pc) =	sbr.rel @p0 .LBB2_18-.Ltmp8, $2  }
0x360: {  	v2 =	vld [tilespmem:s30+$0xB260];
	_ =	sdelay $0x2  }
0x361: {  	s1 =	sadd.s32 $0x1, s1;
	v1 =	vmov s31;
	v3 =	vmul.f32 v4, v3  }
0x362: {  	_ = 	snop  }
0x363: {  	v2 =	vadd.f32 v3, v2;
	_ =	sdelay $0x1  }
0x364: {  	s0 =	smul.u32 $0xCCCD, s31;
	[tilespmem:s30+$0xB260] =	vst v2  }
0x365: {  	s1 =	sadd.s32 $0x80, s29;
	v1 =	vld.idx.msk [tilespmem:v1+s16+$0x0], $0xffff  }
0x366: {  	s0 =	sshrl.u32 s0, $0xB;
	v2 =	vld [tilespmem:s1+$0xFFFFFFD0]  }
0x367: {  	s0 =	sand.u32 $0xFF80, s0  }
0x368: {  	v3 =	vld [tilespmem:s0+$0xB200];
	_ =	sdelay $0x2  }
0x369: {  	v2 =	vmul.f32 v2, v1;
	_ =	sdelay $0x1  }
0x36a: {  	v2 =	vadd.f32 v2, v3;
	_ =	sdelay $0x1  }
0x36b: {  	[tilespmem:s0+$0xB200] =	vst v2  }
0x36c: {  	v2 =	vld [tilespmem:s1+$0xFFFFFFE0];
	_ =	sdelay $0x1  }
0x36d: {  	v3 =	vld [tilespmem:s0+$0xB210];
	_ =	sdelay $0x2  }
0x36e: {  	v2 =	vmul.f32 v2, v1;
	_ =	sdelay $0x1  }
0x36f: {  	v2 =	vadd.f32 v2, v3;
	_ =	sdelay $0x1  }
0x370: {  	[tilespmem:s0+$0xB210] =	vst v2  }
0x371: {  	v2 =	vld [tilespmem:s1+$0xFFFFFFF0];
	_ =	sdelay $0x1  }
0x372: {  	v3 =	vld [tilespmem:s0+$0xB220];
	_ =	sdelay $0x2  }
0x373: {  	v2 =	vmul.f32 v2, v1;
	_ =	sdelay $0x1  }
0x374: {  	v2 =	vadd.f32 v2, v3;
	_ =	sdelay $0x1  }
0x375: {  	[tilespmem:s0+$0xB220] =	vst v2  }
0x376: {  	v2 =	vld [tilespmem:s1+$0x0];
	_ =	sdelay $0x1  }
0x377: {  	v3 =	vld [tilespmem:s0+$0xB230];
	_ =	sdelay $0x2  }
0x378: {  	v2 =	vmul.f32 v2, v1;
	_ =	sdelay $0x1  }
0x379: {  	v2 =	vadd.f32 v2, v3;
	_ =	sdelay $0x1  }
0x37a: {  	[tilespmem:s0+$0xB230] =	vst v2  }
0x37b: {  	v2 =	vld [tilespmem:s1+$0x10];
	_ =	sdelay $0x1  }
0x37c: {  	v3 =	vld [tilespmem:s0+$0xB240];
	_ =	sdelay $0x2  }
0x37d: {  	v2 =	vmul.f32 v2, v1;
	_ =	sdelay $0x1  }
0x37e: {  	v2 =	vadd.f32 v2, v3;
	_ =	sdelay $0x1  }
0x37f: {  	[tilespmem:s0+$0xB240] =	vst v2  }
0x380: {  	v2 =	vld [tilespmem:s1+$0x20];
	_ =	sdelay $0x1  }
0x381: {  	v3 =	vld [tilespmem:s0+$0xB250];
	_ =	sdelay $0x2  }
0x382: {  	v2 =	vmul.f32 v2, v1;
	_ =	sdelay $0x1  }
0x383: {  	v2 =	vadd.f32 v2, v3;
	_ =	sdelay $0x1  }
0x384: {  	[tilespmem:s0+$0xB250] =	vst v2  }
0x385: {  	v2 =	vld [tilespmem:s1+$0x30];
	_ =	sdelay $0x1  }
0x386: {  	v3 =	vld [tilespmem:s0+$0xB260];
	_ =	sdelay $0x2  }
0x387: {  	v1 =	vmul.f32 v2, v1;
	_ =	sdelay $0x1  }
0x388: {  	v1 =	vadd.f32 v1, v3  }
0x389: {  	s1 =	simm.s32 $0x380  }
0x38a: {  	[tilespmem:s0+$0xB260] =	vst v1;
	v1 =	vmov s1  }
0x38b: {  	[tilespmem:s13], [sflag:$0x1] =	stream.indirect.gather [hbm4b:s2+s12], $0x80, s24, s12, $0xb8;
	[tilespmem:$0x13200] =	vst v63  }
0x38c: {  	_ =	swait.ge [sflag:s18], $0x4000  }
0x38d: {  	[sflag:s18] =	ssyncset.done $0x0  }
0x38e: {  	s1 =	smul.u32 $0xCCCD, s1;
	[sflag:s18] =	ssyncadd.s32 $0xFFFFC000  }
0x38f: {  	s29 =	simm.s32 $0x7230;
	v3 =	vld.idx.msk [tilespmem:v1+s16+$0x0], $0xffff  }
0x390: {  	s0 =	sshrl.u32 s1, $0xB;
	v1 =	vld [tilespmem:s29+$0xFFFFFFD0]  }
0x391: {  	s30 =	sand.u32 $0xFF80, s0  }
0x392: {  	v2 =	vld [tilespmem:s30+$0xB200];
	_ =	sdelay $0x2  }
0x393: {  	v1 =	vmul.f32 v1, v3;
	_ =	sdelay $0x1  }
0x394: {  	v1 =	vadd.f32 v1, v2;
	_ =	sdelay $0x1  }
0x395: {  	[tilespmem:s30+$0xB200] =	vst v1  }
0x396: {  	v1 =	vld [tilespmem:s29+$0xFFFFFFE0];
	_ =	sdelay $0x1  }
0x397: {  	v2 =	vld [tilespmem:s30+$0xB210];
	_ =	sdelay $0x2  }
0x398: {  	v1 =	vmul.f32 v1, v3;
	_ =	sdelay $0x1  }
0x399: {  	v1 =	vadd.f32 v1, v2;
	_ =	sdelay $0x1  }
0x39a: {  	[tilespmem:s30+$0xB210] =	vst v1  }
0x39b: {  	v1 =	vld [tilespmem:s29+$0xFFFFFFF0];
	_ =	sdelay $0x1  }
0x39c: {  	v2 =	vld [tilespmem:s30+$0xB220];
	_ =	sdelay $0x2  }
0x39d: {  	v1 =	vmul.f32 v1, v3;
	_ =	sdelay $0x1  }
0x39e: {  	v1 =	vadd.f32 v1, v2;
	_ =	sdelay $0x1  }
0x39f: {  	[tilespmem:s30+$0xB220] =	vst v1  }
0x3a0: {  	v1 =	vld [tilespmem:s29+$0x0];
	_ =	sdelay $0x1  }
0x3a1: {  	v2 =	vld [tilespmem:s30+$0xB230];
	_ =	sdelay $0x2  }
0x3a2: {  	v1 =	vmul.f32 v1, v3;
	_ =	sdelay $0x1  }
0x3a3: {  	v1 =	vadd.f32 v1, v2;
	_ =	sdelay $0x1  }
0x3a4: {  	[tilespmem:s30+$0xB230] =	vst v1  }
0x3a5: {  	v1 =	vld [tilespmem:s29+$0x10];
	_ =	sdelay $0x1  }
0x3a6: {  	v2 =	vld [tilespmem:s30+$0xB240];
	_ =	sdelay $0x2  }
0x3a7: {  	v1 =	vmul.f32 v1, v3;
	_ =	sdelay $0x1  }
0x3a8: {  	v1 =	vadd.f32 v1, v2;
	_ =	sdelay $0x1  }
0x3a9: {  	[tilespmem:s30+$0xB240] =	vst v1  }
0x3aa: {  	v1 =	vld [tilespmem:s29+$0x20];
	_ =	sdelay $0x1  }
0x3ab: {  	v2 =	vld [tilespmem:s30+$0xB250];
	_ =	sdelay $0x2  }
0x3ac: {  	v1 =	vmul.f32 v1, v3;
	_ =	sdelay $0x1  }
0x3ad: {  	v1 =	vadd.f32 v1, v2;
	_ =	sdelay $0x1  }
0x3ae: {  	[tilespmem:s30+$0xB250] =	vst v1  }
0x3af: {  	v4 =	vld [tilespmem:s29+$0x30];
	_ =	sdelay $0x1  }
0x3b0: {  	v2 =	vld [tilespmem:s30+$0xB260];
	_ =	sdelay $0x1  }
0x3b1: {  	s31 =	simm.s32 $0x381  }
0x3b2: {  	s1 =	simm.s32 $0x382;
	v1 =	vmov s31;
	v3 =	vmul.f32 v4, v3  }
.LBB2_20:
0x3b3: {  	p0 =	sne.s32 s1, $0x3FF  }
0x3b4: {  	v2 =	vadd.f32 v3, v2;
	_ =	sdelay $0x1  }
0x3b5: {  	s0 =	smul.u32 $0xCCCD, s31;
	s31 =	smov.u32 s1;
	[tilespmem:s30+$0xB260] =	vst v2  }
0x3b6: {  	s29 =	sadd.s32 $0x80, s29;
	v3 =	vld.idx.msk [tilespmem:v1+s16+$0x0], $0xffff  }
0x3b7: {  	s0 =	sshrl.u32 s0, $0xB;
	v1 =	vld [tilespmem:s29+$0xFFFFFFD0]  }
0x3b8: {  	s30 =	sand.u32 $0xFF80, s0  }
0x3b9: {  	v2 =	vld [tilespmem:s30+$0xB200];
	_ =	sdelay $0x2  }
0x3ba: {  	v1 =	vmul.f32 v1, v3;
	_ =	sdelay $0x1  }
0x3bb: {  	v1 =	vadd.f32 v1, v2;
	_ =	sdelay $0x1  }
0x3bc: {  	[tilespmem:s30+$0xB200] =	vst v1  }
0x3bd: {  	v1 =	vld [tilespmem:s29+$0xFFFFFFE0];
	_ =	sdelay $0x1  }
0x3be: {  	v2 =	vld [tilespmem:s30+$0xB210];
	_ =	sdelay $0x2  }
0x3bf: {  	v1 =	vmul.f32 v1, v3;
	_ =	sdelay $0x1  }
0x3c0: {  	v1 =	vadd.f32 v1, v2;
	_ =	sdelay $0x1  }
0x3c1: {  	[tilespmem:s30+$0xB210] =	vst v1  }
0x3c2: {  	v1 =	vld [tilespmem:s29+$0xFFFFFFF0];
	_ =	sdelay $0x1  }
0x3c3: {  	v2 =	vld [tilespmem:s30+$0xB220];
	_ =	sdelay $0x2  }
0x3c4: {  	v1 =	vmul.f32 v1, v3;
	_ =	sdelay $0x1  }
0x3c5: {  	v1 =	vadd.f32 v1, v2;
	_ =	sdelay $0x1  }
0x3c6: {  	[tilespmem:s30+$0xB220] =	vst v1  }
0x3c7: {  	v1 =	vld [tilespmem:s29+$0x0];
	_ =	sdelay $0x1  }
0x3c8: {  	v2 =	vld [tilespmem:s30+$0xB230];
	_ =	sdelay $0x2  }
0x3c9: {  	v1 =	vmul.f32 v1, v3;
	_ =	sdelay $0x1  }
0x3ca: {  	v1 =	vadd.f32 v1, v2;
	_ =	sdelay $0x1  }
0x3cb: {  	[tilespmem:s30+$0xB230] =	vst v1  }
0x3cc: {  	v1 =	vld [tilespmem:s29+$0x10];
	_ =	sdelay $0x1  }
0x3cd: {  	v2 =	vld [tilespmem:s30+$0xB240];
	_ =	sdelay $0x2  }
0x3ce: {  	v1 =	vmul.f32 v1, v3;
	_ =	sdelay $0x1  }
0x3cf: {  	v1 =	vadd.f32 v1, v2;
	_ =	sdelay $0x1  }
0x3d0: {  	[tilespmem:s30+$0xB240] =	vst v1  }
0x3d1: {  	v1 =	vld [tilespmem:s29+$0x20];
	_ =	sdelay $0x1  }
0x3d2: {  	v2 =	vld [tilespmem:s30+$0xB250];
	_ =	sdelay $0x2  }
0x3d3: {  	v1 =	vmul.f32 v1, v3;
	_ =	sdelay $0x1  }
0x3d4: {  	v1 =	vadd.f32 v1, v2;
	_ =	sdelay $0x1  }
0x3d5: {  	[tilespmem:s30+$0xB250] =	vst v1  }
0x3d6: {  	v4 =	vld [tilespmem:s29+$0x30]  }
.Ltmp9:
0x3d7: {  	(pc) =	sbr.rel @p0 .LBB2_20-.Ltmp9, $2  }
0x3d8: {  	v2 =	vld [tilespmem:s30+$0xB260];
	_ =	sdelay $0x2  }
0x3d9: {  	s1 =	sadd.s32 $0x1, s1;
	v1 =	vmov s31;
	v3 =	vmul.f32 v4, v3  }
0x3da: {  	_ = 	snop  }
0x3db: {  	v2 =	vadd.f32 v3, v2;
	_ =	sdelay $0x1  }
0x3dc: {  	s0 =	smul.u32 $0xCCCD, s31;
	[tilespmem:s30+$0xB260] =	vst v2  }
0x3dd: {  	s1 =	sadd.s32 $0x80, s29;
	v1 =	vld.idx.msk [tilespmem:v1+s16+$0x0], $0xffff  }
0x3de: {  	s0 =	sshrl.u32 s0, $0xB;
	v2 =	vld [tilespmem:s1+$0xFFFFFFD0]  }
0x3df: {  	s0 =	sand.u32 $0xFF80, s0  }
0x3e0: {  	v3 =	vld [tilespmem:s0+$0xB200];
	_ =	sdelay $0x2  }
0x3e1: {  	v2 =	vmul.f32 v2, v1;
	_ =	sdelay $0x1  }
0x3e2: {  	v2 =	vadd.f32 v2, v3;
	_ =	sdelay $0x1  }
0x3e3: {  	[tilespmem:s0+$0xB200] =	vst v2  }
0x3e4: {  	v2 =	vld [tilespmem:s1+$0xFFFFFFE0];
	_ =	sdelay $0x1  }
0x3e5: {  	v3 =	vld [tilespmem:s0+$0xB210];
	_ =	sdelay $0x2  }
0x3e6: {  	v2 =	vmul.f32 v2, v1;
	_ =	sdelay $0x1  }
0x3e7: {  	v2 =	vadd.f32 v2, v3;
	_ =	sdelay $0x1  }
0x3e8: {  	[tilespmem:s0+$0xB210] =	vst v2  }
0x3e9: {  	v2 =	vld [tilespmem:s1+$0xFFFFFFF0];
	_ =	sdelay $0x1  }
0x3ea: {  	v3 =	vld [tilespmem:s0+$0xB220];
	_ =	sdelay $0x2  }
0x3eb: {  	v2 =	vmul.f32 v2, v1;
	_ =	sdelay $0x1  }
0x3ec: {  	v2 =	vadd.f32 v2, v3;
	_ =	sdelay $0x1  }
0x3ed: {  	[tilespmem:s0+$0xB220] =	vst v2  }
0x3ee: {  	v2 =	vld [tilespmem:s1+$0x0];
	_ =	sdelay $0x1  }
0x3ef: {  	v3 =	vld [tilespmem:s0+$0xB230];
	_ =	sdelay $0x2  }
0x3f0: {  	v2 =	vmul.f32 v2, v1;
	_ =	sdelay $0x1  }
0x3f1: {  	v2 =	vadd.f32 v2, v3;
	_ =	sdelay $0x1  }
0x3f2: {  	[tilespmem:s0+$0xB230] =	vst v2  }
0x3f3: {  	v2 =	vld [tilespmem:s1+$0x10];
	_ =	sdelay $0x1  }
0x3f4: {  	v3 =	vld [tilespmem:s0+$0xB240];
	_ =	sdelay $0x2  }
0x3f5: {  	v2 =	vmul.f32 v2, v1;
	_ =	sdelay $0x1  }
0x3f6: {  	v2 =	vadd.f32 v2, v3;
	_ =	sdelay $0x1  }
0x3f7: {  	[tilespmem:s0+$0xB240] =	vst v2  }
0x3f8: {  	v2 =	vld [tilespmem:s1+$0x20];
	_ =	sdelay $0x1  }
0x3f9: {  	v3 =	vld [tilespmem:s0+$0xB250];
	_ =	sdelay $0x2  }
0x3fa: {  	v2 =	vmul.f32 v2, v1;
	_ =	sdelay $0x1  }
0x3fb: {  	v2 =	vadd.f32 v2, v3;
	_ =	sdelay $0x1  }
0x3fc: {  	[tilespmem:s0+$0xB250] =	vst v2  }
0x3fd: {  	v2 =	vld [tilespmem:s1+$0x30];
	_ =	sdelay $0x1  }
0x3fe: {  	v3 =	vld [tilespmem:s0+$0xB260];
	_ =	sdelay $0x2  }
0x3ff: {  	v1 =	vmul.f32 v2, v1;
	_ =	sdelay $0x1  }
0x400: {  	v1 =	vadd.f32 v1, v3  }
0x401: {  	s1 =	simm.s32 $0x400  }
0x402: {  	[tilespmem:s0+$0xB260] =	vst v1;
	v1 =	vmov s1  }
0x403: {  	[tilespmem:s14], [sflag:$0x2] =	stream.indirect.gather [hbm4b:s2+s12], $0x80, s25, s12, $0xb8;
	[tilespmem:$0x13200] =	vst v63  }
0x404: {  	_ =	swait.ge [sflag:s15], $0x4000  }
0x405: {  	[sflag:s15] =	ssyncset.done $0x0  }
0x406: {  	s1 =	smul.u32 $0xCCCD, s1;
	[sflag:s15] =	ssyncadd.s32 $0xFFFFC000  }
0x407: {  	s29 =	simm.s32 $0x3230;
	v3 =	vld.idx.msk [tilespmem:v1+s16+$0x0], $0xffff  }
0x408: {  	s0 =	sshrl.u32 s1, $0xB;
	v1 =	vld [tilespmem:s29+$0xFFFFFFD0]  }
0x409: {  	s30 =	sand.u32 $0xFF80, s0  }
0x40a: {  	v2 =	vld [tilespmem:s30+$0xB200];
	_ =	sdelay $0x2  }
0x40b: {  	v1 =	vmul.f32 v1, v3;
	_ =	sdelay $0x1  }
0x40c: {  	v1 =	vadd.f32 v1, v2;
	_ =	sdelay $0x1  }
0x40d: {  	[tilespmem:s30+$0xB200] =	vst v1  }
0x40e: {  	v1 =	vld [tilespmem:s29+$0xFFFFFFE0];
	_ =	sdelay $0x1  }
0x40f: {  	v2 =	vld [tilespmem:s30+$0xB210];
	_ =	sdelay $0x2  }
0x410: {  	v1 =	vmul.f32 v1, v3;
	_ =	sdelay $0x1  }
0x411: {  	v1 =	vadd.f32 v1, v2;
	_ =	sdelay $0x1  }
0x412: {  	[tilespmem:s30+$0xB210] =	vst v1  }
0x413: {  	v1 =	vld [tilespmem:s29+$0xFFFFFFF0];
	_ =	sdelay $0x1  }
0x414: {  	v2 =	vld [tilespmem:s30+$0xB220];
	_ =	sdelay $0x2  }
0x415: {  	v1 =	vmul.f32 v1, v3;
	_ =	sdelay $0x1  }
0x416: {  	v1 =	vadd.f32 v1, v2;
	_ =	sdelay $0x1  }
0x417: {  	[tilespmem:s30+$0xB220] =	vst v1  }
0x418: {  	v1 =	vld [tilespmem:s29+$0x0];
	_ =	sdelay $0x1  }
0x419: {  	v2 =	vld [tilespmem:s30+$0xB230];
	_ =	sdelay $0x2  }
0x41a: {  	v1 =	vmul.f32 v1, v3;
	_ =	sdelay $0x1  }
0x41b: {  	v1 =	vadd.f32 v1, v2;
	_ =	sdelay $0x1  }
0x41c: {  	[tilespmem:s30+$0xB230] =	vst v1  }
0x41d: {  	v1 =	vld [tilespmem:s29+$0x10];
	_ =	sdelay $0x1  }
0x41e: {  	v2 =	vld [tilespmem:s30+$0xB240];
	_ =	sdelay $0x2  }
0x41f: {  	v1 =	vmul.f32 v1, v3;
	_ =	sdelay $0x1  }
0x420: {  	v1 =	vadd.f32 v1, v2;
	_ =	sdelay $0x1  }
0x421: {  	[tilespmem:s30+$0xB240] =	vst v1  }
0x422: {  	v1 =	vld [tilespmem:s29+$0x20];
	_ =	sdelay $0x1  }
0x423: {  	v2 =	vld [tilespmem:s30+$0xB250];
	_ =	sdelay $0x2  }
0x424: {  	v1 =	vmul.f32 v1, v3;
	_ =	sdelay $0x1  }
0x425: {  	v1 =	vadd.f32 v1, v2;
	_ =	sdelay $0x1  }
0x426: {  	[tilespmem:s30+$0xB250] =	vst v1  }
0x427: {  	v4 =	vld [tilespmem:s29+$0x30];
	_ =	sdelay $0x1  }
0x428: {  	v2 =	vld [tilespmem:s30+$0xB260];
	_ =	sdelay $0x1  }
0x429: {  	s31 =	simm.s32 $0x401  }
0x42a: {  	s1 =	simm.s32 $0x402;
	v1 =	vmov s31;
	v3 =	vmul.f32 v4, v3  }
.LBB2_22:
0x42b: {  	p0 =	sne.s32 s1, $0x47F  }
0x42c: {  	v2 =	vadd.f32 v3, v2;
	_ =	sdelay $0x1  }
0x42d: {  	s0 =	smul.u32 $0xCCCD, s31;
	s31 =	smov.u32 s1;
	[tilespmem:s30+$0xB260] =	vst v2  }
0x42e: {  	s29 =	sadd.s32 $0x80, s29;
	v3 =	vld.idx.msk [tilespmem:v1+s16+$0x0], $0xffff  }
0x42f: {  	s0 =	sshrl.u32 s0, $0xB;
	v1 =	vld [tilespmem:s29+$0xFFFFFFD0]  }
0x430: {  	s30 =	sand.u32 $0xFF80, s0  }
0x431: {  	v2 =	vld [tilespmem:s30+$0xB200];
	_ =	sdelay $0x2  }
0x432: {  	v1 =	vmul.f32 v1, v3;
	_ =	sdelay $0x1  }
0x433: {  	v1 =	vadd.f32 v1, v2;
	_ =	sdelay $0x1  }
0x434: {  	[tilespmem:s30+$0xB200] =	vst v1  }
0x435: {  	v1 =	vld [tilespmem:s29+$0xFFFFFFE0];
	_ =	sdelay $0x1  }
0x436: {  	v2 =	vld [tilespmem:s30+$0xB210];
	_ =	sdelay $0x2  }
0x437: {  	v1 =	vmul.f32 v1, v3;
	_ =	sdelay $0x1  }
0x438: {  	v1 =	vadd.f32 v1, v2;
	_ =	sdelay $0x1  }
0x439: {  	[tilespmem:s30+$0xB210] =	vst v1  }
0x43a: {  	v1 =	vld [tilespmem:s29+$0xFFFFFFF0];
	_ =	sdelay $0x1  }
0x43b: {  	v2 =	vld [tilespmem:s30+$0xB220];
	_ =	sdelay $0x2  }
0x43c: {  	v1 =	vmul.f32 v1, v3;
	_ =	sdelay $0x1  }
0x43d: {  	v1 =	vadd.f32 v1, v2;
	_ =	sdelay $0x1  }
0x43e: {  	[tilespmem:s30+$0xB220] =	vst v1  }
0x43f: {  	v1 =	vld [tilespmem:s29+$0x0];
	_ =	sdelay $0x1  }
0x440: {  	v2 =	vld [tilespmem:s30+$0xB230];
	_ =	sdelay $0x2  }
0x441: {  	v1 =	vmul.f32 v1, v3;
	_ =	sdelay $0x1  }
0x442: {  	v1 =	vadd.f32 v1, v2;
	_ =	sdelay $0x1  }
0x443: {  	[tilespmem:s30+$0xB230] =	vst v1  }
0x444: {  	v1 =	vld [tilespmem:s29+$0x10];
	_ =	sdelay $0x1  }
0x445: {  	v2 =	vld [tilespmem:s30+$0xB240];
	_ =	sdelay $0x2  }
0x446: {  	v1 =	vmul.f32 v1, v3;
	_ =	sdelay $0x1  }
0x447: {  	v1 =	vadd.f32 v1, v2;
	_ =	sdelay $0x1  }
0x448: {  	[tilespmem:s30+$0xB240] =	vst v1  }
0x449: {  	v1 =	vld [tilespmem:s29+$0x20];
	_ =	sdelay $0x1  }
0x44a: {  	v2 =	vld [tilespmem:s30+$0xB250];
	_ =	sdelay $0x2  }
0x44b: {  	v1 =	vmul.f32 v1, v3;
	_ =	sdelay $0x1  }
0x44c: {  	v1 =	vadd.f32 v1, v2;
	_ =	sdelay $0x1  }
0x44d: {  	[tilespmem:s30+$0xB250] =	vst v1  }
0x44e: {  	v4 =	vld [tilespmem:s29+$0x30]  }
.Ltmp10:
0x44f: {  	(pc) =	sbr.rel @p0 .LBB2_22-.Ltmp10, $2  }
0x450: {  	v2 =	vld [tilespmem:s30+$0xB260];
	_ =	sdelay $0x2  }
0x451: {  	s1 =	sadd.s32 $0x1, s1;
	v1 =	vmov s31;
	v3 =	vmul.f32 v4, v3  }
0x452: {  	_ = 	snop  }
0x453: {  	v2 =	vadd.f32 v3, v2;
	_ =	sdelay $0x1  }
0x454: {  	s0 =	smul.u32 $0xCCCD, s31;
	[tilespmem:s30+$0xB260] =	vst v2  }
0x455: {  	s1 =	sadd.s32 $0x80, s29;
	v1 =	vld.idx.msk [tilespmem:v1+s16+$0x0], $0xffff  }
0x456: {  	s0 =	sshrl.u32 s0, $0xB;
	v2 =	vld [tilespmem:s1+$0xFFFFFFD0]  }
0x457: {  	s0 =	sand.u32 $0xFF80, s0  }
0x458: {  	v3 =	vld [tilespmem:s0+$0xB200];
	_ =	sdelay $0x2  }
0x459: {  	v2 =	vmul.f32 v2, v1;
	_ =	sdelay $0x1  }
0x45a: {  	v2 =	vadd.f32 v2, v3;
	_ =	sdelay $0x1  }
0x45b: {  	[tilespmem:s0+$0xB200] =	vst v2  }
0x45c: {  	v2 =	vld [tilespmem:s1+$0xFFFFFFE0];
	_ =	sdelay $0x1  }
0x45d: {  	v3 =	vld [tilespmem:s0+$0xB210];
	_ =	sdelay $0x2  }
0x45e: {  	v2 =	vmul.f32 v2, v1;
	_ =	sdelay $0x1  }
0x45f: {  	v2 =	vadd.f32 v2, v3;
	_ =	sdelay $0x1  }
0x460: {  	[tilespmem:s0+$0xB210] =	vst v2  }
0x461: {  	v2 =	vld [tilespmem:s1+$0xFFFFFFF0];
	_ =	sdelay $0x1  }
0x462: {  	v3 =	vld [tilespmem:s0+$0xB220];
	_ =	sdelay $0x2  }
0x463: {  	v2 =	vmul.f32 v2, v1;
	_ =	sdelay $0x1  }
0x464: {  	v2 =	vadd.f32 v2, v3;
	_ =	sdelay $0x1  }
0x465: {  	[tilespmem:s0+$0xB220] =	vst v2  }
0x466: {  	v2 =	vld [tilespmem:s1+$0x0];
	_ =	sdelay $0x1  }
0x467: {  	v3 =	vld [tilespmem:s0+$0xB230];
	_ =	sdelay $0x2  }
0x468: {  	v2 =	vmul.f32 v2, v1;
	_ =	sdelay $0x1  }
0x469: {  	v2 =	vadd.f32 v2, v3;
	_ =	sdelay $0x1  }
0x46a: {  	[tilespmem:s0+$0xB230] =	vst v2  }
0x46b: {  	v2 =	vld [tilespmem:s1+$0x10];
	_ =	sdelay $0x1  }
0x46c: {  	v3 =	vld [tilespmem:s0+$0xB240];
	_ =	sdelay $0x2  }
0x46d: {  	v2 =	vmul.f32 v2, v1;
	_ =	sdelay $0x1  }
0x46e: {  	v2 =	vadd.f32 v2, v3;
	_ =	sdelay $0x1  }
0x46f: {  	[tilespmem:s0+$0xB240] =	vst v2  }
0x470: {  	v2 =	vld [tilespmem:s1+$0x20];
	_ =	sdelay $0x1  }
0x471: {  	v3 =	vld [tilespmem:s0+$0xB250];
	_ =	sdelay $0x2  }
0x472: {  	v2 =	vmul.f32 v2, v1;
	_ =	sdelay $0x1  }
0x473: {  	v2 =	vadd.f32 v2, v3;
	_ =	sdelay $0x1  }
0x474: {  	[tilespmem:s0+$0xB250] =	vst v2  }
0x475: {  	v2 =	vld [tilespmem:s1+$0x30];
	_ =	sdelay $0x1  }
0x476: {  	v3 =	vld [tilespmem:s0+$0xB260];
	_ =	sdelay $0x2  }
0x477: {  	v1 =	vmul.f32 v2, v1;
	_ =	sdelay $0x1  }
0x478: {  	s1 =	simm.s32 $0x480;
	v1 =	vadd.f32 v1, v3  }
0x479: {  	v2 =	vmov s1  }
0x47a: {  	[tilespmem:s0+$0xB260] =	vst v1  }
0x47b: {  	_ =	swait.ge [sflag:s18], $0x4000  }
0x47c: {  	[sflag:s18] =	ssyncset.done $0x0  }
0x47d: {  	s1 =	smul.u32 $0xCCCD, s1;
	[sflag:s18] =	ssyncadd.s32 $0xFFFFC000  }
0x47e: {  	s29 =	simm.s32 $0x7230;
	v3 =	vld.idx.msk [tilespmem:v2+s16+$0x0], $0xffff  }
0x47f: {  	s0 =	sshrl.u32 s1, $0xB;
	v1 =	vld [tilespmem:s29+$0xFFFFFFD0]  }
0x480: {  	s30 =	sand.u32 $0xFF80, s0  }
0x481: {  	v2 =	vld [tilespmem:s30+$0xB200];
	_ =	sdelay $0x2  }
0x482: {  	v1 =	vmul.f32 v1, v3;
	_ =	sdelay $0x1  }
0x483: {  	v1 =	vadd.f32 v1, v2;
	_ =	sdelay $0x1  }
0x484: {  	[tilespmem:s30+$0xB200] =	vst v1  }
0x485: {  	v1 =	vld [tilespmem:s29+$0xFFFFFFE0];
	_ =	sdelay $0x1  }
0x486: {  	v2 =	vld [tilespmem:s30+$0xB210];
	_ =	sdelay $0x2  }
0x487: {  	v1 =	vmul.f32 v1, v3;
	_ =	sdelay $0x1  }
0x488: {  	v1 =	vadd.f32 v1, v2;
	_ =	sdelay $0x1  }
0x489: {  	[tilespmem:s30+$0xB210] =	vst v1  }
0x48a: {  	v1 =	vld [tilespmem:s29+$0xFFFFFFF0];
	_ =	sdelay $0x1  }
0x48b: {  	v2 =	vld [tilespmem:s30+$0xB220];
	_ =	sdelay $0x2  }
0x48c: {  	v1 =	vmul.f32 v1, v3;
	_ =	sdelay $0x1  }
0x48d: {  	v1 =	vadd.f32 v1, v2;
	_ =	sdelay $0x1  }
0x48e: {  	[tilespmem:s30+$0xB220] =	vst v1  }
0x48f: {  	v1 =	vld [tilespmem:s29+$0x0];
	_ =	sdelay $0x1  }
0x490: {  	v2 =	vld [tilespmem:s30+$0xB230];
	_ =	sdelay $0x2  }
0x491: {  	v1 =	vmul.f32 v1, v3;
	_ =	sdelay $0x1  }
0x492: {  	v1 =	vadd.f32 v1, v2;
	_ =	sdelay $0x1  }
0x493: {  	[tilespmem:s30+$0xB230] =	vst v1  }
0x494: {  	v1 =	vld [tilespmem:s29+$0x10];
	_ =	sdelay $0x1  }
0x495: {  	v2 =	vld [tilespmem:s30+$0xB240];
	_ =	sdelay $0x2  }
0x496: {  	v1 =	vmul.f32 v1, v3;
	_ =	sdelay $0x1  }
0x497: {  	v1 =	vadd.f32 v1, v2;
	_ =	sdelay $0x1  }
0x498: {  	[tilespmem:s30+$0xB240] =	vst v1  }
0x499: {  	v1 =	vld [tilespmem:s29+$0x20];
	_ =	sdelay $0x1  }
0x49a: {  	v2 =	vld [tilespmem:s30+$0xB250];
	_ =	sdelay $0x2  }
0x49b: {  	v1 =	vmul.f32 v1, v3;
	_ =	sdelay $0x1  }
0x49c: {  	v1 =	vadd.f32 v1, v2;
	_ =	sdelay $0x1  }
0x49d: {  	[tilespmem:s30+$0xB250] =	vst v1  }
0x49e: {  	v4 =	vld [tilespmem:s29+$0x30];
	_ =	sdelay $0x1  }
0x49f: {  	v2 =	vld [tilespmem:s30+$0xB260];
	_ =	sdelay $0x1  }
0x4a0: {  	s31 =	simm.s32 $0x481  }
0x4a1: {  	s1 =	simm.s32 $0x482;
	v1 =	vmov s31;
	v3 =	vmul.f32 v4, v3  }
.LBB2_24:
0x4a2: {  	p0 =	sne.s32 s1, $0x4FF  }
0x4a3: {  	v2 =	vadd.f32 v3, v2;
	_ =	sdelay $0x1  }
0x4a4: {  	s0 =	smul.u32 $0xCCCD, s31;
	s31 =	smov.u32 s1;
	[tilespmem:s30+$0xB260] =	vst v2  }
0x4a5: {  	s29 =	sadd.s32 $0x80, s29;
	v3 =	vld.idx.msk [tilespmem:v1+s16+$0x0], $0xffff  }
0x4a6: {  	s0 =	sshrl.u32 s0, $0xB;
	v1 =	vld [tilespmem:s29+$0xFFFFFFD0]  }
0x4a7: {  	s30 =	sand.u32 $0xFF80, s0  }
0x4a8: {  	v2 =	vld [tilespmem:s30+$0xB200];
	_ =	sdelay $0x2  }
0x4a9: {  	v1 =	vmul.f32 v1, v3;
	_ =	sdelay $0x1  }
0x4aa: {  	v1 =	vadd.f32 v1, v2;
	_ =	sdelay $0x1  }
0x4ab: {  	[tilespmem:s30+$0xB200] =	vst v1  }
0x4ac: {  	v1 =	vld [tilespmem:s29+$0xFFFFFFE0];
	_ =	sdelay $0x1  }
0x4ad: {  	v2 =	vld [tilespmem:s30+$0xB210];
	_ =	sdelay $0x2  }
0x4ae: {  	v1 =	vmul.f32 v1, v3;
	_ =	sdelay $0x1  }
0x4af: {  	v1 =	vadd.f32 v1, v2;
	_ =	sdelay $0x1  }
0x4b0: {  	[tilespmem:s30+$0xB210] =	vst v1  }
0x4b1: {  	v1 =	vld [tilespmem:s29+$0xFFFFFFF0];
	_ =	sdelay $0x1  }
0x4b2: {  	v2 =	vld [tilespmem:s30+$0xB220];
	_ =	sdelay $0x2  }
0x4b3: {  	v1 =	vmul.f32 v1, v3;
	_ =	sdelay $0x1  }
0x4b4: {  	v1 =	vadd.f32 v1, v2;
	_ =	sdelay $0x1  }
0x4b5: {  	[tilespmem:s30+$0xB220] =	vst v1  }
0x4b6: {  	v1 =	vld [tilespmem:s29+$0x0];
	_ =	sdelay $0x1  }
0x4b7: {  	v2 =	vld [tilespmem:s30+$0xB230];
	_ =	sdelay $0x2  }
0x4b8: {  	v1 =	vmul.f32 v1, v3;
	_ =	sdelay $0x1  }
0x4b9: {  	v1 =	vadd.f32 v1, v2;
	_ =	sdelay $0x1  }
0x4ba: {  	[tilespmem:s30+$0xB230] =	vst v1  }
0x4bb: {  	v1 =	vld [tilespmem:s29+$0x10];
	_ =	sdelay $0x1  }
0x4bc: {  	v2 =	vld [tilespmem:s30+$0xB240];
	_ =	sdelay $0x2  }
0x4bd: {  	v1 =	vmul.f32 v1, v3;
	_ =	sdelay $0x1  }
0x4be: {  	v1 =	vadd.f32 v1, v2;
	_ =	sdelay $0x1  }
0x4bf: {  	[tilespmem:s30+$0xB240] =	vst v1  }
0x4c0: {  	v1 =	vld [tilespmem:s29+$0x20];
	_ =	sdelay $0x1  }
0x4c1: {  	v2 =	vld [tilespmem:s30+$0xB250];
	_ =	sdelay $0x2  }
0x4c2: {  	v1 =	vmul.f32 v1, v3;
	_ =	sdelay $0x1  }
0x4c3: {  	v1 =	vadd.f32 v1, v2;
	_ =	sdelay $0x1  }
0x4c4: {  	[tilespmem:s30+$0xB250] =	vst v1  }
0x4c5: {  	v4 =	vld [tilespmem:s29+$0x30]  }
.Ltmp11:
0x4c6: {  	(pc) =	sbr.rel @p0 .LBB2_24-.Ltmp11, $2  }
0x4c7: {  	v2 =	vld [tilespmem:s30+$0xB260];
	_ =	sdelay $0x2  }
0x4c8: {  	s1 =	sadd.s32 $0x1, s1;
	v1 =	vmov s31;
	v3 =	vmul.f32 v4, v3  }
0x4c9: {  	_ = 	snop  }
0x4ca: {  	v2 =	vadd.f32 v3, v2;
	_ =	sdelay $0x1  }
0x4cb: {  	s0 =	smul.u32 $0xCCCD, s31;
	[tilespmem:s30+$0xB260] =	vst v2  }
0x4cc: {  	s1 =	sadd.s32 $0x80, s29;
	v1 =	vld.idx.msk [tilespmem:v1+s16+$0x0], $0xffff  }
0x4cd: {  	s0 =	sshrl.u32 s0, $0xB;
	v2 =	vld [tilespmem:s1+$0xFFFFFFD0]  }
0x4ce: {  	s0 =	sand.u32 $0xFF80, s0  }
0x4cf: {  	v3 =	vld [tilespmem:s0+$0xB200];
	_ =	sdelay $0x2  }
0x4d0: {  	v2 =	vmul.f32 v2, v1;
	_ =	sdelay $0x1  }
0x4d1: {  	v2 =	vadd.f32 v2, v3;
	_ =	sdelay $0x1  }
0x4d2: {  	[tilespmem:s0+$0xB200] =	vst v2  }
0x4d3: {  	v2 =	vld [tilespmem:s1+$0xFFFFFFE0];
	_ =	sdelay $0x1  }
0x4d4: {  	v3 =	vld [tilespmem:s0+$0xB210];
	_ =	sdelay $0x2  }
0x4d5: {  	v2 =	vmul.f32 v2, v1;
	_ =	sdelay $0x1  }
0x4d6: {  	v2 =	vadd.f32 v2, v3;
	_ =	sdelay $0x1  }
0x4d7: {  	[tilespmem:s0+$0xB210] =	vst v2  }
0x4d8: {  	v2 =	vld [tilespmem:s1+$0xFFFFFFF0];
	_ =	sdelay $0x1  }
0x4d9: {  	v3 =	vld [tilespmem:s0+$0xB220];
	_ =	sdelay $0x2  }
0x4da: {  	v2 =	vmul.f32 v2, v1;
	_ =	sdelay $0x1  }
0x4db: {  	v2 =	vadd.f32 v2, v3;
	_ =	sdelay $0x1  }
0x4dc: {  	[tilespmem:s0+$0xB220] =	vst v2  }
0x4dd: {  	v2 =	vld [tilespmem:s1+$0x0];
	_ =	sdelay $0x1  }
0x4de: {  	v3 =	vld [tilespmem:s0+$0xB230];
	_ =	sdelay $0x2  }
0x4df: {  	v2 =	vmul.f32 v2, v1;
	_ =	sdelay $0x1  }
0x4e0: {  	v2 =	vadd.f32 v2, v3;
	_ =	sdelay $0x1  }
0x4e1: {  	[tilespmem:s0+$0xB230] =	vst v2  }
0x4e2: {  	v2 =	vld [tilespmem:s1+$0x10];
	_ =	sdelay $0x1  }
0x4e3: {  	v3 =	vld [tilespmem:s0+$0xB240];
	_ =	sdelay $0x2  }
0x4e4: {  	v2 =	vmul.f32 v2, v1;
	_ =	sdelay $0x1  }
0x4e5: {  	v2 =	vadd.f32 v2, v3;
	_ =	sdelay $0x1  }
0x4e6: {  	[tilespmem:s0+$0xB240] =	vst v2  }
0x4e7: {  	v2 =	vld [tilespmem:s1+$0x20];
	_ =	sdelay $0x1  }
0x4e8: {  	v3 =	vld [tilespmem:s0+$0xB250];
	_ =	sdelay $0x2  }
0x4e9: {  	v2 =	vmul.f32 v2, v1;
	_ =	sdelay $0x1  }
0x4ea: {  	v2 =	vadd.f32 v2, v3;
	_ =	sdelay $0x1  }
0x4eb: {  	[tilespmem:s0+$0xB250] =	vst v2  }
0x4ec: {  	v2 =	vld [tilespmem:s1+$0x30];
	_ =	sdelay $0x1  }
0x4ed: {  	v3 =	vld [tilespmem:s0+$0xB260];
	_ =	sdelay $0x2  }
0x4ee: {  	v1 =	vmul.f32 v2, v1;
	_ =	sdelay $0x1  }
0x4ef: {  	s28 =	sadd.s32 $0x1, s28;
	v1 =	vadd.f32 v1, v3  }
0x4f0: {  	p0 =	sne.s32 s28, s8  }
.Ltmp12:
0x4f1: {  	[tilespmem:s0+$0xB260] =	vst v1;
	(pc) =	sbr.rel @p0 .LBB2_1-.Ltmp12, $4  }
0x4f2: {  	[hbm4b:s7+s3] =	stream.linear.scatter [tilespmem:s26], [sflag:$0x3], $0x8000, $0x38;
	[tilespmem:$0x13200] =	vst v63  }
0x4f3: {  	_ =	swait.ge [sflag:s10], $0x8000  }
0x4f4: {  	[sflag:s10] =	ssyncset.done $0x0  }
0x4f5: {  	[sflag:s10] =	ssyncadd.s32 $0xFFFF8000  }
0x4f6: {  	_ =	sfence.sel $0x180000  }
0x4f7: {  	[bflag:$0x0] =	sbarrier.arrive $0xFFFF  }
0x4f8: {  	_ =	strace $0x90000047  }
0x4f9: {  	s0 =	stileid.u32;
	[bflag:$0x2] =	sbarrier.arrive $0xFFFF  }
0x4fa: {  	p0 =	sne.s32 s0, $0x0;
	s0 =	rddreg [dreg:$0x2]  }
0x4fb: {  	s0 =	sadd.s32 @!p0 $0x100000, s0  }
0x4fc: {  	[sflag:s0] =	ssyncadd.tile.s32 @!p0 $0x1;
	_ =	shalt  }
.Lfunc_end2:
_tile_overlayer_lowered:
.L_overlay_start_2:
0x4fd: {  	(tag) =	ssettag $0x2  }
0x4fe: {  	s0 =	rddreg [dreg:$0x0];
	s2 =	stileid.u32  }
0x4ff: {  	s1 =	rddreg [dreg:$0x1];
	p0 =	sne.s32 s2, $0x0  }
0x500: {  	s3 =	rddreg [dreg:$0x2];
	[bflag:$0x3] =	sbarrier.arrive $0xFFFF;
	s2 =	simm.s32 @!p0 $0x1C03  }
0x501: {  	[timem:s3], [sflag:s2] =	dma.local @!p0 [hbm:s0], s1  }
0x502: {  	s0 =	simm.s32 @!p0 $0x3  }
0x503: {  	_ =	swait.ge @!p0 [sflag:s0], s1  }
0x504: {  	s1 =	ssub.s32 @!p0 $0x0, s1;
	[sflag:s0] =	ssyncset.done @!p0 $0x0  }
0x505: {  	[sflag:s0] =	ssyncadd.s32 @!p0 s1  }
0x506: {  	[bflag:$0x3] =	sbarrier.arrive $0xFFFF  }
0x507: {  	_ =	shalt  }

</sc_bundles>
